<compile_context>
chip_gen: v7x
topology: tpu7x:2x2x1
jax: 0.10.2.dev20260603
libtpu: 0.0.44.dev20260713+nightly
codegen_flags: <defaults>
</compile_context>

<pallas_src>
import jax
import jax.numpy as jnp
from jax import lax
from jax.experimental import pallas as pl
from jax.experimental.pallas import tpu as pltpu
from jax.experimental.pallas import tpu_sc as plsc

_N = 10000
_E = 160000
_D = 256
_H = 4
_F = 64
_HF = _H * _F
_NEG = 0.2
_NC = 2
_NS = 16
_L = 16

_CH = 128
_NCHA = _E // _CH
_TRIPA = (_NCHA + _NS - 1) // _NS
_CB = 128
_NCHB = _E // _CB
_TRIPB = (_NCHB + _NS - 1) // _NS


def _proj_body(x_ref, qt_ref, ws_ref, bs_ref, wq_ref, bq_ref,
               s0_ref, s1_ref, q0_ref, q1_ref):
    s = jnp.dot(x_ref[...], ws_ref[...],
                preferred_element_type=jnp.float32) + bs_ref[...]
    q = jnp.dot(qt_ref[...], wq_ref[...],
                preferred_element_type=jnp.float32) + bq_ref[...]
    s0_ref[...] = s[:, :128]
    s1_ref[...] = s[:, 128:]
    q0_ref[...] = q[:, :128]
    q1_ref[...] = q[:, 128:]


def _project(x, qual_table, W_src, b_src, W_qual, b_qual):
    nb = 1000
    grid = _N // nb
    return pl.pallas_call(
        _proj_body,
        grid=(grid,),
        in_specs=[
            pl.BlockSpec((nb, _D), lambda i: (i, 0)),
            pl.BlockSpec((nb, _D), lambda i: (i, 0)),
            pl.BlockSpec((_D, _HF), lambda i: (0, 0)),
            pl.BlockSpec((1, _HF), lambda i: (0, 0)),
            pl.BlockSpec((_D, _HF), lambda i: (0, 0)),
            pl.BlockSpec((1, _HF), lambda i: (0, 0)),
        ],
        out_specs=[
            pl.BlockSpec((nb, 128), lambda i: (i, 0)),
            pl.BlockSpec((nb, 128), lambda i: (i, 0)),
            pl.BlockSpec((nb, 128), lambda i: (i, 0)),
            pl.BlockSpec((nb, 128), lambda i: (i, 0)),
        ],
        out_shape=[jax.ShapeDtypeStruct((_N, 128), jnp.float32)] * 4,
    )(x, qual_table, W_src, b_src, W_qual, b_qual)


def _stage_a_body(sh0, sh1, qh0, qh1, src_h, nid_h, dst_h, attn_h, z128_h,
                  ee0_o, ee1_o, s0_o, s1_o,
                  attn_v, src_v, nid_v, dst_v, srows, qrows, eebuf, eew,
                  sem1, sem2, stbl):
    cid = lax.axis_index("c")
    sid = lax.axis_index("s")
    pltpu.sync_copy(attn_h, attn_v)
    pltpu.sync_copy(z128_h.at[pl.ds(0, _CH)], eew)

    @pl.when(sid == 0)
    def _():
        pltpu.sync_copy(z128_h, stbl)

    plsc.subcore_barrier()

    lanes = lax.iota(jnp.int32, _L)
    half = cid * 128

    def chunk(i, carry):
        ci = sid + i * _NS

        @pl.when(ci < _NCHA)
        def _():
            base = ci * _CH
            pltpu.sync_copy(src_h.at[pl.ds(base, _CH)], src_v)
            pltpu.sync_copy(nid_h.at[pl.ds(base, _CH)], nid_v)
            pltpu.sync_copy(dst_h.at[pl.ds(base, _CH)], dst_v)

            @pl.when(cid == 0)
            def _():
                a = pltpu.async_copy(sh0.at[src_v], srows, sem1)
                b = pltpu.async_copy(qh0.at[nid_v], qrows, sem2)
                a.wait()
                b.wait()

            @pl.when(cid == 1)
            def _():
                a = pltpu.async_copy(sh1.at[src_v], srows, sem1)
                b = pltpu.async_copy(qh1.at[nid_v], qrows, sem2)
                a.wait()
                b.wait()

            def grp(g, c2):
                e16 = g * _L + lanes
                for j in range(2):
                    def fbody(f2, acc, _j=j):
                        col = jnp.full((_L,), _j * _F, jnp.int32) + f2
                        sv = plsc.load_gather(srows, [e16, col])
                        qv = plsc.load_gather(qrows, [e16, col])
                        u = sv + qv
                        u = jnp.where(u >= 0.0, u, _NEG * u)
                        av = plsc.load_gather(attn_v, [half + col])
                        return acc + u * av
                    acc = lax.fori_loop(0, _F, fbody,
                                        jnp.zeros((_L,), jnp.float32))
                    ee = jnp.exp(acc)
                    jc = jnp.full((_L,), j, jnp.int32)
                    plsc.store_scatter(eebuf, [jc, e16], ee)
                    plsc.store_scatter(eew, [e16, jc], ee)
                return c2

            lax.fori_loop(0, _CH // _L, grp, 0)

            @pl.when(cid == 0)
            def _():
                pltpu.sync_copy(eebuf, ee0_o.at[:, pl.ds(base, _CH)])

            @pl.when(cid == 1)
            def _():
                pltpu.sync_copy(eebuf, ee1_o.at[:, pl.ds(base, _CH)])

            pltpu.sync_copy(eew, stbl.at[dst_v], add=True)

        return carry

    lax.fori_loop(0, _TRIPA, chunk, 0)
    plsc.subcore_barrier()

    @pl.when(jnp.logical_and(sid == 0, cid == 0))
    def _():
        pltpu.sync_copy(stbl, s0_o)

    @pl.when(jnp.logical_and(sid == 0, cid == 1))
    def _():
        pltpu.sync_copy(stbl, s1_o)


_stage_a = pl.kernel(
    _stage_a_body,
    out_type=[
        jax.ShapeDtypeStruct((2, _E), jnp.float32),
        jax.ShapeDtypeStruct((2, _E), jnp.float32),
        jax.ShapeDtypeStruct((_N, 128), jnp.float32),
        jax.ShapeDtypeStruct((_N, 128), jnp.float32),
    ],
    mesh=plsc.VectorSubcoreMesh(core_axis_name="c", subcore_axis_name="s",
                                num_cores=_NC, num_subcores=_NS),
    compiler_params=pltpu.CompilerParams(needs_layout_passes=False),
    scratch_types=[
        pltpu.VMEM((_HF,), jnp.float32),
        pltpu.VMEM((_CH,), jnp.int32),
        pltpu.VMEM((_CH,), jnp.int32),
        pltpu.VMEM((_CH,), jnp.int32),
        pltpu.VMEM((_CH, 128), jnp.float32),
        pltpu.VMEM((_CH, 128), jnp.float32),
        pltpu.VMEM((2, _CH), jnp.float32),
        pltpu.VMEM((_CH, 128), jnp.float32),
        pltpu.SemaphoreType.DMA,
        pltpu.SemaphoreType.DMA,
        pltpu.VMEM_SHARED((_N, 128), jnp.float32),
    ],
)


def _stage_b_body(xh0, xh1, ee0_h, ee1_h, s0_h, s1_h, ei_h, z128_h,
                  out0_o, out1_o,
                  eiv, src_v, dst_v, xrows, eev, sv, valbuf,
                  sem1, sem2, acc):
    cid = lax.axis_index("c")
    sid = lax.axis_index("s")
    lanes = lax.iota(jnp.int32, _L)

    for j in range(2):
        for ph in range(2):
            xh = xh0 if ph == 0 else xh1

            @pl.when(sid == 0)
            def _():
                pltpu.sync_copy(z128_h, acc)

            plsc.subcore_barrier()

            def chunk(i, carry, _j=j, _xh=xh):
                ci = sid + i * _NS

                @pl.when(ci < _NCHB)
                def _():
                    base = ci * _CB
                    pltpu.sync_copy(ei_h.at[:, pl.ds(base, _CB)], eiv)

                    def cidx(g, c4):
                        e16 = g * _L + lanes
                        s_ = plsc.load_gather(
                            eiv, [jnp.full((_L,), 0, jnp.int32), e16])
                        plsc.store_scatter(src_v, [e16], s_)
                        d_ = plsc.load_gather(
                            eiv, [jnp.full((_L,), 1, jnp.int32), e16])
                        plsc.store_scatter(dst_v, [e16], d_)
                        return c4

                    lax.fori_loop(0, _CB // _L, cidx, 0)
                    g1 = pltpu.async_copy(_xh.at[src_v], xrows, sem1)

                    @pl.when(cid == 0)
                    def _():
                        pltpu.sync_copy(ee0_h.at[:, pl.ds(base, _CB)], eev)
                        pltpu.async_copy(s0_h.at[dst_v], sv, sem2).wait()

                    @pl.when(cid == 1)
                    def _():
                        pltpu.sync_copy(ee1_h.at[:, pl.ds(base, _CB)], eev)
                        pltpu.async_copy(s1_h.at[dst_v], sv, sem2).wait()

                    g1.wait()

                    def grp(g, c2):
                        e16 = g * _L + lanes
                        jc = jnp.full((_L,), _j, jnp.int32)
                        eej = plsc.load_gather(eev, [jc, e16])
                        ssj = plsc.load_gather(sv, [e16, jc])
                        aj = eej / (ssj + 1e-9)

                        def fbody(f, c3):
                            fc = jnp.full((_L,), f, jnp.int32)
                            xv = plsc.load_gather(xrows, [e16, fc])
                            plsc.store_scatter(valbuf, [e16, fc], aj * xv)
                            return c3

                        lax.fori_loop(0, 128, fbody, 0)
                        return c2

                    lax.fori_loop(0, _CB // _L, grp, 0)
                    pltpu.sync_copy(valbuf, acc.at[dst_v], add=True)

                return carry

            lax.fori_loop(0, _TRIPB, chunk, 0)
            plsc.subcore_barrier()

            @pl.when(jnp.logical_and(sid == 0, cid == 0))
            def _():
                pltpu.sync_copy(acc, out0_o.at[j, ph])

            @pl.when(jnp.logical_and(sid == 0, cid == 1))
            def _():
                pltpu.sync_copy(acc, out1_o.at[j, ph])

            plsc.subcore_barrier()


_stage_b = pl.kernel(
    _stage_b_body,
    out_type=[
        jax.ShapeDtypeStruct((2, 2, _N, 128), jnp.float32),
        jax.ShapeDtypeStruct((2, 2, _N, 128), jnp.float32),
    ],
    mesh=plsc.VectorSubcoreMesh(core_axis_name="c", subcore_axis_name="s",
                                num_cores=_NC, num_subcores=_NS),
    compiler_params=pltpu.CompilerParams(needs_layout_passes=False),
    scratch_types=[
        pltpu.VMEM((2, _CB), jnp.int32),
        pltpu.VMEM((_CB,), jnp.int32),
        pltpu.VMEM((_CB,), jnp.int32),
        pltpu.VMEM((_CB, 128), jnp.float32),
        pltpu.VMEM((2, _CB), jnp.float32),
        pltpu.VMEM((_CB, 128), jnp.float32),
        pltpu.VMEM((_CB, 128), jnp.float32),
        pltpu.SemaphoreType.DMA,
        pltpu.SemaphoreType.DMA,
        pltpu.VMEM_SHARED((_N, 128), jnp.float32),
    ],
)


def kernel(x, edge_index, nid, W_src, b_src, qual_table, W_qual, b_qual,
           attn):
    src = edge_index[0]
    dst = edge_index[1]
    sh0, sh1, qh0, qh1 = _project(x, qual_table, W_src,
                                  b_src.reshape(1, _HF), W_qual,
                                  b_qual.reshape(1, _HF))
    attn_f = attn.reshape(_HF)
    z128 = jnp.zeros((_N, 128), jnp.float32)
    ee0, ee1, s0, s1 = _stage_a(sh0, sh1, qh0, qh1, src, nid, dst, attn_f,
                                z128)
    xh0 = x[:, :128]
    xh1 = x[:, 128:]
    out0, out1 = _stage_b(xh0, xh1, ee0, ee1, s0, s1, edge_index, z128)
    o = jnp.stack([out0, out1])
    rst = o.transpose(3, 0, 1, 2, 4).reshape(_N, _H, _D)
    return rst

# --- scband reference (transcript-rebuilt; emitter-appended) ---
"""Pipeline reference for scband-model-53893249630756 (READ-ONLY COPY).

The authoritative reference and input builder live on the scoring server;
editing this copy changes nothing except your own understanding.
"""

import jax, jax.numpy as jnp
import numpy as np

N = 10000   # n_nodes
E = 160000  # n_edges
D = 256     # in_feats / node_dim
H = 4       # num_heads
F = 64      # attention_feats
NEG_SLOPE = 0.2


def setup_inputs(seed: int = 0) -> dict:
    key = jax.random.key(seed)
    ks = jax.random.split(key, 9)
    x = jax.random.normal(ks[0], (N, D), dtype=jnp.float32)
    edge_index = jax.random.randint(ks[1], (2, E), 0, N, dtype=jnp.int32)
    nid = jax.random.randint(ks[2], (E,), 0, N, dtype=jnp.int32)
    # learned parameters (HEARConv 'narre' aggregator)
    W_src = jax.random.normal(ks[3], (D, H * F), dtype=jnp.float32) * 0.05
    b_src = jnp.zeros((H * F,), dtype=jnp.float32)
    qual_table = jax.random.normal(ks[4], (N, D), dtype=jnp.float32) * 0.05  # node_quality embedding
    W_qual = jax.random.normal(ks[5], (D, H * F), dtype=jnp.float32) * 0.05
    b_qual = jnp.zeros((H * F,), dtype=jnp.float32)
    attn = jax.random.normal(ks[6], (1, H, F), dtype=jnp.float32) * 0.05
    return {
        "x": x,
        "edge_index": edge_index,
        "nid": nid,
        "W_src": W_src,
        "b_src": b_src,
        "qual_table": qual_table,
        "W_qual": W_qual,
        "b_qual": b_qual,
        "attn": attn,
    }


def reference(x, edge_index, nid, W_src, b_src, qual_table, W_qual, b_qual, attn):
    src = edge_index[0]
    dst = edge_index[1]
    # feat_src = fc_src(h_src).view(-1, H, F); dropout is identity (p=0 / eval)
    feat_src = (x @ W_src + b_src).reshape(N, H, F)
    # h_qual = node_quality(nid); feat_qual = fc_qual(h_qual).view(-1, H, F)
    h_qual = jnp.take(qual_table, nid, axis=0)               # gather  [E, D]
    feat_qual = (h_qual @ W_qual + b_qual).reshape(E, H, F)
    # e = leaky_relu(u_add_e(el, qual))
    e = jnp.take(feat_src, src, axis=0) + feat_qual          # gather  [E, H, F]
    e = jax.nn.leaky_relu(e, negative_slope=NEG_SLOPE)
    # e = (e * attn).sum(-1).unsqueeze(2)
    e = jnp.sum(e * attn, axis=-1, keepdims=True)            # [E, H, 1]
    # edge_softmax over destination nodes
    m = jax.ops.segment_max(e, dst, num_segments=N)          # segment max [N, H, 1]
    m = jnp.where(jnp.isfinite(m), m, jnp.zeros_like(m))
    ee = jnp.exp(e - jnp.take(m, dst, axis=0))
    s = jax.ops.segment_sum(ee, dst, num_segments=N)         # segment sum [N, H, 1]
    a = ee / (jnp.take(s, dst, axis=0) + 1e-9)               # [E, H, 1]
    # srcdata['el'] = h_src (raw features); u_mul_e + sum aggregation
    msg = jnp.take(x, src, axis=0)[:, None, :] * a           # [E, H, D]
    rst = jax.ops.segment_sum(msg, dst, num_segments=N)      # scatter-add [N, H, D]
    return rst

if __name__ == "__main__":
    import jax
    _d = setup_inputs()
    print(jax.jit(kernel)(*tuple(_d.values())))

</pallas_src>

<mosaic_0001>
#map = affine_map<(d0, d1) -> (0, 0)>
#map1 = affine_map<(d0, d1) -> (0, 0, 0, 0)>
module attributes {stable_mosaic.version = 14 : i64} {
  func.func @_stage_b_body(%arg0: i32, %arg1: i32, %arg2: memref<10000x128xf32, #tpu.memory_space<hbm>>, %arg3: memref<10000x128xf32, #tpu.memory_space<hbm>>, %arg4: memref<2x160000xf32, #tpu.memory_space<hbm>>, %arg5: memref<2x160000xf32, #tpu.memory_space<hbm>>, %arg6: memref<10000x128xf32, #tpu.memory_space<hbm>>, %arg7: memref<10000x128xf32, #tpu.memory_space<hbm>>, %arg8: memref<2x160000xi32, #tpu.memory_space<hbm>>, %arg9: memref<10000x128xf32, #tpu.memory_space<hbm>>, %arg10: memref<2x2x10000x128xf32, #tpu.memory_space<hbm>>, %arg11: memref<2x2x10000x128xf32, #tpu.memory_space<hbm>>, %arg12: memref<2x128xi32, #tpu.memory_space<vmem>>, %arg13: memref<128xi32, #tpu.memory_space<vmem>>, %arg14: memref<128xi32, #tpu.memory_space<vmem>>, %arg15: memref<128x128xf32, #tpu.memory_space<vmem>>, %arg16: memref<2x128xf32, #tpu.memory_space<vmem>>, %arg17: memref<128x128xf32, #tpu.memory_space<vmem>>, %arg18: memref<128x128xf32, #tpu.memory_space<vmem>>, %arg19: memref<!tpu.dma_semaphore, #tpu.memory_space<semaphore_mem>>, %arg20: memref<!tpu.dma_semaphore, #tpu.memory_space<semaphore_mem>>, %arg21: memref<10000x128xf32, #tpu.memory_space<vmem_shared>>) attributes {dimension_semantics = [#tpu.dimension_semantics<core_parallel>, #tpu.dimension_semantics<subcore_parallel>], iteration_bounds = array<i64: 2, 16>, scalar_prefetch = 0 : i64, scratch_operands = 10 : i64, tpu.core_type = #tpu.core_type<sc_vector_subcore>, window_params = [{transform_indices = #map}, {transform_indices = #map}, {transform_indices = #map}, {transform_indices = #map}, {transform_indices = #map}, {transform_indices = #map}, {transform_indices = #map}, {transform_indices = #map}, {transform_indices = #map1}, {transform_indices = #map1}]} {
    %iota3A = tpu.iota {dimensions = array<i32: 0>} : vector<16xi32>
    %eq3A = arith.constant 0 : i32
    %eq3A_0 = arith.cmpi eq, %arg1, %eq3A : i32
    %convert_element_type3A = arith.extui %eq3A_0 : i1 to i32
    %cond3A = arith.constant 0 : i32
    %cond3A_1 = arith.cmpi ne, %convert_element_type3A, %cond3A : i32
    scf.if %cond3A_1 {
      "tpu.region"() ({
        %run_scoped3A = tpu.sem_alloc : memref<!tpu.dma_semaphore, #tpu.memory_space<semaphore_mem>>
        tpu.enqueue_dma source(%arg9 : memref<10000x128xf32, #tpu.memory_space<hbm>>) target(%arg21 : memref<10000x128xf32, #tpu.memory_space<vmem_shared>>) target_semaphore(%run_scoped3A : memref<!tpu.dma_semaphore, #tpu.memory_space<semaphore_mem>>)
        tpu.wait_dma2 semaphore(%run_scoped3A : memref<!tpu.dma_semaphore, #tpu.memory_space<semaphore_mem>>) src(%arg9 : memref<10000x128xf32, #tpu.memory_space<hbm>>) dst(%arg21 : memref<10000x128xf32, #tpu.memory_space<vmem_shared>>)
        tpu.yield
      }) : () -> ()
    } else {
    }
    %barrier3A = arith.constant 0 : index
    tpu.barrier barrier_id(%barrier3A)
    %scan3A = arith.constant 0 : i32
    %scan3A_2 = arith.constant 0 : i32
    %scan3A_3 = arith.constant 79 : i32
    %scan3A_4 = arith.addi %scan3A_2, %scan3A_3 : i32
    %scan3A_5 = arith.constant 1 : i32
    scf.for %scan3A_114 = %scan3A_2 to %scan3A_4 step %scan3A_5  : i32 {
      %mul3A = arith.constant 16 : i32
      %mul3A_115 = arith.muli %scan3A_114, %mul3A : i32
      %add3A = arith.addi %arg1, %mul3A_115 : i32
      %lt3A = arith.constant 1250 : i32
      %lt3A_116 = arith.cmpi slt, %add3A, %lt3A : i32
      %convert_element_type3A_117 = arith.extui %lt3A_116 : i1 to i32
      %cond3A_118 = arith.constant 0 : i32
      %cond3A_119 = arith.cmpi ne, %convert_element_type3A_117, %cond3A_118 : i32
      scf.if %cond3A_119 {
        %mul3A_120 = arith.constant 128 : i32
        %mul3A_121 = arith.muli %add3A, %mul3A_120 : i32
        "tpu.region"() ({
          %run_scoped3A = tpu.sem_alloc : memref<!tpu.dma_semaphore, #tpu.memory_space<semaphore_mem>>
          %dma_start3A_148 = arith.constant 0 : i32
          %dma_start3A_149 = tpu.memref_slice %arg8[%dma_start3A_148, %mul3A_121] : memref<2x160000xi32, #tpu.memory_space<hbm>> -> memref<2x128xi32, #tpu.memory_space<hbm>>
          %dma_start3A_150 = arith.constant 0 : i32
          %dma_start3A_151 = tpu.memref_slice %arg8[%dma_start3A_150, %mul3A_121] : memref<2x160000xi32, #tpu.memory_space<hbm>> -> memref<2x128xi32, #tpu.memory_space<hbm>>
          tpu.enqueue_dma source(%dma_start3A_151 : memref<2x128xi32, #tpu.memory_space<hbm>>) target(%arg12 : memref<2x128xi32, #tpu.memory_space<vmem>>) target_semaphore(%run_scoped3A : memref<!tpu.dma_semaphore, #tpu.memory_space<semaphore_mem>>)
          %dma_wait3A_152 = arith.constant 0 : i32
          %dma_wait3A_153 = tpu.memref_slice %arg8[%dma_wait3A_152, %mul3A_121] : memref<2x160000xi32, #tpu.memory_space<hbm>> -> memref<2x128xi32, #tpu.memory_space<hbm>>
          %dma_wait3A_154 = arith.constant 0 : i32
          %dma_wait3A_155 = tpu.memref_slice %arg8[%dma_wait3A_154, %mul3A_121] : memref<2x160000xi32, #tpu.memory_space<hbm>> -> memref<2x128xi32, #tpu.memory_space<hbm>>
          tpu.wait_dma2 semaphore(%run_scoped3A : memref<!tpu.dma_semaphore, #tpu.memory_space<semaphore_mem>>) src(%dma_wait3A_155 : memref<2x128xi32, #tpu.memory_space<hbm>>) dst(%arg12 : memref<2x128xi32, #tpu.memory_space<vmem>>)
          tpu.yield
        }) : () -> ()
        %scan3A_122 = arith.constant 0 : i32
        %scan3A_123 = arith.constant 0 : i32
        %scan3A_124 = arith.constant 8 : i32
        %scan3A_125 = arith.addi %scan3A_123, %scan3A_124 : i32
        %scan3A_126 = arith.constant 1 : i32
        scf.for %scan3A_148 = %scan3A_123 to %scan3A_125 step %scan3A_126  : i32 {
          %mul3A_149 = arith.constant 16 : i32
          %mul3A_150 = arith.muli %scan3A_148, %mul3A_149 : i32
          %add3A_151 = vector.broadcast %mul3A_150 : i32 to vector<16xi32>
          %add3A_152 = arith.addi %add3A_151, %iota3A : vector<16xi32>
          %broadcast_in_dim3A = arith.constant 0 : i32
          %broadcast_in_dim3A_153 = vector.broadcast %broadcast_in_dim3A : i32 to vector<16xi32>
          %gather3A = tpu.vector_load_idx %arg12[%broadcast_in_dim3A_153, %add3A_152] : memref<2x128xi32, #tpu.memory_space<vmem>>[vector<16xi32>, vector<16xi32>], vector<16xi32>,
          tpu.vector_store_idx %arg13[%add3A_152], %gather3A : memref<128xi32, #tpu.memory_space<vmem>>[vector<16xi32>], vector<16xi32>,
          %broadcast_in_dim3A_154 = arith.constant 1 : i32
          %broadcast_in_dim3A_155 = vector.broadcast %broadcast_in_dim3A_154 : i32 to vector<16xi32>
          %gather3A_156 = tpu.vector_load_idx %arg12[%broadcast_in_dim3A_155, %add3A_152] : memref<2x128xi32, #tpu.memory_space<vmem>>[vector<16xi32>, vector<16xi32>], vector<16xi32>,
          tpu.vector_store_idx %arg14[%add3A_152], %gather3A_156 : memref<128xi32, #tpu.memory_space<vmem>>[vector<16xi32>], vector<16xi32>,
        }
        %scan3A_127 = arith.constant 8 : i32
        %dma_start3A = arith.constant 0 : i32
        %dma_start3A_128 = arith.constant 0 : i32
        %dma_start3A_129 = tpu.memref_slice %arg2[%dma_start3A, %dma_start3A_128] : memref<10000x128xf32, #tpu.memory_space<hbm>> -> memref<10000x128xf32, #tpu.memory_space<hbm>>
        tpu.enqueue_indirect_dma source(%dma_start3A_129 : memref<10000x128xf32, #tpu.memory_space<hbm>>) target(%arg15 : memref<128x128xf32, #tpu.memory_space<vmem>>) offsets(%arg13 : memref<128xi32, #tpu.memory_space<vmem>>) semaphore(%arg19 : memref<!tpu.dma_semaphore, #tpu.memory_space<semaphore_mem>>)
        %eq3A_130 = arith.constant 0 : i32
        %eq3A_131 = arith.cmpi eq, %arg0, %eq3A_130 : i32
        %convert_element_type3A_132 = arith.extui %eq3A_131 : i1 to i32
        %cond3A_133 = arith.constant 0 : i32
        %cond3A_134 = arith.cmpi ne, %convert_element_type3A_132, %cond3A_133 : i32
        scf.if %cond3A_134 {
          "tpu.region"() ({
            %run_scoped3A = tpu.sem_alloc : memref<!tpu.dma_semaphore, #tpu.memory_space<semaphore_mem>>
            %dma_start3A_154 = arith.constant 0 : i32
            %dma_start3A_155 = tpu.memref_slice %arg4[%dma_start3A_154, %mul3A_121] : memref<2x160000xf32, #tpu.memory_space<hbm>> -> memref<2x128xf32, #tpu.memory_space<hbm>>
            %dma_start3A_156 = arith.constant 0 : i32
            %dma_start3A_157 = tpu.memref_slice %arg4[%dma_start3A_156, %mul3A_121] : memref<2x160000xf32, #tpu.memory_space<hbm>> -> memref<2x128xf32, #tpu.memory_space<hbm>>
            tpu.enqueue_dma source(%dma_start3A_157 : memref<2x128xf32, #tpu.memory_space<hbm>>) target(%arg16 : memref<2x128xf32, #tpu.memory_space<vmem>>) target_semaphore(%run_scoped3A : memref<!tpu.dma_semaphore, #tpu.memory_space<semaphore_mem>>)
            %dma_wait3A_158 = arith.constant 0 : i32
            %dma_wait3A_159 = tpu.memref_slice %arg4[%dma_wait3A_158, %mul3A_121] : memref<2x160000xf32, #tpu.memory_space<hbm>> -> memref<2x128xf32, #tpu.memory_space<hbm>>
            %dma_wait3A_160 = arith.constant 0 : i32
            %dma_wait3A_161 = tpu.memref_slice %arg4[%dma_wait3A_160, %mul3A_121] : memref<2x160000xf32, #tpu.memory_space<hbm>> -> memref<2x128xf32, #tpu.memory_space<hbm>>
            tpu.wait_dma2 semaphore(%run_scoped3A : memref<!tpu.dma_semaphore, #tpu.memory_space<semaphore_mem>>) src(%dma_wait3A_161 : memref<2x128xf32, #tpu.memory_space<hbm>>) dst(%arg16 : memref<2x128xf32, #tpu.memory_space<vmem>>)
            tpu.yield
          }) : () -> ()
          %dma_start3A_148 = arith.constant 0 : i32
          %dma_start3A_149 = arith.constant 0 : i32
          %dma_start3A_150 = tpu.memref_slice %arg6[%dma_start3A_148, %dma_start3A_149] : memref<10000x128xf32, #tpu.memory_space<hbm>> -> memref<10000x128xf32, #tpu.memory_space<hbm>>
          tpu.enqueue_indirect_dma source(%dma_start3A_150 : memref<10000x128xf32, #tpu.memory_space<hbm>>) target(%arg17 : memref<128x128xf32, #tpu.memory_space<vmem>>) offsets(%arg14 : memref<128xi32, #tpu.memory_space<vmem>>) semaphore(%arg20 : memref<!tpu.dma_semaphore, #tpu.memory_space<semaphore_mem>>)
          %dma_wait3A_151 = arith.constant 0 : i32
          %dma_wait3A_152 = arith.constant 0 : i32
          %dma_wait3A_153 = tpu.memref_slice %arg6[%dma_wait3A_151, %dma_wait3A_152] : memref<10000x128xf32, #tpu.memory_space<hbm>> -> memref<10000x128xf32, #tpu.memory_space<hbm>>
          tpu.wait_indirect_dma semaphore(%arg20 : memref<!tpu.dma_semaphore, #tpu.memory_space<semaphore_mem>>) src(%dma_wait3A_153 : memref<10000x128xf32, #tpu.memory_space<hbm>>) dst(%arg17 : memref<128x128xf32, #tpu.memory_space<vmem>>)
        } else {
        }
        %eq3A_135 = arith.constant 1 : i32
        %eq3A_136 = arith.cmpi eq, %arg0, %eq3A_135 : i32
        %convert_element_type3A_137 = arith.extui %eq3A_136 : i1 to i32
        %cond3A_138 = arith.constant 0 : i32
        %cond3A_139 = arith.cmpi ne, %convert_element_type3A_137, %cond3A_138 : i32
        scf.if %cond3A_139 {
          "tpu.region"() ({
            %run_scoped3A = tpu.sem_alloc : memref<!tpu.dma_semaphore, #tpu.memory_space<semaphore_mem>>
            %dma_start3A_154 = arith.constant 0 : i32
            %dma_start3A_155 = tpu.memref_slice %arg5[%dma_start3A_154, %mul3A_121] : memref<2x160000xf32, #tpu.memory_space<hbm>> -> memref<2x128xf32, #tpu.memory_space<hbm>>
            %dma_start3A_156 = arith.constant 0 : i32
            %dma_start3A_157 = tpu.memref_slice %arg5[%dma_start3A_156, %mul3A_121] : memref<2x160000xf32, #tpu.memory_space<hbm>> -> memref<2x128xf32, #tpu.memory_space<hbm>>
            tpu.enqueue_dma source(%dma_start3A_157 : memref<2x128xf32, #tpu.memory_space<hbm>>) target(%arg16 : memref<2x128xf32, #tpu.memory_space<vmem>>) target_semaphore(%run_scoped3A : memref<!tpu.dma_semaphore, #tpu.memory_space<semaphore_mem>>)
            %dma_wait3A_158 = arith.constant 0 : i32
            %dma_wait3A_159 = tpu.memref_slice %arg5[%dma_wait3A_158, %mul3A_121] : memref<2x160000xf32, #tpu.memory_space<hbm>> -> memref<2x128xf32, #tpu.memory_space<hbm>>
            %dma_wait3A_160 = arith.constant 0 : i32
            %dma_wait3A_161 = tpu.memref_slice %arg5[%dma_wait3A_160, %mul3A_121] : memref<2x160000xf32, #tpu.memory_space<hbm>> -> memref<2x128xf32, #tpu.memory_space<hbm>>
            tpu.wait_dma2 semaphore(%run_scoped3A : memref<!tpu.dma_semaphore, #tpu.memory_space<semaphore_mem>>) src(%dma_wait3A_161 : memref<2x128xf32, #tpu.memory_space<hbm>>) dst(%arg16 : memref<2x128xf32, #tpu.memory_space<vmem>>)
            tpu.yield
          }) : () -> ()
          %dma_start3A_148 = arith.constant 0 : i32
          %dma_start3A_149 = arith.constant 0 : i32
          %dma_start3A_150 = tpu.memref_slice %arg7[%dma_start3A_148, %dma_start3A_149] : memref<10000x128xf32, #tpu.memory_space<hbm>> -> memref<10000x128xf32, #tpu.memory_space<hbm>>
          tpu.enqueue_indirect_dma source(%dma_start3A_150 : memref<10000x128xf32, #tpu.memory_space<hbm>>) target(%arg17 : memref<128x128xf32, #tpu.memory_space<vmem>>) offsets(%arg14 : memref<128xi32, #tpu.memory_space<vmem>>) semaphore(%arg20 : memref<!tpu.dma_semaphore, #tpu.memory_space<semaphore_mem>>)
          %dma_wait3A_151 = arith.constant 0 : i32
          %dma_wait3A_152 = arith.constant 0 : i32
          %dma_wait3A_153 = tpu.memref_slice %arg7[%dma_wait3A_151, %dma_wait3A_152] : memref<10000x128xf32, #tpu.memory_space<hbm>> -> memref<10000x128xf32, #tpu.memory_space<hbm>>
          tpu.wait_indirect_dma semaphore(%arg20 : memref<!tpu.dma_semaphore, #tpu.memory_space<semaphore_mem>>) src(%dma_wait3A_153 : memref<10000x128xf32, #tpu.memory_space<hbm>>) dst(%arg17 : memref<128x128xf32, #tpu.memory_space<vmem>>)
        } else {
        }
        %dma_wait3A = arith.constant 0 : i32
        %dma_wait3A_140 = arith.constant 0 : i32
        %dma_wait3A_141 = tpu.memref_slice %arg2[%dma_wait3A, %dma_wait3A_140] : memref<10000x128xf32, #tpu.memory_space<hbm>> -> memref<10000x128xf32, #tpu.memory_space<hbm>>
        tpu.wait_indirect_dma semaphore(%arg19 : memref<!tpu.dma_semaphore, #tpu.memory_space<semaphore_mem>>) src(%dma_wait3A_141 : memref<10000x128xf32, #tpu.memory_space<hbm>>) dst(%arg15 : memref<128x128xf32, #tpu.memory_space<vmem>>)
        %scan3A_142 = arith.constant 0 : i32
        %scan3A_143 = arith.constant 0 : i32
        %scan3A_144 = arith.constant 8 : i32
        %scan3A_145 = arith.addi %scan3A_143, %scan3A_144 : i32
        %scan3A_146 = arith.constant 1 : i32
        scf.for %scan3A_148 = %scan3A_143 to %scan3A_145 step %scan3A_146  : i32 {
          %mul3A_149 = arith.constant 16 : i32
          %mul3A_150 = arith.muli %scan3A_148, %mul3A_149 : i32
          %add3A_151 = vector.broadcast %mul3A_150 : i32 to vector<16xi32>
          %add3A_152 = arith.addi %add3A_151, %iota3A : vector<16xi32>
          %broadcast_in_dim3A = arith.constant 0 : i32
          %broadcast_in_dim3A_153 = vector.broadcast %broadcast_in_dim3A : i32 to vector<16xi32>
          %gather3A = tpu.vector_load_idx %arg16[%broadcast_in_dim3A_153, %add3A_152] : memref<2x128xf32, #tpu.memory_space<vmem>>[vector<16xi32>, vector<16xi32>], vector<16xf32>,
          %gather3A_154 = tpu.vector_load_idx %arg17[%add3A_152, %broadcast_in_dim3A_153] : memref<128x128xf32, #tpu.memory_space<vmem>>[vector<16xi32>, vector<16xi32>], vector<16xf32>,
          %add3A_155 = arith.constant 9.99999971E-10 : f32
          %add3A_156 = vector.broadcast %add3A_155 : f32 to vector<16xf32>
          %add3A_157 = arith.addf %gather3A_154, %add3A_156 : vector<16xf32>
          %div3A = arith.divf %gather3A, %add3A_157 : vector<16xf32>
          %scan3A_158 = arith.constant 0 : i32
          %scan3A_159 = arith.constant 0 : i32
          %scan3A_160 = arith.constant 128 : i32
          %scan3A_161 = arith.addi %scan3A_159, %scan3A_160 : i32
          %scan3A_162 = arith.constant 1 : i32
          scf.for %scan3A_164 = %scan3A_159 to %scan3A_161 step %scan3A_162  : i32 {
            %broadcast_in_dim3A_165 = vector.broadcast %scan3A_164 : i32 to vector<16xi32>
            %gather3A_166 = tpu.vector_load_idx %arg15[%add3A_152, %broadcast_in_dim3A_165] : memref<128x128xf32, #tpu.memory_space<vmem>>[vector<16xi32>, vector<16xi32>], vector<16xf32>,
            %mul3A_167 = arith.mulf %div3A, %gather3A_166 : vector<16xf32>
            tpu.vector_store_idx %arg18[%add3A_152, %broadcast_in_dim3A_165], %mul3A_167 : memref<128x128xf32, #tpu.memory_space<vmem>>[vector<16xi32>, vector<16xi32>], vector<16xf32>,
          }
          %scan3A_163 = arith.constant 128 : i32
        }
        %scan3A_147 = arith.constant 8 : i32
        "tpu.region"() ({
          %run_scoped3A = tpu.sem_alloc : memref<!tpu.dma_semaphore, #tpu.memory_space<semaphore_mem>>
          %dma_start3A_148 = arith.constant 0 : i32
          %dma_start3A_149 = arith.constant 0 : i32
          %dma_start3A_150 = tpu.memref_slice %arg21[%dma_start3A_148, %dma_start3A_149] : memref<10000x128xf32, #tpu.memory_space<vmem_shared>> -> memref<10000x128xf32, #tpu.memory_space<vmem_shared>>
          tpu.enqueue_indirect_dma source(%arg18 : memref<128x128xf32, #tpu.memory_space<vmem>>) target(%dma_start3A_150 : memref<10000x128xf32, #tpu.memory_space<vmem_shared>>) offsets(%arg14 : memref<128xi32, #tpu.memory_space<vmem>>) semaphore(%run_scoped3A : memref<!tpu.dma_semaphore, #tpu.memory_space<semaphore_mem>>) {add = true}
          %dma_wait3A_151 = arith.constant 0 : i32
          %dma_wait3A_152 = arith.constant 0 : i32
          %dma_wait3A_153 = tpu.memref_slice %arg21[%dma_wait3A_151, %dma_wait3A_152] : memref<10000x128xf32, #tpu.memory_space<vmem_shared>> -> memref<10000x128xf32, #tpu.memory_space<vmem_shared>>
          tpu.wait_indirect_dma semaphore(%run_scoped3A : memref<!tpu.dma_semaphore, #tpu.memory_space<semaphore_mem>>) src(%arg18 : memref<128x128xf32, #tpu.memory_space<vmem>>) dst(%dma_wait3A_153 : memref<10000x128xf32, #tpu.memory_space<vmem_shared>>)
          tpu.yield
        }) : () -> ()
      } else {
      }
    }
    %scan3A_6 = arith.constant 79 : i32
    %barrier3A_7 = arith.constant 0 : index
    tpu.barrier barrier_id(%barrier3A_7)
    %eq3A_8 = arith.constant 0 : i32
    %eq3A_9 = arith.cmpi eq, %arg1, %eq3A_8 : i32
    %eq3A_10 = arith.constant 0 : i32
    %eq3A_11 = arith.cmpi eq, %arg0, %eq3A_10 : i32
    %and3A = arith.andi %eq3A_9, %eq3A_11 : i1
    %convert_element_type3A_12 = arith.extui %and3A : i1 to i32
    %cond3A_13 = arith.constant 0 : i32
    %cond3A_14 = arith.cmpi ne, %convert_element_type3A_12, %cond3A_13 : i32
    scf.if %cond3A_14 {
      %run_scoped3A = arith.constant 0 : i32
      %run_scoped3A_114 = arith.constant 0 : i32
      "tpu.region"() ({
        %run_scoped3A_115 = tpu.sem_alloc : memref<!tpu.dma_semaphore, #tpu.memory_space<semaphore_mem>>
        %dma_start3A = arith.constant 0 : i32
        %dma_start3A_116 = arith.constant 0 : i32
        %dma_start3A_117 = tpu.memref_slice %arg10[%run_scoped3A, %run_scoped3A_114, %dma_start3A, %dma_start3A_116] : memref<2x2x10000x128xf32, #tpu.memory_space<hbm>> -> memref<1x1x10000x128xf32, #tpu.memory_space<hbm>>
        %dma_start3A_118 = tpu.memref_squeeze %dma_start3A_117 : memref<1x1x10000x128xf32, #tpu.memory_space<hbm>> -> memref<10000x128xf32, #tpu.memory_space<hbm>>
        tpu.enqueue_dma source(%arg21 : memref<10000x128xf32, #tpu.memory_space<vmem_shared>>) target(%dma_start3A_118 : memref<10000x128xf32, #tpu.memory_space<hbm>>) target_semaphore(%run_scoped3A_115 : memref<!tpu.dma_semaphore, #tpu.memory_space<semaphore_mem>>)
        %dma_wait3A = arith.constant 0 : i32
        %dma_wait3A_119 = arith.constant 0 : i32
        %dma_wait3A_120 = tpu.memref_slice %arg10[%run_scoped3A, %run_scoped3A_114, %dma_wait3A, %dma_wait3A_119] : memref<2x2x10000x128xf32, #tpu.memory_space<hbm>> -> memref<1x1x10000x128xf32, #tpu.memory_space<hbm>>
        %dma_wait3A_121 = tpu.memref_squeeze %dma_wait3A_120 : memref<1x1x10000x128xf32, #tpu.memory_space<hbm>> -> memref<10000x128xf32, #tpu.memory_space<hbm>>
        tpu.wait_dma2 semaphore(%run_scoped3A_115 : memref<!tpu.dma_semaphore, #tpu.memory_space<semaphore_mem>>) src(%arg21 : memref<10000x128xf32, #tpu.memory_space<vmem_shared>>) dst(%dma_wait3A_121 : memref<10000x128xf32, #tpu.memory_space<hbm>>)
        tpu.yield
      }) : () -> ()
    } else {
    }
    %eq3A_15 = arith.constant 0 : i32
    %eq3A_16 = arith.cmpi eq, %arg1, %eq3A_15 : i32
    %eq3A_17 = arith.constant 1 : i32
    %eq3A_18 = arith.cmpi eq, %arg0, %eq3A_17 : i32
    %and3A_19 = arith.andi %eq3A_16, %eq3A_18 : i1
    %convert_element_type3A_20 = arith.extui %and3A_19 : i1 to i32
    %cond3A_21 = arith.constant 0 : i32
    %cond3A_22 = arith.cmpi ne, %convert_element_type3A_20, %cond3A_21 : i32
    scf.if %cond3A_22 {
      %run_scoped3A = arith.constant 0 : i32
      %run_scoped3A_114 = arith.constant 0 : i32
      "tpu.region"() ({
        %run_scoped3A_115 = tpu.sem_alloc : memref<!tpu.dma_semaphore, #tpu.memory_space<semaphore_mem>>
        %dma_start3A = arith.constant 0 : i32
        %dma_start3A_116 = arith.constant 0 : i32
        %dma_start3A_117 = tpu.memref_slice %arg11[%run_scoped3A, %run_scoped3A_114, %dma_start3A, %dma_start3A_116] : memref<2x2x10000x128xf32, #tpu.memory_space<hbm>> -> memref<1x1x10000x128xf32, #tpu.memory_space<hbm>>
        %dma_start3A_118 = tpu.memref_squeeze %dma_start3A_117 : memref<1x1x10000x128xf32, #tpu.memory_space<hbm>> -> memref<10000x128xf32, #tpu.memory_space<hbm>>
        tpu.enqueue_dma source(%arg21 : memref<10000x128xf32, #tpu.memory_space<vmem_shared>>) target(%dma_start3A_118 : memref<10000x128xf32, #tpu.memory_space<hbm>>) target_semaphore(%run_scoped3A_115 : memref<!tpu.dma_semaphore, #tpu.memory_space<semaphore_mem>>)
        %dma_wait3A = arith.constant 0 : i32
        %dma_wait3A_119 = arith.constant 0 : i32
        %dma_wait3A_120 = tpu.memref_slice %arg11[%run_scoped3A, %run_scoped3A_114, %dma_wait3A, %dma_wait3A_119] : memref<2x2x10000x128xf32, #tpu.memory_space<hbm>> -> memref<1x1x10000x128xf32, #tpu.memory_space<hbm>>
        %dma_wait3A_121 = tpu.memref_squeeze %dma_wait3A_120 : memref<1x1x10000x128xf32, #tpu.memory_space<hbm>> -> memref<10000x128xf32, #tpu.memory_space<hbm>>
        tpu.wait_dma2 semaphore(%run_scoped3A_115 : memref<!tpu.dma_semaphore, #tpu.memory_space<semaphore_mem>>) src(%arg21 : memref<10000x128xf32, #tpu.memory_space<vmem_shared>>) dst(%dma_wait3A_121 : memref<10000x128xf32, #tpu.memory_space<hbm>>)
        tpu.yield
      }) : () -> ()
    } else {
    }
    %barrier3A_23 = arith.constant 0 : index
    tpu.barrier barrier_id(%barrier3A_23)
    %eq3A_24 = arith.constant 0 : i32
    %eq3A_25 = arith.cmpi eq, %arg1, %eq3A_24 : i32
    %convert_element_type3A_26 = arith.extui %eq3A_25 : i1 to i32
    %cond3A_27 = arith.constant 0 : i32
    %cond3A_28 = arith.cmpi ne, %convert_element_type3A_26, %cond3A_27 : i32
    scf.if %cond3A_28 {
      "tpu.region"() ({
        %run_scoped3A = tpu.sem_alloc : memref<!tpu.dma_semaphore, #tpu.memory_space<semaphore_mem>>
        tpu.enqueue_dma source(%arg9 : memref<10000x128xf32, #tpu.memory_space<hbm>>) target(%arg21 : memref<10000x128xf32, #tpu.memory_space<vmem_shared>>) target_semaphore(%run_scoped3A : memref<!tpu.dma_semaphore, #tpu.memory_space<semaphore_mem>>)
        tpu.wait_dma2 semaphore(%run_scoped3A : memref<!tpu.dma_semaphore, #tpu.memory_space<semaphore_mem>>) src(%arg9 : memref<10000x128xf32, #tpu.memory_space<hbm>>) dst(%arg21 : memref<10000x128xf32, #tpu.memory_space<vmem_shared>>)
        tpu.yield
      }) : () -> ()
    } else {
    }
    %barrier3A_29 = arith.constant 0 : index
    tpu.barrier barrier_id(%barrier3A_29)
    %scan3A_30 = arith.constant 0 : i32
    %scan3A_31 = arith.constant 0 : i32
    %scan3A_32 = arith.constant 79 : i32
    %scan3A_33 = arith.addi %scan3A_31, %scan3A_32 : i32
    %scan3A_34 = arith.constant 1 : i32
    scf.for %scan3A_114 = %scan3A_31 to %scan3A_33 step %scan3A_34  : i32 {
      %mul3A = arith.constant 16 : i32
      %mul3A_115 = arith.muli %scan3A_114, %mul3A : i32
      %add3A = arith.addi %arg1, %mul3A_115 : i32
      %lt3A = arith.constant 1250 : i32
      %lt3A_116 = arith.cmpi slt, %add3A, %lt3A : i32
      %convert_element_type3A_117 = arith.extui %lt3A_116 : i1 to i32
      %cond3A_118 = arith.constant 0 : i32
      %cond3A_119 = arith.cmpi ne, %convert_element_type3A_117, %cond3A_118 : i32
      scf.if %cond3A_119 {
        %mul3A_120 = arith.constant 128 : i32
        %mul3A_121 = arith.muli %add3A, %mul3A_120 : i32
        "tpu.region"() ({
          %run_scoped3A = tpu.sem_alloc : memref<!tpu.dma_semaphore, #tpu.memory_space<semaphore_mem>>
          %dma_start3A_148 = arith.constant 0 : i32
          %dma_start3A_149 = tpu.memref_slice %arg8[%dma_start3A_148, %mul3A_121] : memref<2x160000xi32, #tpu.memory_space<hbm>> -> memref<2x128xi32, #tpu.memory_space<hbm>>
          %dma_start3A_150 = arith.constant 0 : i32
          %dma_start3A_151 = tpu.memref_slice %arg8[%dma_start3A_150, %mul3A_121] : memref<2x160000xi32, #tpu.memory_space<hbm>> -> memref<2x128xi32, #tpu.memory_space<hbm>>
          tpu.enqueue_dma source(%dma_start3A_151 : memref<2x128xi32, #tpu.memory_space<hbm>>) target(%arg12 : memref<2x128xi32, #tpu.memory_space<vmem>>) target_semaphore(%run_scoped3A : memref<!tpu.dma_semaphore, #tpu.memory_space<semaphore_mem>>)
          %dma_wait3A_152 = arith.constant 0 : i32
          %dma_wait3A_153 = tpu.memref_slice %arg8[%dma_wait3A_152, %mul3A_121] : memref<2x160000xi32, #tpu.memory_space<hbm>> -> memref<2x128xi32, #tpu.memory_space<hbm>>
          %dma_wait3A_154 = arith.constant 0 : i32
          %dma_wait3A_155 = tpu.memref_slice %arg8[%dma_wait3A_154, %mul3A_121] : memref<2x160000xi32, #tpu.memory_space<hbm>> -> memref<2x128xi32, #tpu.memory_space<hbm>>
          tpu.wait_dma2 semaphore(%run_scoped3A : memref<!tpu.dma_semaphore, #tpu.memory_space<semaphore_mem>>) src(%dma_wait3A_155 : memref<2x128xi32, #tpu.memory_space<hbm>>) dst(%arg12 : memref<2x128xi32, #tpu.memory_space<vmem>>)
          tpu.yield
        }) : () -> ()
        %scan3A_122 = arith.constant 0 : i32
        %scan3A_123 = arith.constant 0 : i32
        %scan3A_124 = arith.constant 8 : i32
        %scan3A_125 = arith.addi %scan3A_123, %scan3A_124 : i32
        %scan3A_126 = arith.constant 1 : i32
        scf.for %scan3A_148 = %scan3A_123 to %scan3A_125 step %scan3A_126  : i32 {
          %mul3A_149 = arith.constant 16 : i32
          %mul3A_150 = arith.muli %scan3A_148, %mul3A_149 : i32
          %add3A_151 = vector.broadcast %mul3A_150 : i32 to vector<16xi32>
          %add3A_152 = arith.addi %add3A_151, %iota3A : vector<16xi32>
          %broadcast_in_dim3A = arith.constant 0 : i32
          %broadcast_in_dim3A_153 = vector.broadcast %broadcast_in_dim3A : i32 to vector<16xi32>
          %gather3A = tpu.vector_load_idx %arg12[%broadcast_in_dim3A_153, %add3A_152] : memref<2x128xi32, #tpu.memory_space<vmem>>[vector<16xi32>, vector<16xi32>], vector<16xi32>,
          tpu.vector_store_idx %arg13[%add3A_152], %gather3A : memref<128xi32, #tpu.memory_space<vmem>>[vector<16xi32>], vector<16xi32>,
          %broadcast_in_dim3A_154 = arith.constant 1 : i32
          %broadcast_in_dim3A_155 = vector.broadcast %broadcast_in_dim3A_154 : i32 to vector<16xi32>
          %gather3A_156 = tpu.vector_load_idx %arg12[%broadcast_in_dim3A_155, %add3A_152] : memref<2x128xi32, #tpu.memory_space<vmem>>[vector<16xi32>, vector<16xi32>], vector<16xi32>,
          tpu.vector_store_idx %arg14[%add3A_152], %gather3A_156 : memref<128xi32, #tpu.memory_space<vmem>>[vector<16xi32>], vector<16xi32>,
        }
        %scan3A_127 = arith.constant 8 : i32
        %dma_start3A = arith.constant 0 : i32
        %dma_start3A_128 = arith.constant 0 : i32
        %dma_start3A_129 = tpu.memref_slice %arg3[%dma_start3A, %dma_start3A_128] : memref<10000x128xf32, #tpu.memory_space<hbm>> -> memref<10000x128xf32, #tpu.memory_space<hbm>>
        tpu.enqueue_indirect_dma source(%dma_start3A_129 : memref<10000x128xf32, #tpu.memory_space<hbm>>) target(%arg15 : memref<128x128xf32, #tpu.memory_space<vmem>>) offsets(%arg13 : memref<128xi32, #tpu.memory_space<vmem>>) semaphore(%arg19 : memref<!tpu.dma_semaphore, #tpu.memory_space<semaphore_mem>>)
        %eq3A_130 = arith.constant 0 : i32
        %eq3A_131 = arith.cmpi eq, %arg0, %eq3A_130 : i32
        %convert_element_type3A_132 = arith.extui %eq3A_131 : i1 to i32
        %cond3A_133 = arith.constant 0 : i32
        %cond3A_134 = arith.cmpi ne, %convert_element_type3A_132, %cond3A_133 : i32
        scf.if %cond3A_134 {
          "tpu.region"() ({
            %run_scoped3A = tpu.sem_alloc : memref<!tpu.dma_semaphore, #tpu.memory_space<semaphore_mem>>
            %dma_start3A_154 = arith.constant 0 : i32
            %dma_start3A_155 = tpu.memref_slice %arg4[%dma_start3A_154, %mul3A_121] : memref<2x160000xf32, #tpu.memory_space<hbm>> -> memref<2x128xf32, #tpu.memory_space<hbm>>
            %dma_start3A_156 = arith.constant 0 : i32
            %dma_start3A_157 = tpu.memref_slice %arg4[%dma_start3A_156, %mul3A_121] : memref<2x160000xf32, #tpu.memory_space<hbm>> -> memref<2x128xf32, #tpu.memory_space<hbm>>
            tpu.enqueue_dma source(%dma_start3A_157 : memref<2x128xf32, #tpu.memory_space<hbm>>) target(%arg16 : memref<2x128xf32, #tpu.memory_space<vmem>>) target_semaphore(%run_scoped3A : memref<!tpu.dma_semaphore, #tpu.memory_space<semaphore_mem>>)
            %dma_wait3A_158 = arith.constant 0 : i32
            %dma_wait3A_159 = tpu.memref_slice %arg4[%dma_wait3A_158, %mul3A_121] : memref<2x160000xf32, #tpu.memory_space<hbm>> -> memref<2x128xf32, #tpu.memory_space<hbm>>
            %dma_wait3A_160 = arith.constant 0 : i32
            %dma_wait3A_161 = tpu.memref_slice %arg4[%dma_wait3A_160, %mul3A_121] : memref<2x160000xf32, #tpu.memory_space<hbm>> -> memref<2x128xf32, #tpu.memory_space<hbm>>
            tpu.wait_dma2 semaphore(%run_scoped3A : memref<!tpu.dma_semaphore, #tpu.memory_space<semaphore_mem>>) src(%dma_wait3A_161 : memref<2x128xf32, #tpu.memory_space<hbm>>) dst(%arg16 : memref<2x128xf32, #tpu.memory_space<vmem>>)
            tpu.yield
          }) : () -> ()
          %dma_start3A_148 = arith.constant 0 : i32
          %dma_start3A_149 = arith.constant 0 : i32
          %dma_start3A_150 = tpu.memref_slice %arg6[%dma_start3A_148, %dma_start3A_149] : memref<10000x128xf32, #tpu.memory_space<hbm>> -> memref<10000x128xf32, #tpu.memory_space<hbm>>
          tpu.enqueue_indirect_dma source(%dma_start3A_150 : memref<10000x128xf32, #tpu.memory_space<hbm>>) target(%arg17 : memref<128x128xf32, #tpu.memory_space<vmem>>) offsets(%arg14 : memref<128xi32, #tpu.memory_space<vmem>>) semaphore(%arg20 : memref<!tpu.dma_semaphore, #tpu.memory_space<semaphore_mem>>)
          %dma_wait3A_151 = arith.constant 0 : i32
          %dma_wait3A_152 = arith.constant 0 : i32
          %dma_wait3A_153 = tpu.memref_slice %arg6[%dma_wait3A_151, %dma_wait3A_152] : memref<10000x128xf32, #tpu.memory_space<hbm>> -> memref<10000x128xf32, #tpu.memory_space<hbm>>
          tpu.wait_indirect_dma semaphore(%arg20 : memref<!tpu.dma_semaphore, #tpu.memory_space<semaphore_mem>>) src(%dma_wait3A_153 : memref<10000x128xf32, #tpu.memory_space<hbm>>) dst(%arg17 : memref<128x128xf32, #tpu.memory_space<vmem>>)
        } else {
        }
        %eq3A_135 = arith.constant 1 : i32
        %eq3A_136 = arith.cmpi eq, %arg0, %eq3A_135 : i32
        %convert_element_type3A_137 = arith.extui %eq3A_136 : i1 to i32
        %cond3A_138 = arith.constant 0 : i32
        %cond3A_139 = arith.cmpi ne, %convert_element_type3A_137, %cond3A_138 : i32
        scf.if %cond3A_139 {
          "tpu.region"() ({
            %run_scoped3A = tpu.sem_alloc : memref<!tpu.dma_semaphore, #tpu.memory_space<semaphore_mem>>
            %dma_start3A_154 = arith.constant 0 : i32
            %dma_start3A_155 = tpu.memref_slice %arg5[%dma_start3A_154, %mul3A_121] : memref<2x160000xf32, #tpu.memory_space<hbm>> -> memref<2x128xf32, #tpu.memory_space<hbm>>
            %dma_start3A_156 = arith.constant 0 : i32
            %dma_start3A_157 = tpu.memref_slice %arg5[%dma_start3A_156, %mul3A_121] : memref<2x160000xf32, #tpu.memory_space<hbm>> -> memref<2x128xf32, #tpu.memory_space<hbm>>
            tpu.enqueue_dma source(%dma_start3A_157 : memref<2x128xf32, #tpu.memory_space<hbm>>) target(%arg16 : memref<2x128xf32, #tpu.memory_space<vmem>>) target_semaphore(%run_scoped3A : memref<!tpu.dma_semaphore, #tpu.memory_space<semaphore_mem>>)
            %dma_wait3A_158 = arith.constant 0 : i32
            %dma_wait3A_159 = tpu.memref_slice %arg5[%dma_wait3A_158, %mul3A_121] : memref<2x160000xf32, #tpu.memory_space<hbm>> -> memref<2x128xf32, #tpu.memory_space<hbm>>
            %dma_wait3A_160 = arith.constant 0 : i32
            %dma_wait3A_161 = tpu.memref_slice %arg5[%dma_wait3A_160, %mul3A_121] : memref<2x160000xf32, #tpu.memory_space<hbm>> -> memref<2x128xf32, #tpu.memory_space<hbm>>
            tpu.wait_dma2 semaphore(%run_scoped3A : memref<!tpu.dma_semaphore, #tpu.memory_space<semaphore_mem>>) src(%dma_wait3A_161 : memref<2x128xf32, #tpu.memory_space<hbm>>) dst(%arg16 : memref<2x128xf32, #tpu.memory_space<vmem>>)
            tpu.yield
          }) : () -> ()
          %dma_start3A_148 = arith.constant 0 : i32
          %dma_start3A_149 = arith.constant 0 : i32
          %dma_start3A_150 = tpu.memref_slice %arg7[%dma_start3A_148, %dma_start3A_149] : memref<10000x128xf32, #tpu.memory_space<hbm>> -> memref<10000x128xf32, #tpu.memory_space<hbm>>
          tpu.enqueue_indirect_dma source(%dma_start3A_150 : memref<10000x128xf32, #tpu.memory_space<hbm>>) target(%arg17 : memref<128x128xf32, #tpu.memory_space<vmem>>) offsets(%arg14 : memref<128xi32, #tpu.memory_space<vmem>>) semaphore(%arg20 : memref<!tpu.dma_semaphore, #tpu.memory_space<semaphore_mem>>)
          %dma_wait3A_151 = arith.constant 0 : i32
          %dma_wait3A_152 = arith.constant 0 : i32
          %dma_wait3A_153 = tpu.memref_slice %arg7[%dma_wait3A_151, %dma_wait3A_152] : memref<10000x128xf32, #tpu.memory_space<hbm>> -> memref<10000x128xf32, #tpu.memory_space<hbm>>
          tpu.wait_indirect_dma semaphore(%arg20 : memref<!tpu.dma_semaphore, #tpu.memory_space<semaphore_mem>>) src(%dma_wait3A_153 : memref<10000x128xf32, #tpu.memory_space<hbm>>) dst(%arg17 : memref<128x128xf32, #tpu.memory_space<vmem>>)
        } else {
        }
        %dma_wait3A = arith.constant 0 : i32
        %dma_wait3A_140 = arith.constant 0 : i32
        %dma_wait3A_141 = tpu.memref_slice %arg3[%dma_wait3A, %dma_wait3A_140] : memref<10000x128xf32, #tpu.memory_space<hbm>> -> memref<10000x128xf32, #tpu.memory_space<hbm>>
        tpu.wait_indirect_dma semaphore(%arg19 : memref<!tpu.dma_semaphore, #tpu.memory_space<semaphore_mem>>) src(%dma_wait3A_141 : memref<10000x128xf32, #tpu.memory_space<hbm>>) dst(%arg15 : memref<128x128xf32, #tpu.memory_space<vmem>>)
        %scan3A_142 = arith.constant 0 : i32
        %scan3A_143 = arith.constant 0 : i32
        %scan3A_144 = arith.constant 8 : i32
        %scan3A_145 = arith.addi %scan3A_143, %scan3A_144 : i32
        %scan3A_146 = arith.constant 1 : i32
        scf.for %scan3A_148 = %scan3A_143 to %scan3A_145 step %scan3A_146  : i32 {
          %mul3A_149 = arith.constant 16 : i32
          %mul3A_150 = arith.muli %scan3A_148, %mul3A_149 : i32
          %add3A_151 = vector.broadcast %mul3A_150 : i32 to vector<16xi32>
          %add3A_152 = arith.addi %add3A_151, %iota3A : vector<16xi32>
          %broadcast_in_dim3A = arith.constant 0 : i32
          %broadcast_in_dim3A_153 = vector.broadcast %broadcast_in_dim3A : i32 to vector<16xi32>
          %gather3A = tpu.vector_load_idx %arg16[%broadcast_in_dim3A_153, %add3A_152] : memref<2x128xf32, #tpu.memory_space<vmem>>[vector<16xi32>, vector<16xi32>], vector<16xf32>,
          %gather3A_154 = tpu.vector_load_idx %arg17[%add3A_152, %broadcast_in_dim3A_153] : memref<128x128xf32, #tpu.memory_space<vmem>>[vector<16xi32>, vector<16xi32>], vector<16xf32>,
          %add3A_155 = arith.constant 9.99999971E-10 : f32
          %add3A_156 = vector.broadcast %add3A_155 : f32 to vector<16xf32>
          %add3A_157 = arith.addf %gather3A_154, %add3A_156 : vector<16xf32>
          %div3A = arith.divf %gather3A, %add3A_157 : vector<16xf32>
          %scan3A_158 = arith.constant 0 : i32
          %scan3A_159 = arith.constant 0 : i32
          %scan3A_160 = arith.constant 128 : i32
          %scan3A_161 = arith.addi %scan3A_159, %scan3A_160 : i32
          %scan3A_162 = arith.constant 1 : i32
          scf.for %scan3A_164 = %scan3A_159 to %scan3A_161 step %scan3A_162  : i32 {
            %broadcast_in_dim3A_165 = vector.broadcast %scan3A_164 : i32 to vector<16xi32>
            %gather3A_166 = tpu.vector_load_idx %arg15[%add3A_152, %broadcast_in_dim3A_165] : memref<128x128xf32, #tpu.memory_space<vmem>>[vector<16xi32>, vector<16xi32>], vector<16xf32>,
            %mul3A_167 = arith.mulf %div3A, %gather3A_166 : vector<16xf32>
            tpu.vector_store_idx %arg18[%add3A_152, %broadcast_in_dim3A_165], %mul3A_167 : memref<128x128xf32, #tpu.memory_space<vmem>>[vector<16xi32>, vector<16xi32>], vector<16xf32>,
          }
          %scan3A_163 = arith.constant 128 : i32
        }
        %scan3A_147 = arith.constant 8 : i32
        "tpu.region"() ({
          %run_scoped3A = tpu.sem_alloc : memref<!tpu.dma_semaphore, #tpu.memory_space<semaphore_mem>>
          %dma_start3A_148 = arith.constant 0 : i32
          %dma_start3A_149 = arith.constant 0 : i32
          %dma_start3A_150 = tpu.memref_slice %arg21[%dma_start3A_148, %dma_start3A_149] : memref<10000x128xf32, #tpu.memory_space<vmem_shared>> -> memref<10000x128xf32, #tpu.memory_space<vmem_shared>>
          tpu.enqueue_indirect_dma source(%arg18 : memref<128x128xf32, #tpu.memory_space<vmem>>) target(%dma_start3A_150 : memref<10000x128xf32, #tpu.memory_space<vmem_shared>>) offsets(%arg14 : memref<128xi32, #tpu.memory_space<vmem>>) semaphore(%run_scoped3A : memref<!tpu.dma_semaphore, #tpu.memory_space<semaphore_mem>>) {add = true}
          %dma_wait3A_151 = arith.constant 0 : i32
          %dma_wait3A_152 = arith.constant 0 : i32
          %dma_wait3A_153 = tpu.memref_slice %arg21[%dma_wait3A_151, %dma_wait3A_152] : memref<10000x128xf32, #tpu.memory_space<vmem_shared>> -> memref<10000x128xf32, #tpu.memory_space<vmem_shared>>
          tpu.wait_indirect_dma semaphore(%run_scoped3A : memref<!tpu.dma_semaphore, #tpu.memory_space<semaphore_mem>>) src(%arg18 : memref<128x128xf32, #tpu.memory_space<vmem>>) dst(%dma_wait3A_153 : memref<10000x128xf32, #tpu.memory_space<vmem_shared>>)
          tpu.yield
        }) : () -> ()
      } else {
      }
    }
    %scan3A_35 = arith.constant 79 : i32
    %barrier3A_36 = arith.constant 0 : index
    tpu.barrier barrier_id(%barrier3A_36)
    %eq3A_37 = arith.constant 0 : i32
    %eq3A_38 = arith.cmpi eq, %arg1, %eq3A_37 : i32
    %eq3A_39 = arith.constant 0 : i32
    %eq3A_40 = arith.cmpi eq, %arg0, %eq3A_39 : i32
    %and3A_41 = arith.andi %eq3A_38, %eq3A_40 : i1
    %convert_element_type3A_42 = arith.extui %and3A_41 : i1 to i32
    %cond3A_43 = arith.constant 0 : i32
    %cond3A_44 = arith.cmpi ne, %convert_element_type3A_42, %cond3A_43 : i32
    scf.if %cond3A_44 {
      %run_scoped3A = arith.constant 0 : i32
      %run_scoped3A_114 = arith.constant 1 : i32
      "tpu.region"() ({
        %run_scoped3A_115 = tpu.sem_alloc : memref<!tpu.dma_semaphore, #tpu.memory_space<semaphore_mem>>
        %dma_start3A = arith.constant 0 : i32
        %dma_start3A_116 = arith.constant 0 : i32
        %dma_start3A_117 = tpu.memref_slice %arg10[%run_scoped3A, %run_scoped3A_114, %dma_start3A, %dma_start3A_116] : memref<2x2x10000x128xf32, #tpu.memory_space<hbm>> -> memref<1x1x10000x128xf32, #tpu.memory_space<hbm>>
        %dma_start3A_118 = tpu.memref_squeeze %dma_start3A_117 : memref<1x1x10000x128xf32, #tpu.memory_space<hbm>> -> memref<10000x128xf32, #tpu.memory_space<hbm>>
        tpu.enqueue_dma source(%arg21 : memref<10000x128xf32, #tpu.memory_space<vmem_shared>>) target(%dma_start3A_118 : memref<10000x128xf32, #tpu.memory_space<hbm>>) target_semaphore(%run_scoped3A_115 : memref<!tpu.dma_semaphore, #tpu.memory_space<semaphore_mem>>)
        %dma_wait3A = arith.constant 0 : i32
        %dma_wait3A_119 = arith.constant 0 : i32
        %dma_wait3A_120 = tpu.memref_slice %arg10[%run_scoped3A, %run_scoped3A_114, %dma_wait3A, %dma_wait3A_119] : memref<2x2x10000x128xf32, #tpu.memory_space<hbm>> -> memref<1x1x10000x128xf32, #tpu.memory_space<hbm>>
        %dma_wait3A_121 = tpu.memref_squeeze %dma_wait3A_120 : memref<1x1x10000x128xf32, #tpu.memory_space<hbm>> -> memref<10000x128xf32, #tpu.memory_space<hbm>>
        tpu.wait_dma2 semaphore(%run_scoped3A_115 : memref<!tpu.dma_semaphore, #tpu.memory_space<semaphore_mem>>) src(%arg21 : memref<10000x128xf32, #tpu.memory_space<vmem_shared>>) dst(%dma_wait3A_121 : memref<10000x128xf32, #tpu.memory_space<hbm>>)
        tpu.yield
      }) : () -> ()
    } else {
    }
    %eq3A_45 = arith.constant 0 : i32
    %eq3A_46 = arith.cmpi eq, %arg1, %eq3A_45 : i32
    %eq3A_47 = arith.constant 1 : i32
    %eq3A_48 = arith.cmpi eq, %arg0, %eq3A_47 : i32
    %and3A_49 = arith.andi %eq3A_46, %eq3A_48 : i1
    %convert_element_type3A_50 = arith.extui %and3A_49 : i1 to i32
    %cond3A_51 = arith.constant 0 : i32
    %cond3A_52 = arith.cmpi ne, %convert_element_type3A_50, %cond3A_51 : i32
    scf.if %cond3A_52 {
      %run_scoped3A = arith.constant 0 : i32
      %run_scoped3A_114 = arith.constant 1 : i32
      "tpu.region"() ({
        %run_scoped3A_115 = tpu.sem_alloc : memref<!tpu.dma_semaphore, #tpu.memory_space<semaphore_mem>>
        %dma_start3A = arith.constant 0 : i32
        %dma_start3A_116 = arith.constant 0 : i32
        %dma_start3A_117 = tpu.memref_slice %arg11[%run_scoped3A, %run_scoped3A_114, %dma_start3A, %dma_start3A_116] : memref<2x2x10000x128xf32, #tpu.memory_space<hbm>> -> memref<1x1x10000x128xf32, #tpu.memory_space<hbm>>
        %dma_start3A_118 = tpu.memref_squeeze %dma_start3A_117 : memref<1x1x10000x128xf32, #tpu.memory_space<hbm>> -> memref<10000x128xf32, #tpu.memory_space<hbm>>
        tpu.enqueue_dma source(%arg21 : memref<10000x128xf32, #tpu.memory_space<vmem_shared>>) target(%dma_start3A_118 : memref<10000x128xf32, #tpu.memory_space<hbm>>) target_semaphore(%run_scoped3A_115 : memref<!tpu.dma_semaphore, #tpu.memory_space<semaphore_mem>>)
        %dma_wait3A = arith.constant 0 : i32
        %dma_wait3A_119 = arith.constant 0 : i32
        %dma_wait3A_120 = tpu.memref_slice %arg11[%run_scoped3A, %run_scoped3A_114, %dma_wait3A, %dma_wait3A_119] : memref<2x2x10000x128xf32, #tpu.memory_space<hbm>> -> memref<1x1x10000x128xf32, #tpu.memory_space<hbm>>
        %dma_wait3A_121 = tpu.memref_squeeze %dma_wait3A_120 : memref<1x1x10000x128xf32, #tpu.memory_space<hbm>> -> memref<10000x128xf32, #tpu.memory_space<hbm>>
        tpu.wait_dma2 semaphore(%run_scoped3A_115 : memref<!tpu.dma_semaphore, #tpu.memory_space<semaphore_mem>>) src(%arg21 : memref<10000x128xf32, #tpu.memory_space<vmem_shared>>) dst(%dma_wait3A_121 : memref<10000x128xf32, #tpu.memory_space<hbm>>)
        tpu.yield
      }) : () -> ()
    } else {
    }
    %barrier3A_53 = arith.constant 0 : index
    tpu.barrier barrier_id(%barrier3A_53)
    %eq3A_54 = arith.constant 0 : i32
    %eq3A_55 = arith.cmpi eq, %arg1, %eq3A_54 : i32
    %convert_element_type3A_56 = arith.extui %eq3A_55 : i1 to i32
    %cond3A_57 = arith.constant 0 : i32
    %cond3A_58 = arith.cmpi ne, %convert_element_type3A_56, %cond3A_57 : i32
    scf.if %cond3A_58 {
      "tpu.region"() ({
        %run_scoped3A = tpu.sem_alloc : memref<!tpu.dma_semaphore, #tpu.memory_space<semaphore_mem>>
        tpu.enqueue_dma source(%arg9 : memref<10000x128xf32, #tpu.memory_space<hbm>>) target(%arg21 : memref<10000x128xf32, #tpu.memory_space<vmem_shared>>) target_semaphore(%run_scoped3A : memref<!tpu.dma_semaphore, #tpu.memory_space<semaphore_mem>>)
        tpu.wait_dma2 semaphore(%run_scoped3A : memref<!tpu.dma_semaphore, #tpu.memory_space<semaphore_mem>>) src(%arg9 : memref<10000x128xf32, #tpu.memory_space<hbm>>) dst(%arg21 : memref<10000x128xf32, #tpu.memory_space<vmem_shared>>)
        tpu.yield
      }) : () -> ()
    } else {
    }
    %barrier3A_59 = arith.constant 0 : index
    tpu.barrier barrier_id(%barrier3A_59)
    %scan3A_60 = arith.constant 0 : i32
    %scan3A_61 = arith.constant 0 : i32
    %scan3A_62 = arith.constant 79 : i32
    %scan3A_63 = arith.addi %scan3A_61, %scan3A_62 : i32
    %scan3A_64 = arith.constant 1 : i32
    scf.for %scan3A_114 = %scan3A_61 to %scan3A_63 step %scan3A_64  : i32 {
      %mul3A = arith.constant 16 : i32
      %mul3A_115 = arith.muli %scan3A_114, %mul3A : i32
      %add3A = arith.addi %arg1, %mul3A_115 : i32
      %lt3A = arith.constant 1250 : i32
      %lt3A_116 = arith.cmpi slt, %add3A, %lt3A : i32
      %convert_element_type3A_117 = arith.extui %lt3A_116 : i1 to i32
      %cond3A_118 = arith.constant 0 : i32
      %cond3A_119 = arith.cmpi ne, %convert_element_type3A_117, %cond3A_118 : i32
      scf.if %cond3A_119 {
        %mul3A_120 = arith.constant 128 : i32
        %mul3A_121 = arith.muli %add3A, %mul3A_120 : i32
        "tpu.region"() ({
          %run_scoped3A = tpu.sem_alloc : memref<!tpu.dma_semaphore, #tpu.memory_space<semaphore_mem>>
          %dma_start3A_148 = arith.constant 0 : i32
          %dma_start3A_149 = tpu.memref_slice %arg8[%dma_start3A_148, %mul3A_121] : memref<2x160000xi32, #tpu.memory_space<hbm>> -> memref<2x128xi32, #tpu.memory_space<hbm>>
          %dma_start3A_150 = arith.constant 0 : i32
          %dma_start3A_151 = tpu.memref_slice %arg8[%dma_start3A_150, %mul3A_121] : memref<2x160000xi32, #tpu.memory_space<hbm>> -> memref<2x128xi32, #tpu.memory_space<hbm>>
          tpu.enqueue_dma source(%dma_start3A_151 : memref<2x128xi32, #tpu.memory_space<hbm>>) target(%arg12 : memref<2x128xi32, #tpu.memory_space<vmem>>) target_semaphore(%run_scoped3A : memref<!tpu.dma_semaphore, #tpu.memory_space<semaphore_mem>>)
          %dma_wait3A_152 = arith.constant 0 : i32
          %dma_wait3A_153 = tpu.memref_slice %arg8[%dma_wait3A_152, %mul3A_121] : memref<2x160000xi32, #tpu.memory_space<hbm>> -> memref<2x128xi32, #tpu.memory_space<hbm>>
          %dma_wait3A_154 = arith.constant 0 : i32
          %dma_wait3A_155 = tpu.memref_slice %arg8[%dma_wait3A_154, %mul3A_121] : memref<2x160000xi32, #tpu.memory_space<hbm>> -> memref<2x128xi32, #tpu.memory_space<hbm>>
          tpu.wait_dma2 semaphore(%run_scoped3A : memref<!tpu.dma_semaphore, #tpu.memory_space<semaphore_mem>>) src(%dma_wait3A_155 : memref<2x128xi32, #tpu.memory_space<hbm>>) dst(%arg12 : memref<2x128xi32, #tpu.memory_space<vmem>>)
          tpu.yield
        }) : () -> ()
        %scan3A_122 = arith.constant 0 : i32
        %scan3A_123 = arith.constant 0 : i32
        %scan3A_124 = arith.constant 8 : i32
        %scan3A_125 = arith.addi %scan3A_123, %scan3A_124 : i32
        %scan3A_126 = arith.constant 1 : i32
        scf.for %scan3A_148 = %scan3A_123 to %scan3A_125 step %scan3A_126  : i32 {
          %mul3A_149 = arith.constant 16 : i32
          %mul3A_150 = arith.muli %scan3A_148, %mul3A_149 : i32
          %add3A_151 = vector.broadcast %mul3A_150 : i32 to vector<16xi32>
          %add3A_152 = arith.addi %add3A_151, %iota3A : vector<16xi32>
          %broadcast_in_dim3A = arith.constant 0 : i32
          %broadcast_in_dim3A_153 = vector.broadcast %broadcast_in_dim3A : i32 to vector<16xi32>
          %gather3A = tpu.vector_load_idx %arg12[%broadcast_in_dim3A_153, %add3A_152] : memref<2x128xi32, #tpu.memory_space<vmem>>[vector<16xi32>, vector<16xi32>], vector<16xi32>,
          tpu.vector_store_idx %arg13[%add3A_152], %gather3A : memref<128xi32, #tpu.memory_space<vmem>>[vector<16xi32>], vector<16xi32>,
          %broadcast_in_dim3A_154 = arith.constant 1 : i32
          %broadcast_in_dim3A_155 = vector.broadcast %broadcast_in_dim3A_154 : i32 to vector<16xi32>
          %gather3A_156 = tpu.vector_load_idx %arg12[%broadcast_in_dim3A_155, %add3A_152] : memref<2x128xi32, #tpu.memory_space<vmem>>[vector<16xi32>, vector<16xi32>], vector<16xi32>,
          tpu.vector_store_idx %arg14[%add3A_152], %gather3A_156 : memref<128xi32, #tpu.memory_space<vmem>>[vector<16xi32>], vector<16xi32>,
        }
        %scan3A_127 = arith.constant 8 : i32
        %dma_start3A = arith.constant 0 : i32
        %dma_start3A_128 = arith.constant 0 : i32
        %dma_start3A_129 = tpu.memref_slice %arg2[%dma_start3A, %dma_start3A_128] : memref<10000x128xf32, #tpu.memory_space<hbm>> -> memref<10000x128xf32, #tpu.memory_space<hbm>>
        tpu.enqueue_indirect_dma source(%dma_start3A_129 : memref<10000x128xf32, #tpu.memory_space<hbm>>) target(%arg15 : memref<128x128xf32, #tpu.memory_space<vmem>>) offsets(%arg13 : memref<128xi32, #tpu.memory_space<vmem>>) semaphore(%arg19 : memref<!tpu.dma_semaphore, #tpu.memory_space<semaphore_mem>>)
        %eq3A_130 = arith.constant 0 : i32
        %eq3A_131 = arith.cmpi eq, %arg0, %eq3A_130 : i32
        %convert_element_type3A_132 = arith.extui %eq3A_131 : i1 to i32
        %cond3A_133 = arith.constant 0 : i32
        %cond3A_134 = arith.cmpi ne, %convert_element_type3A_132, %cond3A_133 : i32
        scf.if %cond3A_134 {
          "tpu.region"() ({
            %run_scoped3A = tpu.sem_alloc : memref<!tpu.dma_semaphore, #tpu.memory_space<semaphore_mem>>
            %dma_start3A_154 = arith.constant 0 : i32
            %dma_start3A_155 = tpu.memref_slice %arg4[%dma_start3A_154, %mul3A_121] : memref<2x160000xf32, #tpu.memory_space<hbm>> -> memref<2x128xf32, #tpu.memory_space<hbm>>
            %dma_start3A_156 = arith.constant 0 : i32
            %dma_start3A_157 = tpu.memref_slice %arg4[%dma_start3A_156, %mul3A_121] : memref<2x160000xf32, #tpu.memory_space<hbm>> -> memref<2x128xf32, #tpu.memory_space<hbm>>
            tpu.enqueue_dma source(%dma_start3A_157 : memref<2x128xf32, #tpu.memory_space<hbm>>) target(%arg16 : memref<2x128xf32, #tpu.memory_space<vmem>>) target_semaphore(%run_scoped3A : memref<!tpu.dma_semaphore, #tpu.memory_space<semaphore_mem>>)
            %dma_wait3A_158 = arith.constant 0 : i32
            %dma_wait3A_159 = tpu.memref_slice %arg4[%dma_wait3A_158, %mul3A_121] : memref<2x160000xf32, #tpu.memory_space<hbm>> -> memref<2x128xf32, #tpu.memory_space<hbm>>
            %dma_wait3A_160 = arith.constant 0 : i32
            %dma_wait3A_161 = tpu.memref_slice %arg4[%dma_wait3A_160, %mul3A_121] : memref<2x160000xf32, #tpu.memory_space<hbm>> -> memref<2x128xf32, #tpu.memory_space<hbm>>
            tpu.wait_dma2 semaphore(%run_scoped3A : memref<!tpu.dma_semaphore, #tpu.memory_space<semaphore_mem>>) src(%dma_wait3A_161 : memref<2x128xf32, #tpu.memory_space<hbm>>) dst(%arg16 : memref<2x128xf32, #tpu.memory_space<vmem>>)
            tpu.yield
          }) : () -> ()
          %dma_start3A_148 = arith.constant 0 : i32
          %dma_start3A_149 = arith.constant 0 : i32
          %dma_start3A_150 = tpu.memref_slice %arg6[%dma_start3A_148, %dma_start3A_149] : memref<10000x128xf32, #tpu.memory_space<hbm>> -> memref<10000x128xf32, #tpu.memory_space<hbm>>
          tpu.enqueue_indirect_dma source(%dma_start3A_150 : memref<10000x128xf32, #tpu.memory_space<hbm>>) target(%arg17 : memref<128x128xf32, #tpu.memory_space<vmem>>) offsets(%arg14 : memref<128xi32, #tpu.memory_space<vmem>>) semaphore(%arg20 : memref<!tpu.dma_semaphore, #tpu.memory_space<semaphore_mem>>)
          %dma_wait3A_151 = arith.constant 0 : i32
          %dma_wait3A_152 = arith.constant 0 : i32
          %dma_wait3A_153 = tpu.memref_slice %arg6[%dma_wait3A_151, %dma_wait3A_152] : memref<10000x128xf32, #tpu.memory_space<hbm>> -> memref<10000x128xf32, #tpu.memory_space<hbm>>
          tpu.wait_indirect_dma semaphore(%arg20 : memref<!tpu.dma_semaphore, #tpu.memory_space<semaphore_mem>>) src(%dma_wait3A_153 : memref<10000x128xf32, #tpu.memory_space<hbm>>) dst(%arg17 : memref<128x128xf32, #tpu.memory_space<vmem>>)
        } else {
        }
        %eq3A_135 = arith.constant 1 : i32
        %eq3A_136 = arith.cmpi eq, %arg0, %eq3A_135 : i32
        %convert_element_type3A_137 = arith.extui %eq3A_136 : i1 to i32
        %cond3A_138 = arith.constant 0 : i32
        %cond3A_139 = arith.cmpi ne, %convert_element_type3A_137, %cond3A_138 : i32
        scf.if %cond3A_139 {
          "tpu.region"() ({
            %run_scoped3A = tpu.sem_alloc : memref<!tpu.dma_semaphore, #tpu.memory_space<semaphore_mem>>
            %dma_start3A_154 = arith.constant 0 : i32
            %dma_start3A_155 = tpu.memref_slice %arg5[%dma_start3A_154, %mul3A_121] : memref<2x160000xf32, #tpu.memory_space<hbm>> -> memref<2x128xf32, #tpu.memory_space<hbm>>
            %dma_start3A_156 = arith.constant 0 : i32
            %dma_start3A_157 = tpu.memref_slice %arg5[%dma_start3A_156, %mul3A_121] : memref<2x160000xf32, #tpu.memory_space<hbm>> -> memref<2x128xf32, #tpu.memory_space<hbm>>
            tpu.enqueue_dma source(%dma_start3A_157 : memref<2x128xf32, #tpu.memory_space<hbm>>) target(%arg16 : memref<2x128xf32, #tpu.memory_space<vmem>>) target_semaphore(%run_scoped3A : memref<!tpu.dma_semaphore, #tpu.memory_space<semaphore_mem>>)
            %dma_wait3A_158 = arith.constant 0 : i32
            %dma_wait3A_159 = tpu.memref_slice %arg5[%dma_wait3A_158, %mul3A_121] : memref<2x160000xf32, #tpu.memory_space<hbm>> -> memref<2x128xf32, #tpu.memory_space<hbm>>
            %dma_wait3A_160 = arith.constant 0 : i32
            %dma_wait3A_161 = tpu.memref_slice %arg5[%dma_wait3A_160, %mul3A_121] : memref<2x160000xf32, #tpu.memory_space<hbm>> -> memref<2x128xf32, #tpu.memory_space<hbm>>
            tpu.wait_dma2 semaphore(%run_scoped3A : memref<!tpu.dma_semaphore, #tpu.memory_space<semaphore_mem>>) src(%dma_wait3A_161 : memref<2x128xf32, #tpu.memory_space<hbm>>) dst(%arg16 : memref<2x128xf32, #tpu.memory_space<vmem>>)
            tpu.yield
          }) : () -> ()
          %dma_start3A_148 = arith.constant 0 : i32
          %dma_start3A_149 = arith.constant 0 : i32
          %dma_start3A_150 = tpu.memref_slice %arg7[%dma_start3A_148, %dma_start3A_149] : memref<10000x128xf32, #tpu.memory_space<hbm>> -> memref<10000x128xf32, #tpu.memory_space<hbm>>
          tpu.enqueue_indirect_dma source(%dma_start3A_150 : memref<10000x128xf32, #tpu.memory_space<hbm>>) target(%arg17 : memref<128x128xf32, #tpu.memory_space<vmem>>) offsets(%arg14 : memref<128xi32, #tpu.memory_space<vmem>>) semaphore(%arg20 : memref<!tpu.dma_semaphore, #tpu.memory_space<semaphore_mem>>)
          %dma_wait3A_151 = arith.constant 0 : i32
          %dma_wait3A_152 = arith.constant 0 : i32
          %dma_wait3A_153 = tpu.memref_slice %arg7[%dma_wait3A_151, %dma_wait3A_152] : memref<10000x128xf32, #tpu.memory_space<hbm>> -> memref<10000x128xf32, #tpu.memory_space<hbm>>
          tpu.wait_indirect_dma semaphore(%arg20 : memref<!tpu.dma_semaphore, #tpu.memory_space<semaphore_mem>>) src(%dma_wait3A_153 : memref<10000x128xf32, #tpu.memory_space<hbm>>) dst(%arg17 : memref<128x128xf32, #tpu.memory_space<vmem>>)
        } else {
        }
        %dma_wait3A = arith.constant 0 : i32
        %dma_wait3A_140 = arith.constant 0 : i32
        %dma_wait3A_141 = tpu.memref_slice %arg2[%dma_wait3A, %dma_wait3A_140] : memref<10000x128xf32, #tpu.memory_space<hbm>> -> memref<10000x128xf32, #tpu.memory_space<hbm>>
        tpu.wait_indirect_dma semaphore(%arg19 : memref<!tpu.dma_semaphore, #tpu.memory_space<semaphore_mem>>) src(%dma_wait3A_141 : memref<10000x128xf32, #tpu.memory_space<hbm>>) dst(%arg15 : memref<128x128xf32, #tpu.memory_space<vmem>>)
        %scan3A_142 = arith.constant 0 : i32
        %scan3A_143 = arith.constant 0 : i32
        %scan3A_144 = arith.constant 8 : i32
        %scan3A_145 = arith.addi %scan3A_143, %scan3A_144 : i32
        %scan3A_146 = arith.constant 1 : i32
        scf.for %scan3A_148 = %scan3A_143 to %scan3A_145 step %scan3A_146  : i32 {
          %mul3A_149 = arith.constant 16 : i32
          %mul3A_150 = arith.muli %scan3A_148, %mul3A_149 : i32
          %add3A_151 = vector.broadcast %mul3A_150 : i32 to vector<16xi32>
          %add3A_152 = arith.addi %add3A_151, %iota3A : vector<16xi32>
          %broadcast_in_dim3A = arith.constant 1 : i32
          %broadcast_in_dim3A_153 = vector.broadcast %broadcast_in_dim3A : i32 to vector<16xi32>
          %gather3A = tpu.vector_load_idx %arg16[%broadcast_in_dim3A_153, %add3A_152] : memref<2x128xf32, #tpu.memory_space<vmem>>[vector<16xi32>, vector<16xi32>], vector<16xf32>,
          %gather3A_154 = tpu.vector_load_idx %arg17[%add3A_152, %broadcast_in_dim3A_153] : memref<128x128xf32, #tpu.memory_space<vmem>>[vector<16xi32>, vector<16xi32>], vector<16xf32>,
          %add3A_155 = arith.constant 9.99999971E-10 : f32
          %add3A_156 = vector.broadcast %add3A_155 : f32 to vector<16xf32>
          %add3A_157 = arith.addf %gather3A_154, %add3A_156 : vector<16xf32>
          %div3A = arith.divf %gather3A, %add3A_157 : vector<16xf32>
          %scan3A_158 = arith.constant 0 : i32
          %scan3A_159 = arith.constant 0 : i32
          %scan3A_160 = arith.constant 128 : i32
          %scan3A_161 = arith.addi %scan3A_159, %scan3A_160 : i32
          %scan3A_162 = arith.constant 1 : i32
          scf.for %scan3A_164 = %scan3A_159 to %scan3A_161 step %scan3A_162  : i32 {
            %broadcast_in_dim3A_165 = vector.broadcast %scan3A_164 : i32 to vector<16xi32>
            %gather3A_166 = tpu.vector_load_idx %arg15[%add3A_152, %broadcast_in_dim3A_165] : memref<128x128xf32, #tpu.memory_space<vmem>>[vector<16xi32>, vector<16xi32>], vector<16xf32>,
            %mul3A_167 = arith.mulf %div3A, %gather3A_166 : vector<16xf32>
            tpu.vector_store_idx %arg18[%add3A_152, %broadcast_in_dim3A_165], %mul3A_167 : memref<128x128xf32, #tpu.memory_space<vmem>>[vector<16xi32>, vector<16xi32>], vector<16xf32>,
          }
          %scan3A_163 = arith.constant 128 : i32
        }
        %scan3A_147 = arith.constant 8 : i32
        "tpu.region"() ({
          %run_scoped3A = tpu.sem_alloc : memref<!tpu.dma_semaphore, #tpu.memory_space<semaphore_mem>>
          %dma_start3A_148 = arith.constant 0 : i32
          %dma_start3A_149 = arith.constant 0 : i32
          %dma_start3A_150 = tpu.memref_slice %arg21[%dma_start3A_148, %dma_start3A_149] : memref<10000x128xf32, #tpu.memory_space<vmem_shared>> -> memref<10000x128xf32, #tpu.memory_space<vmem_shared>>
          tpu.enqueue_indirect_dma source(%arg18 : memref<128x128xf32, #tpu.memory_space<vmem>>) target(%dma_start3A_150 : memref<10000x128xf32, #tpu.memory_space<vmem_shared>>) offsets(%arg14 : memref<128xi32, #tpu.memory_space<vmem>>) semaphore(%run_scoped3A : memref<!tpu.dma_semaphore, #tpu.memory_space<semaphore_mem>>) {add = true}
          %dma_wait3A_151 = arith.constant 0 : i32
          %dma_wait3A_152 = arith.constant 0 : i32
          %dma_wait3A_153 = tpu.memref_slice %arg21[%dma_wait3A_151, %dma_wait3A_152] : memref<10000x128xf32, #tpu.memory_space<vmem_shared>> -> memref<10000x128xf32, #tpu.memory_space<vmem_shared>>
          tpu.wait_indirect_dma semaphore(%run_scoped3A : memref<!tpu.dma_semaphore, #tpu.memory_space<semaphore_mem>>) src(%arg18 : memref<128x128xf32, #tpu.memory_space<vmem>>) dst(%dma_wait3A_153 : memref<10000x128xf32, #tpu.memory_space<vmem_shared>>)
          tpu.yield
        }) : () -> ()
      } else {
      }
    }
    %scan3A_65 = arith.constant 79 : i32
    %barrier3A_66 = arith.constant 0 : index
    tpu.barrier barrier_id(%barrier3A_66)
    %eq3A_67 = arith.constant 0 : i32
    %eq3A_68 = arith.cmpi eq, %arg1, %eq3A_67 : i32
    %eq3A_69 = arith.constant 0 : i32
    %eq3A_70 = arith.cmpi eq, %arg0, %eq3A_69 : i32
    %and3A_71 = arith.andi %eq3A_68, %eq3A_70 : i1
    %convert_element_type3A_72 = arith.extui %and3A_71 : i1 to i32
    %cond3A_73 = arith.constant 0 : i32
    %cond3A_74 = arith.cmpi ne, %convert_element_type3A_72, %cond3A_73 : i32
    scf.if %cond3A_74 {
      %run_scoped3A = arith.constant 1 : i32
      %run_scoped3A_114 = arith.constant 0 : i32
      "tpu.region"() ({
        %run_scoped3A_115 = tpu.sem_alloc : memref<!tpu.dma_semaphore, #tpu.memory_space<semaphore_mem>>
        %dma_start3A = arith.constant 0 : i32
        %dma_start3A_116 = arith.constant 0 : i32
        %dma_start3A_117 = tpu.memref_slice %arg10[%run_scoped3A, %run_scoped3A_114, %dma_start3A, %dma_start3A_116] : memref<2x2x10000x128xf32, #tpu.memory_space<hbm>> -> memref<1x1x10000x128xf32, #tpu.memory_space<hbm>>
        %dma_start3A_118 = tpu.memref_squeeze %dma_start3A_117 : memref<1x1x10000x128xf32, #tpu.memory_space<hbm>> -> memref<10000x128xf32, #tpu.memory_space<hbm>>
        tpu.enqueue_dma source(%arg21 : memref<10000x128xf32, #tpu.memory_space<vmem_shared>>) target(%dma_start3A_118 : memref<10000x128xf32, #tpu.memory_space<hbm>>) target_semaphore(%run_scoped3A_115 : memref<!tpu.dma_semaphore, #tpu.memory_space<semaphore_mem>>)
        %dma_wait3A = arith.constant 0 : i32
        %dma_wait3A_119 = arith.constant 0 : i32
        %dma_wait3A_120 = tpu.memref_slice %arg10[%run_scoped3A, %run_scoped3A_114, %dma_wait3A, %dma_wait3A_119] : memref<2x2x10000x128xf32, #tpu.memory_space<hbm>> -> memref<1x1x10000x128xf32, #tpu.memory_space<hbm>>
        %dma_wait3A_121 = tpu.memref_squeeze %dma_wait3A_120 : memref<1x1x10000x128xf32, #tpu.memory_space<hbm>> -> memref<10000x128xf32, #tpu.memory_space<hbm>>
        tpu.wait_dma2 semaphore(%run_scoped3A_115 : memref<!tpu.dma_semaphore, #tpu.memory_space<semaphore_mem>>) src(%arg21 : memref<10000x128xf32, #tpu.memory_space<vmem_shared>>) dst(%dma_wait3A_121 : memref<10000x128xf32, #tpu.memory_space<hbm>>)
        tpu.yield
      }) : () -> ()
    } else {
    }
    %eq3A_75 = arith.constant 0 : i32
    %eq3A_76 = arith.cmpi eq, %arg1, %eq3A_75 : i32
    %eq3A_77 = arith.constant 1 : i32
    %eq3A_78 = arith.cmpi eq, %arg0, %eq3A_77 : i32
    %and3A_79 = arith.andi %eq3A_76, %eq3A_78 : i1
    %convert_element_type3A_80 = arith.extui %and3A_79 : i1 to i32
    %cond3A_81 = arith.constant 0 : i32
    %cond3A_82 = arith.cmpi ne, %convert_element_type3A_80, %cond3A_81 : i32
    scf.if %cond3A_82 {
      %run_scoped3A = arith.constant 1 : i32
      %run_scoped3A_114 = arith.constant 0 : i32
      "tpu.region"() ({
        %run_scoped3A_115 = tpu.sem_alloc : memref<!tpu.dma_semaphore, #tpu.memory_space<semaphore_mem>>
        %dma_start3A = arith.constant 0 : i32
        %dma_start3A_116 = arith.constant 0 : i32
        %dma_start3A_117 = tpu.memref_slice %arg11[%run_scoped3A, %run_scoped3A_114, %dma_start3A, %dma_start3A_116] : memref<2x2x10000x128xf32, #tpu.memory_space<hbm>> -> memref<1x1x10000x128xf32, #tpu.memory_space<hbm>>
        %dma_start3A_118 = tpu.memref_squeeze %dma_start3A_117 : memref<1x1x10000x128xf32, #tpu.memory_space<hbm>> -> memref<10000x128xf32, #tpu.memory_space<hbm>>
        tpu.enqueue_dma source(%arg21 : memref<10000x128xf32, #tpu.memory_space<vmem_shared>>) target(%dma_start3A_118 : memref<10000x128xf32, #tpu.memory_space<hbm>>) target_semaphore(%run_scoped3A_115 : memref<!tpu.dma_semaphore, #tpu.memory_space<semaphore_mem>>)
        %dma_wait3A = arith.constant 0 : i32
        %dma_wait3A_119 = arith.constant 0 : i32
        %dma_wait3A_120 = tpu.memref_slice %arg11[%run_scoped3A, %run_scoped3A_114, %dma_wait3A, %dma_wait3A_119] : memref<2x2x10000x128xf32, #tpu.memory_space<hbm>> -> memref<1x1x10000x128xf32, #tpu.memory_space<hbm>>
        %dma_wait3A_121 = tpu.memref_squeeze %dma_wait3A_120 : memref<1x1x10000x128xf32, #tpu.memory_space<hbm>> -> memref<10000x128xf32, #tpu.memory_space<hbm>>
        tpu.wait_dma2 semaphore(%run_scoped3A_115 : memref<!tpu.dma_semaphore, #tpu.memory_space<semaphore_mem>>) src(%arg21 : memref<10000x128xf32, #tpu.memory_space<vmem_shared>>) dst(%dma_wait3A_121 : memref<10000x128xf32, #tpu.memory_space<hbm>>)
        tpu.yield
      }) : () -> ()
    } else {
    }
    %barrier3A_83 = arith.constant 0 : index
    tpu.barrier barrier_id(%barrier3A_83)
    %eq3A_84 = arith.constant 0 : i32
    %eq3A_85 = arith.cmpi eq, %arg1, %eq3A_84 : i32
    %convert_element_type3A_86 = arith.extui %eq3A_85 : i1 to i32
    %cond3A_87 = arith.constant 0 : i32
    %cond3A_88 = arith.cmpi ne, %convert_element_type3A_86, %cond3A_87 : i32
    scf.if %cond3A_88 {
      "tpu.region"() ({
        %run_scoped3A = tpu.sem_alloc : memref<!tpu.dma_semaphore, #tpu.memory_space<semaphore_mem>>
        tpu.enqueue_dma source(%arg9 : memref<10000x128xf32, #tpu.memory_space<hbm>>) target(%arg21 : memref<10000x128xf32, #tpu.memory_space<vmem_shared>>) target_semaphore(%run_scoped3A : memref<!tpu.dma_semaphore, #tpu.memory_space<semaphore_mem>>)
        tpu.wait_dma2 semaphore(%run_scoped3A : memref<!tpu.dma_semaphore, #tpu.memory_space<semaphore_mem>>) src(%arg9 : memref<10000x128xf32, #tpu.memory_space<hbm>>) dst(%arg21 : memref<10000x128xf32, #tpu.memory_space<vmem_shared>>)
        tpu.yield
      }) : () -> ()
    } else {
    }
    %barrier3A_89 = arith.constant 0 : index
    tpu.barrier barrier_id(%barrier3A_89)
    %scan3A_90 = arith.constant 0 : i32
    %scan3A_91 = arith.constant 0 : i32
    %scan3A_92 = arith.constant 79 : i32
    %scan3A_93 = arith.addi %scan3A_91, %scan3A_92 : i32
    %scan3A_94 = arith.constant 1 : i32
    scf.for %scan3A_114 = %scan3A_91 to %scan3A_93 step %scan3A_94  : i32 {
      %mul3A = arith.constant 16 : i32
      %mul3A_115 = arith.muli %scan3A_114, %mul3A : i32
      %add3A = arith.addi %arg1, %mul3A_115 : i32
      %lt3A = arith.constant 1250 : i32
      %lt3A_116 = arith.cmpi slt, %add3A, %lt3A : i32
      %convert_element_type3A_117 = arith.extui %lt3A_116 : i1 to i32
      %cond3A_118 = arith.constant 0 : i32
      %cond3A_119 = arith.cmpi ne, %convert_element_type3A_117, %cond3A_118 : i32
      scf.if %cond3A_119 {
        %mul3A_120 = arith.constant 128 : i32
        %mul3A_121 = arith.muli %add3A, %mul3A_120 : i32
        "tpu.region"() ({
          %run_scoped3A = tpu.sem_alloc : memref<!tpu.dma_semaphore, #tpu.memory_space<semaphore_mem>>
          %dma_start3A_148 = arith.constant 0 : i32
          %dma_start3A_149 = tpu.memref_slice %arg8[%dma_start3A_148, %mul3A_121] : memref<2x160000xi32, #tpu.memory_space<hbm>> -> memref<2x128xi32, #tpu.memory_space<hbm>>
          %dma_start3A_150 = arith.constant 0 : i32
          %dma_start3A_151 = tpu.memref_slice %arg8[%dma_start3A_150, %mul3A_121] : memref<2x160000xi32, #tpu.memory_space<hbm>> -> memref<2x128xi32, #tpu.memory_space<hbm>>
          tpu.enqueue_dma source(%dma_start3A_151 : memref<2x128xi32, #tpu.memory_space<hbm>>) target(%arg12 : memref<2x128xi32, #tpu.memory_space<vmem>>) target_semaphore(%run_scoped3A : memref<!tpu.dma_semaphore, #tpu.memory_space<semaphore_mem>>)
          %dma_wait3A_152 = arith.constant 0 : i32
          %dma_wait3A_153 = tpu.memref_slice %arg8[%dma_wait3A_152, %mul3A_121] : memref<2x160000xi32, #tpu.memory_space<hbm>> -> memref<2x128xi32, #tpu.memory_space<hbm>>
          %dma_wait3A_154 = arith.constant 0 : i32
          %dma_wait3A_155 = tpu.memref_slice %arg8[%dma_wait3A_154, %mul3A_121] : memref<2x160000xi32, #tpu.memory_space<hbm>> -> memref<2x128xi32, #tpu.memory_space<hbm>>
          tpu.wait_dma2 semaphore(%run_scoped3A : memref<!tpu.dma_semaphore, #tpu.memory_space<semaphore_mem>>) src(%dma_wait3A_155 : memref<2x128xi32, #tpu.memory_space<hbm>>) dst(%arg12 : memref<2x128xi32, #tpu.memory_space<vmem>>)
          tpu.yield
        }) : () -> ()
        %scan3A_122 = arith.constant 0 : i32
        %scan3A_123 = arith.constant 0 : i32
        %scan3A_124 = arith.constant 8 : i32
        %scan3A_125 = arith.addi %scan3A_123, %scan3A_124 : i32
        %scan3A_126 = arith.constant 1 : i32
        scf.for %scan3A_148 = %scan3A_123 to %scan3A_125 step %scan3A_126  : i32 {
          %mul3A_149 = arith.constant 16 : i32
          %mul3A_150 = arith.muli %scan3A_148, %mul3A_149 : i32
          %add3A_151 = vector.broadcast %mul3A_150 : i32 to vector<16xi32>
          %add3A_152 = arith.addi %add3A_151, %iota3A : vector<16xi32>
          %broadcast_in_dim3A = arith.constant 0 : i32
          %broadcast_in_dim3A_153 = vector.broadcast %broadcast_in_dim3A : i32 to vector<16xi32>
          %gather3A = tpu.vector_load_idx %arg12[%broadcast_in_dim3A_153, %add3A_152] : memref<2x128xi32, #tpu.memory_space<vmem>>[vector<16xi32>, vector<16xi32>], vector<16xi32>,
          tpu.vector_store_idx %arg13[%add3A_152], %gather3A : memref<128xi32, #tpu.memory_space<vmem>>[vector<16xi32>], vector<16xi32>,
          %broadcast_in_dim3A_154 = arith.constant 1 : i32
          %broadcast_in_dim3A_155 = vector.broadcast %broadcast_in_dim3A_154 : i32 to vector<16xi32>
          %gather3A_156 = tpu.vector_load_idx %arg12[%broadcast_in_dim3A_155, %add3A_152] : memref<2x128xi32, #tpu.memory_space<vmem>>[vector<16xi32>, vector<16xi32>], vector<16xi32>,
          tpu.vector_store_idx %arg14[%add3A_152], %gather3A_156 : memref<128xi32, #tpu.memory_space<vmem>>[vector<16xi32>], vector<16xi32>,
        }
        %scan3A_127 = arith.constant 8 : i32
        %dma_start3A = arith.constant 0 : i32
        %dma_start3A_128 = arith.constant 0 : i32
        %dma_start3A_129 = tpu.memref_slice %arg3[%dma_start3A, %dma_start3A_128] : memref<10000x128xf32, #tpu.memory_space<hbm>> -> memref<10000x128xf32, #tpu.memory_space<hbm>>
        tpu.enqueue_indirect_dma source(%dma_start3A_129 : memref<10000x128xf32, #tpu.memory_space<hbm>>) target(%arg15 : memref<128x128xf32, #tpu.memory_space<vmem>>) offsets(%arg13 : memref<128xi32, #tpu.memory_space<vmem>>) semaphore(%arg19 : memref<!tpu.dma_semaphore, #tpu.memory_space<semaphore_mem>>)
        %eq3A_130 = arith.constant 0 : i32
        %eq3A_131 = arith.cmpi eq, %arg0, %eq3A_130 : i32
        %convert_element_type3A_132 = arith.extui %eq3A_131 : i1 to i32
        %cond3A_133 = arith.constant 0 : i32
        %cond3A_134 = arith.cmpi ne, %convert_element_type3A_132, %cond3A_133 : i32
        scf.if %cond3A_134 {
          "tpu.region"() ({
            %run_scoped3A = tpu.sem_alloc : memref<!tpu.dma_semaphore, #tpu.memory_space<semaphore_mem>>
            %dma_start3A_154 = arith.constant 0 : i32
            %dma_start3A_155 = tpu.memref_slice %arg4[%dma_start3A_154, %mul3A_121] : memref<2x160000xf32, #tpu.memory_space<hbm>> -> memref<2x128xf32, #tpu.memory_space<hbm>>
            %dma_start3A_156 = arith.constant 0 : i32
            %dma_start3A_157 = tpu.memref_slice %arg4[%dma_start3A_156, %mul3A_121] : memref<2x160000xf32, #tpu.memory_space<hbm>> -> memref<2x128xf32, #tpu.memory_space<hbm>>
            tpu.enqueue_dma source(%dma_start3A_157 : memref<2x128xf32, #tpu.memory_space<hbm>>) target(%arg16 : memref<2x128xf32, #tpu.memory_space<vmem>>) target_semaphore(%run_scoped3A : memref<!tpu.dma_semaphore, #tpu.memory_space<semaphore_mem>>)
            %dma_wait3A_158 = arith.constant 0 : i32
            %dma_wait3A_159 = tpu.memref_slice %arg4[%dma_wait3A_158, %mul3A_121] : memref<2x160000xf32, #tpu.memory_space<hbm>> -> memref<2x128xf32, #tpu.memory_space<hbm>>
            %dma_wait3A_160 = arith.constant 0 : i32
            %dma_wait3A_161 = tpu.memref_slice %arg4[%dma_wait3A_160, %mul3A_121] : memref<2x160000xf32, #tpu.memory_space<hbm>> -> memref<2x128xf32, #tpu.memory_space<hbm>>
            tpu.wait_dma2 semaphore(%run_scoped3A : memref<!tpu.dma_semaphore, #tpu.memory_space<semaphore_mem>>) src(%dma_wait3A_161 : memref<2x128xf32, #tpu.memory_space<hbm>>) dst(%arg16 : memref<2x128xf32, #tpu.memory_space<vmem>>)
            tpu.yield
          }) : () -> ()
          %dma_start3A_148 = arith.constant 0 : i32
          %dma_start3A_149 = arith.constant 0 : i32
          %dma_start3A_150 = tpu.memref_slice %arg6[%dma_start3A_148, %dma_start3A_149] : memref<10000x128xf32, #tpu.memory_space<hbm>> -> memref<10000x128xf32, #tpu.memory_space<hbm>>
          tpu.enqueue_indirect_dma source(%dma_start3A_150 : memref<10000x128xf32, #tpu.memory_space<hbm>>) target(%arg17 : memref<128x128xf32, #tpu.memory_space<vmem>>) offsets(%arg14 : memref<128xi32, #tpu.memory_space<vmem>>) semaphore(%arg20 : memref<!tpu.dma_semaphore, #tpu.memory_space<semaphore_mem>>)
          %dma_wait3A_151 = arith.constant 0 : i32
          %dma_wait3A_152 = arith.constant 0 : i32
          %dma_wait3A_153 = tpu.memref_slice %arg6[%dma_wait3A_151, %dma_wait3A_152] : memref<10000x128xf32, #tpu.memory_space<hbm>> -> memref<10000x128xf32, #tpu.memory_space<hbm>>
          tpu.wait_indirect_dma semaphore(%arg20 : memref<!tpu.dma_semaphore, #tpu.memory_space<semaphore_mem>>) src(%dma_wait3A_153 : memref<10000x128xf32, #tpu.memory_space<hbm>>) dst(%arg17 : memref<128x128xf32, #tpu.memory_space<vmem>>)
        } else {
        }
        %eq3A_135 = arith.constant 1 : i32
        %eq3A_136 = arith.cmpi eq, %arg0, %eq3A_135 : i32
        %convert_element_type3A_137 = arith.extui %eq3A_136 : i1 to i32
        %cond3A_138 = arith.constant 0 : i32
        %cond3A_139 = arith.cmpi ne, %convert_element_type3A_137, %cond3A_138 : i32
        scf.if %cond3A_139 {
          "tpu.region"() ({
            %run_scoped3A = tpu.sem_alloc : memref<!tpu.dma_semaphore, #tpu.memory_space<semaphore_mem>>
            %dma_start3A_154 = arith.constant 0 : i32
            %dma_start3A_155 = tpu.memref_slice %arg5[%dma_start3A_154, %mul3A_121] : memref<2x160000xf32, #tpu.memory_space<hbm>> -> memref<2x128xf32, #tpu.memory_space<hbm>>
            %dma_start3A_156 = arith.constant 0 : i32
            %dma_start3A_157 = tpu.memref_slice %arg5[%dma_start3A_156, %mul3A_121] : memref<2x160000xf32, #tpu.memory_space<hbm>> -> memref<2x128xf32, #tpu.memory_space<hbm>>
            tpu.enqueue_dma source(%dma_start3A_157 : memref<2x128xf32, #tpu.memory_space<hbm>>) target(%arg16 : memref<2x128xf32, #tpu.memory_space<vmem>>) target_semaphore(%run_scoped3A : memref<!tpu.dma_semaphore, #tpu.memory_space<semaphore_mem>>)
            %dma_wait3A_158 = arith.constant 0 : i32
            %dma_wait3A_159 = tpu.memref_slice %arg5[%dma_wait3A_158, %mul3A_121] : memref<2x160000xf32, #tpu.memory_space<hbm>> -> memref<2x128xf32, #tpu.memory_space<hbm>>
            %dma_wait3A_160 = arith.constant 0 : i32
            %dma_wait3A_161 = tpu.memref_slice %arg5[%dma_wait3A_160, %mul3A_121] : memref<2x160000xf32, #tpu.memory_space<hbm>> -> memref<2x128xf32, #tpu.memory_space<hbm>>
            tpu.wait_dma2 semaphore(%run_scoped3A : memref<!tpu.dma_semaphore, #tpu.memory_space<semaphore_mem>>) src(%dma_wait3A_161 : memref<2x128xf32, #tpu.memory_space<hbm>>) dst(%arg16 : memref<2x128xf32, #tpu.memory_space<vmem>>)
            tpu.yield
          }) : () -> ()
          %dma_start3A_148 = arith.constant 0 : i32
          %dma_start3A_149 = arith.constant 0 : i32
          %dma_start3A_150 = tpu.memref_slice %arg7[%dma_start3A_148, %dma_start3A_149] : memref<10000x128xf32, #tpu.memory_space<hbm>> -> memref<10000x128xf32, #tpu.memory_space<hbm>>
          tpu.enqueue_indirect_dma source(%dma_start3A_150 : memref<10000x128xf32, #tpu.memory_space<hbm>>) target(%arg17 : memref<128x128xf32, #tpu.memory_space<vmem>>) offsets(%arg14 : memref<128xi32, #tpu.memory_space<vmem>>) semaphore(%arg20 : memref<!tpu.dma_semaphore, #tpu.memory_space<semaphore_mem>>)
          %dma_wait3A_151 = arith.constant 0 : i32
          %dma_wait3A_152 = arith.constant 0 : i32
          %dma_wait3A_153 = tpu.memref_slice %arg7[%dma_wait3A_151, %dma_wait3A_152] : memref<10000x128xf32, #tpu.memory_space<hbm>> -> memref<10000x128xf32, #tpu.memory_space<hbm>>
          tpu.wait_indirect_dma semaphore(%arg20 : memref<!tpu.dma_semaphore, #tpu.memory_space<semaphore_mem>>) src(%dma_wait3A_153 : memref<10000x128xf32, #tpu.memory_space<hbm>>) dst(%arg17 : memref<128x128xf32, #tpu.memory_space<vmem>>)
        } else {
        }
        %dma_wait3A = arith.constant 0 : i32
        %dma_wait3A_140 = arith.constant 0 : i32
        %dma_wait3A_141 = tpu.memref_slice %arg3[%dma_wait3A, %dma_wait3A_140] : memref<10000x128xf32, #tpu.memory_space<hbm>> -> memref<10000x128xf32, #tpu.memory_space<hbm>>
        tpu.wait_indirect_dma semaphore(%arg19 : memref<!tpu.dma_semaphore, #tpu.memory_space<semaphore_mem>>) src(%dma_wait3A_141 : memref<10000x128xf32, #tpu.memory_space<hbm>>) dst(%arg15 : memref<128x128xf32, #tpu.memory_space<vmem>>)
        %scan3A_142 = arith.constant 0 : i32
        %scan3A_143 = arith.constant 0 : i32
        %scan3A_144 = arith.constant 8 : i32
        %scan3A_145 = arith.addi %scan3A_143, %scan3A_144 : i32
        %scan3A_146 = arith.constant 1 : i32
        scf.for %scan3A_148 = %scan3A_143 to %scan3A_145 step %scan3A_146  : i32 {
          %mul3A_149 = arith.constant 16 : i32
          %mul3A_150 = arith.muli %scan3A_148, %mul3A_149 : i32
          %add3A_151 = vector.broadcast %mul3A_150 : i32 to vector<16xi32>
          %add3A_152 = arith.addi %add3A_151, %iota3A : vector<16xi32>
          %broadcast_in_dim3A = arith.constant 1 : i32
          %broadcast_in_dim3A_153 = vector.broadcast %broadcast_in_dim3A : i32 to vector<16xi32>
          %gather3A = tpu.vector_load_idx %arg16[%broadcast_in_dim3A_153, %add3A_152] : memref<2x128xf32, #tpu.memory_space<vmem>>[vector<16xi32>, vector<16xi32>], vector<16xf32>,
          %gather3A_154 = tpu.vector_load_idx %arg17[%add3A_152, %broadcast_in_dim3A_153] : memref<128x128xf32, #tpu.memory_space<vmem>>[vector<16xi32>, vector<16xi32>], vector<16xf32>,
          %add3A_155 = arith.constant 9.99999971E-10 : f32
          %add3A_156 = vector.broadcast %add3A_155 : f32 to vector<16xf32>
          %add3A_157 = arith.addf %gather3A_154, %add3A_156 : vector<16xf32>
          %div3A = arith.divf %gather3A, %add3A_157 : vector<16xf32>
          %scan3A_158 = arith.constant 0 : i32
          %scan3A_159 = arith.constant 0 : i32
          %scan3A_160 = arith.constant 128 : i32
          %scan3A_161 = arith.addi %scan3A_159, %scan3A_160 : i32
          %scan3A_162 = arith.constant 1 : i32
          scf.for %scan3A_164 = %scan3A_159 to %scan3A_161 step %scan3A_162  : i32 {
            %broadcast_in_dim3A_165 = vector.broadcast %scan3A_164 : i32 to vector<16xi32>
            %gather3A_166 = tpu.vector_load_idx %arg15[%add3A_152, %broadcast_in_dim3A_165] : memref<128x128xf32, #tpu.memory_space<vmem>>[vector<16xi32>, vector<16xi32>], vector<16xf32>,
            %mul3A_167 = arith.mulf %div3A, %gather3A_166 : vector<16xf32>
            tpu.vector_store_idx %arg18[%add3A_152, %broadcast_in_dim3A_165], %mul3A_167 : memref<128x128xf32, #tpu.memory_space<vmem>>[vector<16xi32>, vector<16xi32>], vector<16xf32>,
          }
          %scan3A_163 = arith.constant 128 : i32
        }
        %scan3A_147 = arith.constant 8 : i32
        "tpu.region"() ({
          %run_scoped3A = tpu.sem_alloc : memref<!tpu.dma_semaphore, #tpu.memory_space<semaphore_mem>>
          %dma_start3A_148 = arith.constant 0 : i32
          %dma_start3A_149 = arith.constant 0 : i32
          %dma_start3A_150 = tpu.memref_slice %arg21[%dma_start3A_148, %dma_start3A_149] : memref<10000x128xf32, #tpu.memory_space<vmem_shared>> -> memref<10000x128xf32, #tpu.memory_space<vmem_shared>>
          tpu.enqueue_indirect_dma source(%arg18 : memref<128x128xf32, #tpu.memory_space<vmem>>) target(%dma_start3A_150 : memref<10000x128xf32, #tpu.memory_space<vmem_shared>>) offsets(%arg14 : memref<128xi32, #tpu.memory_space<vmem>>) semaphore(%run_scoped3A : memref<!tpu.dma_semaphore, #tpu.memory_space<semaphore_mem>>) {add = true}
          %dma_wait3A_151 = arith.constant 0 : i32
          %dma_wait3A_152 = arith.constant 0 : i32
          %dma_wait3A_153 = tpu.memref_slice %arg21[%dma_wait3A_151, %dma_wait3A_152] : memref<10000x128xf32, #tpu.memory_space<vmem_shared>> -> memref<10000x128xf32, #tpu.memory_space<vmem_shared>>
          tpu.wait_indirect_dma semaphore(%run_scoped3A : memref<!tpu.dma_semaphore, #tpu.memory_space<semaphore_mem>>) src(%arg18 : memref<128x128xf32, #tpu.memory_space<vmem>>) dst(%dma_wait3A_153 : memref<10000x128xf32, #tpu.memory_space<vmem_shared>>)
          tpu.yield
        }) : () -> ()
      } else {
      }
    }
    %scan3A_95 = arith.constant 79 : i32
    %barrier3A_96 = arith.constant 0 : index
    tpu.barrier barrier_id(%barrier3A_96)
    %eq3A_97 = arith.constant 0 : i32
    %eq3A_98 = arith.cmpi eq, %arg1, %eq3A_97 : i32
    %eq3A_99 = arith.constant 0 : i32
    %eq3A_100 = arith.cmpi eq, %arg0, %eq3A_99 : i32
    %and3A_101 = arith.andi %eq3A_98, %eq3A_100 : i1
    %convert_element_type3A_102 = arith.extui %and3A_101 : i1 to i32
    %cond3A_103 = arith.constant 0 : i32
    %cond3A_104 = arith.cmpi ne, %convert_element_type3A_102, %cond3A_103 : i32
    scf.if %cond3A_104 {
      %run_scoped3A = arith.constant 1 : i32
      %run_scoped3A_114 = arith.constant 1 : i32
      "tpu.region"() ({
        %run_scoped3A_115 = tpu.sem_alloc : memref<!tpu.dma_semaphore, #tpu.memory_space<semaphore_mem>>
        %dma_start3A = arith.constant 0 : i32
        %dma_start3A_116 = arith.constant 0 : i32
        %dma_start3A_117 = tpu.memref_slice %arg10[%run_scoped3A, %run_scoped3A_114, %dma_start3A, %dma_start3A_116] : memref<2x2x10000x128xf32, #tpu.memory_space<hbm>> -> memref<1x1x10000x128xf32, #tpu.memory_space<hbm>>
        %dma_start3A_118 = tpu.memref_squeeze %dma_start3A_117 : memref<1x1x10000x128xf32, #tpu.memory_space<hbm>> -> memref<10000x128xf32, #tpu.memory_space<hbm>>
        tpu.enqueue_dma source(%arg21 : memref<10000x128xf32, #tpu.memory_space<vmem_shared>>) target(%dma_start3A_118 : memref<10000x128xf32, #tpu.memory_space<hbm>>) target_semaphore(%run_scoped3A_115 : memref<!tpu.dma_semaphore, #tpu.memory_space<semaphore_mem>>)
        %dma_wait3A = arith.constant 0 : i32
        %dma_wait3A_119 = arith.constant 0 : i32
        %dma_wait3A_120 = tpu.memref_slice %arg10[%run_scoped3A, %run_scoped3A_114, %dma_wait3A, %dma_wait3A_119] : memref<2x2x10000x128xf32, #tpu.memory_space<hbm>> -> memref<1x1x10000x128xf32, #tpu.memory_space<hbm>>
        %dma_wait3A_121 = tpu.memref_squeeze %dma_wait3A_120 : memref<1x1x10000x128xf32, #tpu.memory_space<hbm>> -> memref<10000x128xf32, #tpu.memory_space<hbm>>
        tpu.wait_dma2 semaphore(%run_scoped3A_115 : memref<!tpu.dma_semaphore, #tpu.memory_space<semaphore_mem>>) src(%arg21 : memref<10000x128xf32, #tpu.memory_space<vmem_shared>>) dst(%dma_wait3A_121 : memref<10000x128xf32, #tpu.memory_space<hbm>>)
        tpu.yield
      }) : () -> ()
    } else {
    }
    %eq3A_105 = arith.constant 0 : i32
    %eq3A_106 = arith.cmpi eq, %arg1, %eq3A_105 : i32
    %eq3A_107 = arith.constant 1 : i32
    %eq3A_108 = arith.cmpi eq, %arg0, %eq3A_107 : i32
    %and3A_109 = arith.andi %eq3A_106, %eq3A_108 : i1
    %convert_element_type3A_110 = arith.extui %and3A_109 : i1 to i32
    %cond3A_111 = arith.constant 0 : i32
    %cond3A_112 = arith.cmpi ne, %convert_element_type3A_110, %cond3A_111 : i32
    scf.if %cond3A_112 {
      %run_scoped3A = arith.constant 1 : i32
      %run_scoped3A_114 = arith.constant 1 : i32
      "tpu.region"() ({
        %run_scoped3A_115 = tpu.sem_alloc : memref<!tpu.dma_semaphore, #tpu.memory_space<semaphore_mem>>
        %dma_start3A = arith.constant 0 : i32
        %dma_start3A_116 = arith.constant 0 : i32
        %dma_start3A_117 = tpu.memref_slice %arg11[%run_scoped3A, %run_scoped3A_114, %dma_start3A, %dma_start3A_116] : memref<2x2x10000x128xf32, #tpu.memory_space<hbm>> -> memref<1x1x10000x128xf32, #tpu.memory_space<hbm>>
        %dma_start3A_118 = tpu.memref_squeeze %dma_start3A_117 : memref<1x1x10000x128xf32, #tpu.memory_space<hbm>> -> memref<10000x128xf32, #tpu.memory_space<hbm>>
        tpu.enqueue_dma source(%arg21 : memref<10000x128xf32, #tpu.memory_space<vmem_shared>>) target(%dma_start3A_118 : memref<10000x128xf32, #tpu.memory_space<hbm>>) target_semaphore(%run_scoped3A_115 : memref<!tpu.dma_semaphore, #tpu.memory_space<semaphore_mem>>)
        %dma_wait3A = arith.constant 0 : i32
        %dma_wait3A_119 = arith.constant 0 : i32
        %dma_wait3A_120 = tpu.memref_slice %arg11[%run_scoped3A, %run_scoped3A_114, %dma_wait3A, %dma_wait3A_119] : memref<2x2x10000x128xf32, #tpu.memory_space<hbm>> -> memref<1x1x10000x128xf32, #tpu.memory_space<hbm>>
        %dma_wait3A_121 = tpu.memref_squeeze %dma_wait3A_120 : memref<1x1x10000x128xf32, #tpu.memory_space<hbm>> -> memref<10000x128xf32, #tpu.memory_space<hbm>>
        tpu.wait_dma2 semaphore(%run_scoped3A_115 : memref<!tpu.dma_semaphore, #tpu.memory_space<semaphore_mem>>) src(%arg21 : memref<10000x128xf32, #tpu.memory_space<vmem_shared>>) dst(%dma_wait3A_121 : memref<10000x128xf32, #tpu.memory_space<hbm>>)
        tpu.yield
      }) : () -> ()
    } else {
    }
    %barrier3A_113 = arith.constant 0 : index
    tpu.barrier barrier_id(%barrier3A_113)
    return
  }
}

#map = affine_map<(d0, d1) -> (0, 0)>
#map1 = affine_map<(d0, d1) -> (0)>
module attributes {stable_mosaic.version = 14 : i64} {
  func.func @_stage_a_body(%arg0: i32, %arg1: i32, %arg2: memref<10000x128xf32, #tpu.memory_space<hbm>>, %arg3: memref<10000x128xf32, #tpu.memory_space<hbm>>, %arg4: memref<10000x128xf32, #tpu.memory_space<hbm>>, %arg5: memref<10000x128xf32, #tpu.memory_space<hbm>>, %arg6: memref<160000xi32, #tpu.memory_space<hbm>>, %arg7: memref<160000xi32, #tpu.memory_space<hbm>>, %arg8: memref<160000xi32, #tpu.memory_space<hbm>>, %arg9: memref<256xf32, #tpu.memory_space<hbm>>, %arg10: memref<10000x128xf32, #tpu.memory_space<hbm>>, %arg11: memref<2x160000xf32, #tpu.memory_space<hbm>>, %arg12: memref<2x160000xf32, #tpu.memory_space<hbm>>, %arg13: memref<10000x128xf32, #tpu.memory_space<hbm>>, %arg14: memref<10000x128xf32, #tpu.memory_space<hbm>>, %arg15: memref<256xf32, #tpu.memory_space<vmem>>, %arg16: memref<128xi32, #tpu.memory_space<vmem>>, %arg17: memref<128xi32, #tpu.memory_space<vmem>>, %arg18: memref<128xi32, #tpu.memory_space<vmem>>, %arg19: memref<128x128xf32, #tpu.memory_space<vmem>>, %arg20: memref<128x128xf32, #tpu.memory_space<vmem>>, %arg21: memref<2x128xf32, #tpu.memory_space<vmem>>, %arg22: memref<128x128xf32, #tpu.memory_space<vmem>>, %arg23: memref<!tpu.dma_semaphore, #tpu.memory_space<semaphore_mem>>, %arg24: memref<!tpu.dma_semaphore, #tpu.memory_space<semaphore_mem>>, %arg25: memref<10000x128xf32, #tpu.memory_space<vmem_shared>>) attributes {dimension_semantics = [#tpu.dimension_semantics<core_parallel>, #tpu.dimension_semantics<subcore_parallel>], iteration_bounds = array<i64: 2, 16>, scalar_prefetch = 0 : i64, scratch_operands = 11 : i64, tpu.core_type = #tpu.core_type<sc_vector_subcore>, window_params = [{transform_indices = #map}, {transform_indices = #map}, {transform_indices = #map}, {transform_indices = #map}, {transform_indices = #map1}, {transform_indices = #map1}, {transform_indices = #map1}, {transform_indices = #map1}, {transform_indices = #map}, {transform_indices = #map}, {transform_indices = #map}, {transform_indices = #map}, {transform_indices = #map}]} {
    "tpu.region"() ({
      %run_scoped3A = tpu.sem_alloc : memref<!tpu.dma_semaphore, #tpu.memory_space<semaphore_mem>>
      tpu.enqueue_dma source(%arg9 : memref<256xf32, #tpu.memory_space<hbm>>) target(%arg15 : memref<256xf32, #tpu.memory_space<vmem>>) target_semaphore(%run_scoped3A : memref<!tpu.dma_semaphore, #tpu.memory_space<semaphore_mem>>)
      tpu.wait_dma2 semaphore(%run_scoped3A : memref<!tpu.dma_semaphore, #tpu.memory_space<semaphore_mem>>) src(%arg9 : memref<256xf32, #tpu.memory_space<hbm>>) dst(%arg15 : memref<256xf32, #tpu.memory_space<vmem>>)
      tpu.yield
    }) : () -> ()
    "tpu.region"() ({
      %run_scoped3A = tpu.sem_alloc : memref<!tpu.dma_semaphore, #tpu.memory_space<semaphore_mem>>
      %dma_start3A = arith.constant 0 : i32
      %dma_start3A_24 = arith.constant 0 : i32
      %dma_start3A_25 = tpu.memref_slice %arg10[%dma_start3A, %dma_start3A_24] : memref<10000x128xf32, #tpu.memory_space<hbm>> -> memref<128x128xf32, #tpu.memory_space<hbm>>
      %dma_start3A_26 = arith.constant 0 : i32
      %dma_start3A_27 = arith.constant 0 : i32
      %dma_start3A_28 = tpu.memref_slice %arg10[%dma_start3A_26, %dma_start3A_27] : memref<10000x128xf32, #tpu.memory_space<hbm>> -> memref<128x128xf32, #tpu.memory_space<hbm>>
      tpu.enqueue_dma source(%dma_start3A_28 : memref<128x128xf32, #tpu.memory_space<hbm>>) target(%arg22 : memref<128x128xf32, #tpu.memory_space<vmem>>) target_semaphore(%run_scoped3A : memref<!tpu.dma_semaphore, #tpu.memory_space<semaphore_mem>>)
      %dma_wait3A = arith.constant 0 : i32
      %dma_wait3A_29 = arith.constant 0 : i32
      %dma_wait3A_30 = tpu.memref_slice %arg10[%dma_wait3A, %dma_wait3A_29] : memref<10000x128xf32, #tpu.memory_space<hbm>> -> memref<128x128xf32, #tpu.memory_space<hbm>>
      %dma_wait3A_31 = arith.constant 0 : i32
      %dma_wait3A_32 = arith.constant 0 : i32
      %dma_wait3A_33 = tpu.memref_slice %arg10[%dma_wait3A_31, %dma_wait3A_32] : memref<10000x128xf32, #tpu.memory_space<hbm>> -> memref<128x128xf32, #tpu.memory_space<hbm>>
      tpu.wait_dma2 semaphore(%run_scoped3A : memref<!tpu.dma_semaphore, #tpu.memory_space<semaphore_mem>>) src(%dma_wait3A_33 : memref<128x128xf32, #tpu.memory_space<hbm>>) dst(%arg22 : memref<128x128xf32, #tpu.memory_space<vmem>>)
      tpu.yield
    }) : () -> ()
    %eq3A = arith.constant 0 : i32
    %eq3A_0 = arith.cmpi eq, %arg1, %eq3A : i32
    %convert_element_type3A = arith.extui %eq3A_0 : i1 to i32
    %cond3A = arith.constant 0 : i32
    %cond3A_1 = arith.cmpi ne, %convert_element_type3A, %cond3A : i32
    scf.if %cond3A_1 {
      "tpu.region"() ({
        %run_scoped3A = tpu.sem_alloc : memref<!tpu.dma_semaphore, #tpu.memory_space<semaphore_mem>>
        tpu.enqueue_dma source(%arg10 : memref<10000x128xf32, #tpu.memory_space<hbm>>) target(%arg25 : memref<10000x128xf32, #tpu.memory_space<vmem_shared>>) target_semaphore(%run_scoped3A : memref<!tpu.dma_semaphore, #tpu.memory_space<semaphore_mem>>)
        tpu.wait_dma2 semaphore(%run_scoped3A : memref<!tpu.dma_semaphore, #tpu.memory_space<semaphore_mem>>) src(%arg10 : memref<10000x128xf32, #tpu.memory_space<hbm>>) dst(%arg25 : memref<10000x128xf32, #tpu.memory_space<vmem_shared>>)
        tpu.yield
      }) : () -> ()
    } else {
    }
    %barrier3A = arith.constant 0 : index
    tpu.barrier barrier_id(%barrier3A)
    %iota3A = tpu.iota {dimensions = array<i32: 0>} : vector<16xi32>
    %mul3A = arith.constant 128 : i32
    %mul3A_2 = arith.muli %arg0, %mul3A : i32
    %scan3A = arith.constant 0 : i32
    %scan3A_3 = arith.constant 0 : i32
    %scan3A_4 = arith.constant 79 : i32
    %scan3A_5 = arith.addi %scan3A_3, %scan3A_4 : i32
    %scan3A_6 = arith.constant 1 : i32
    scf.for %scan3A_24 = %scan3A_3 to %scan3A_5 step %scan3A_6  : i32 {
      %mul3A_25 = arith.constant 16 : i32
      %mul3A_26 = arith.muli %scan3A_24, %mul3A_25 : i32
      %add3A = arith.addi %arg1, %mul3A_26 : i32
      %lt3A = arith.constant 1250 : i32
      %lt3A_27 = arith.cmpi slt, %add3A, %lt3A : i32
      %convert_element_type3A_28 = arith.extui %lt3A_27 : i1 to i32
      %cond3A_29 = arith.constant 0 : i32
      %cond3A_30 = arith.cmpi ne, %convert_element_type3A_28, %cond3A_29 : i32
      scf.if %cond3A_30 {
        %mul3A_31 = arith.constant 128 : i32
        %mul3A_32 = arith.muli %add3A, %mul3A_31 : i32
        "tpu.region"() ({
          %run_scoped3A = tpu.sem_alloc : memref<!tpu.dma_semaphore, #tpu.memory_space<semaphore_mem>>
          %dma_start3A = tpu.memref_slice %arg6[%mul3A_32] : memref<160000xi32, #tpu.memory_space<hbm>> -> memref<128xi32, #tpu.memory_space<hbm>>
          %dma_start3A_59 = tpu.memref_slice %arg6[%mul3A_32] : memref<160000xi32, #tpu.memory_space<hbm>> -> memref<128xi32, #tpu.memory_space<hbm>>
          tpu.enqueue_dma source(%dma_start3A_59 : memref<128xi32, #tpu.memory_space<hbm>>) target(%arg16 : memref<128xi32, #tpu.memory_space<vmem>>) target_semaphore(%run_scoped3A : memref<!tpu.dma_semaphore, #tpu.memory_space<semaphore_mem>>)
          %dma_wait3A = tpu.memref_slice %arg6[%mul3A_32] : memref<160000xi32, #tpu.memory_space<hbm>> -> memref<128xi32, #tpu.memory_space<hbm>>
          %dma_wait3A_60 = tpu.memref_slice %arg6[%mul3A_32] : memref<160000xi32, #tpu.memory_space<hbm>> -> memref<128xi32, #tpu.memory_space<hbm>>
          tpu.wait_dma2 semaphore(%run_scoped3A : memref<!tpu.dma_semaphore, #tpu.memory_space<semaphore_mem>>) src(%dma_wait3A_60 : memref<128xi32, #tpu.memory_space<hbm>>) dst(%arg16 : memref<128xi32, #tpu.memory_space<vmem>>)
          tpu.yield
        }) : () -> ()
        "tpu.region"() ({
          %run_scoped3A = tpu.sem_alloc : memref<!tpu.dma_semaphore, #tpu.memory_space<semaphore_mem>>
          %dma_start3A = tpu.memref_slice %arg7[%mul3A_32] : memref<160000xi32, #tpu.memory_space<hbm>> -> memref<128xi32, #tpu.memory_space<hbm>>
          %dma_start3A_59 = tpu.memref_slice %arg7[%mul3A_32] : memref<160000xi32, #tpu.memory_space<hbm>> -> memref<128xi32, #tpu.memory_space<hbm>>
          tpu.enqueue_dma source(%dma_start3A_59 : memref<128xi32, #tpu.memory_space<hbm>>) target(%arg17 : memref<128xi32, #tpu.memory_space<vmem>>) target_semaphore(%run_scoped3A : memref<!tpu.dma_semaphore, #tpu.memory_space<semaphore_mem>>)
          %dma_wait3A = tpu.memref_slice %arg7[%mul3A_32] : memref<160000xi32, #tpu.memory_space<hbm>> -> memref<128xi32, #tpu.memory_space<hbm>>
          %dma_wait3A_60 = tpu.memref_slice %arg7[%mul3A_32] : memref<160000xi32, #tpu.memory_space<hbm>> -> memref<128xi32, #tpu.memory_space<hbm>>
          tpu.wait_dma2 semaphore(%run_scoped3A : memref<!tpu.dma_semaphore, #tpu.memory_space<semaphore_mem>>) src(%dma_wait3A_60 : memref<128xi32, #tpu.memory_space<hbm>>) dst(%arg17 : memref<128xi32, #tpu.memory_space<vmem>>)
          tpu.yield
        }) : () -> ()
        "tpu.region"() ({
          %run_scoped3A = tpu.sem_alloc : memref<!tpu.dma_semaphore, #tpu.memory_space<semaphore_mem>>
          %dma_start3A = tpu.memref_slice %arg8[%mul3A_32] : memref<160000xi32, #tpu.memory_space<hbm>> -> memref<128xi32, #tpu.memory_space<hbm>>
          %dma_start3A_59 = tpu.memref_slice %arg8[%mul3A_32] : memref<160000xi32, #tpu.memory_space<hbm>> -> memref<128xi32, #tpu.memory_space<hbm>>
          tpu.enqueue_dma source(%dma_start3A_59 : memref<128xi32, #tpu.memory_space<hbm>>) target(%arg18 : memref<128xi32, #tpu.memory_space<vmem>>) target_semaphore(%run_scoped3A : memref<!tpu.dma_semaphore, #tpu.memory_space<semaphore_mem>>)
          %dma_wait3A = tpu.memref_slice %arg8[%mul3A_32] : memref<160000xi32, #tpu.memory_space<hbm>> -> memref<128xi32, #tpu.memory_space<hbm>>
          %dma_wait3A_60 = tpu.memref_slice %arg8[%mul3A_32] : memref<160000xi32, #tpu.memory_space<hbm>> -> memref<128xi32, #tpu.memory_space<hbm>>
          tpu.wait_dma2 semaphore(%run_scoped3A : memref<!tpu.dma_semaphore, #tpu.memory_space<semaphore_mem>>) src(%dma_wait3A_60 : memref<128xi32, #tpu.memory_space<hbm>>) dst(%arg18 : memref<128xi32, #tpu.memory_space<vmem>>)
          tpu.yield
        }) : () -> ()
        %eq3A_33 = arith.constant 0 : i32
        %eq3A_34 = arith.cmpi eq, %arg0, %eq3A_33 : i32
        %convert_element_type3A_35 = arith.extui %eq3A_34 : i1 to i32
        %cond3A_36 = arith.constant 0 : i32
        %cond3A_37 = arith.cmpi ne, %convert_element_type3A_35, %cond3A_36 : i32
        scf.if %cond3A_37 {
          %dma_start3A = arith.constant 0 : i32
          %dma_start3A_59 = arith.constant 0 : i32
          %dma_start3A_60 = tpu.memref_slice %arg2[%dma_start3A, %dma_start3A_59] : memref<10000x128xf32, #tpu.memory_space<hbm>> -> memref<10000x128xf32, #tpu.memory_space<hbm>>
          tpu.enqueue_indirect_dma source(%dma_start3A_60 : memref<10000x128xf32, #tpu.memory_space<hbm>>) target(%arg19 : memref<128x128xf32, #tpu.memory_space<vmem>>) offsets(%arg16 : memref<128xi32, #tpu.memory_space<vmem>>) semaphore(%arg23 : memref<!tpu.dma_semaphore, #tpu.memory_space<semaphore_mem>>)
          %dma_start3A_61 = arith.constant 0 : i32
          %dma_start3A_62 = arith.constant 0 : i32
          %dma_start3A_63 = tpu.memref_slice %arg4[%dma_start3A_61, %dma_start3A_62] : memref<10000x128xf32, #tpu.memory_space<hbm>> -> memref<10000x128xf32, #tpu.memory_space<hbm>>
          tpu.enqueue_indirect_dma source(%dma_start3A_63 : memref<10000x128xf32, #tpu.memory_space<hbm>>) target(%arg20 : memref<128x128xf32, #tpu.memory_space<vmem>>) offsets(%arg17 : memref<128xi32, #tpu.memory_space<vmem>>) semaphore(%arg24 : memref<!tpu.dma_semaphore, #tpu.memory_space<semaphore_mem>>)
          %dma_wait3A = arith.constant 0 : i32
          %dma_wait3A_64 = arith.constant 0 : i32
          %dma_wait3A_65 = tpu.memref_slice %arg2[%dma_wait3A, %dma_wait3A_64] : memref<10000x128xf32, #tpu.memory_space<hbm>> -> memref<10000x128xf32, #tpu.memory_space<hbm>>
          tpu.wait_indirect_dma semaphore(%arg23 : memref<!tpu.dma_semaphore, #tpu.memory_space<semaphore_mem>>) src(%dma_wait3A_65 : memref<10000x128xf32, #tpu.memory_space<hbm>>) dst(%arg19 : memref<128x128xf32, #tpu.memory_space<vmem>>)
          %dma_wait3A_66 = arith.constant 0 : i32
          %dma_wait3A_67 = arith.constant 0 : i32
          %dma_wait3A_68 = tpu.memref_slice %arg4[%dma_wait3A_66, %dma_wait3A_67] : memref<10000x128xf32, #tpu.memory_space<hbm>> -> memref<10000x128xf32, #tpu.memory_space<hbm>>
          tpu.wait_indirect_dma semaphore(%arg24 : memref<!tpu.dma_semaphore, #tpu.memory_space<semaphore_mem>>) src(%dma_wait3A_68 : memref<10000x128xf32, #tpu.memory_space<hbm>>) dst(%arg20 : memref<128x128xf32, #tpu.memory_space<vmem>>)
        } else {
        }
        %eq3A_38 = arith.constant 1 : i32
        %eq3A_39 = arith.cmpi eq, %arg0, %eq3A_38 : i32
        %convert_element_type3A_40 = arith.extui %eq3A_39 : i1 to i32
        %cond3A_41 = arith.constant 0 : i32
        %cond3A_42 = arith.cmpi ne, %convert_element_type3A_40, %cond3A_41 : i32
        scf.if %cond3A_42 {
          %dma_start3A = arith.constant 0 : i32
          %dma_start3A_59 = arith.constant 0 : i32
          %dma_start3A_60 = tpu.memref_slice %arg3[%dma_start3A, %dma_start3A_59] : memref<10000x128xf32, #tpu.memory_space<hbm>> -> memref<10000x128xf32, #tpu.memory_space<hbm>>
          tpu.enqueue_indirect_dma source(%dma_start3A_60 : memref<10000x128xf32, #tpu.memory_space<hbm>>) target(%arg19 : memref<128x128xf32, #tpu.memory_space<vmem>>) offsets(%arg16 : memref<128xi32, #tpu.memory_space<vmem>>) semaphore(%arg23 : memref<!tpu.dma_semaphore, #tpu.memory_space<semaphore_mem>>)
          %dma_start3A_61 = arith.constant 0 : i32
          %dma_start3A_62 = arith.constant 0 : i32
          %dma_start3A_63 = tpu.memref_slice %arg5[%dma_start3A_61, %dma_start3A_62] : memref<10000x128xf32, #tpu.memory_space<hbm>> -> memref<10000x128xf32, #tpu.memory_space<hbm>>
          tpu.enqueue_indirect_dma source(%dma_start3A_63 : memref<10000x128xf32, #tpu.memory_space<hbm>>) target(%arg20 : memref<128x128xf32, #tpu.memory_space<vmem>>) offsets(%arg17 : memref<128xi32, #tpu.memory_space<vmem>>) semaphore(%arg24 : memref<!tpu.dma_semaphore, #tpu.memory_space<semaphore_mem>>)
          %dma_wait3A = arith.constant 0 : i32
          %dma_wait3A_64 = arith.constant 0 : i32
          %dma_wait3A_65 = tpu.memref_slice %arg3[%dma_wait3A, %dma_wait3A_64] : memref<10000x128xf32, #tpu.memory_space<hbm>> -> memref<10000x128xf32, #tpu.memory_space<hbm>>
          tpu.wait_indirect_dma semaphore(%arg23 : memref<!tpu.dma_semaphore, #tpu.memory_space<semaphore_mem>>) src(%dma_wait3A_65 : memref<10000x128xf32, #tpu.memory_space<hbm>>) dst(%arg19 : memref<128x128xf32, #tpu.memory_space<vmem>>)
          %dma_wait3A_66 = arith.constant 0 : i32
          %dma_wait3A_67 = arith.constant 0 : i32
          %dma_wait3A_68 = tpu.memref_slice %arg5[%dma_wait3A_66, %dma_wait3A_67] : memref<10000x128xf32, #tpu.memory_space<hbm>> -> memref<10000x128xf32, #tpu.memory_space<hbm>>
          tpu.wait_indirect_dma semaphore(%arg24 : memref<!tpu.dma_semaphore, #tpu.memory_space<semaphore_mem>>) src(%dma_wait3A_68 : memref<10000x128xf32, #tpu.memory_space<hbm>>) dst(%arg20 : memref<128x128xf32, #tpu.memory_space<vmem>>)
        } else {
        }
        %scan3A_43 = arith.constant 0 : i32
        %scan3A_44 = arith.constant 0 : i32
        %scan3A_45 = arith.constant 8 : i32
        %scan3A_46 = arith.addi %scan3A_44, %scan3A_45 : i32
        %scan3A_47 = arith.constant 1 : i32
        scf.for %scan3A_59 = %scan3A_44 to %scan3A_46 step %scan3A_47  : i32 {
          %mul3A_60 = arith.constant 16 : i32
          %mul3A_61 = arith.muli %scan3A_59, %mul3A_60 : i32
          %add3A_62 = vector.broadcast %mul3A_61 : i32 to vector<16xi32>
          %add3A_63 = arith.addi %add3A_62, %iota3A : vector<16xi32>
          %broadcast_in_dim3A = arith.constant 0.000000e+00 : f32
          %broadcast_in_dim3A_64 = vector.broadcast %broadcast_in_dim3A : f32 to vector<16xf32>
          %scan3A_65 = arith.constant 0 : i32
          %scan3A_66 = arith.constant 64 : i32
          %scan3A_67 = arith.addi %scan3A_65, %scan3A_66 : i32
          %scan3A_68 = arith.constant 1 : i32
          %scan3A_69 = scf.for %scan3A_84 = %scan3A_65 to %scan3A_67 step %scan3A_68 iter_args(%scan3A_85 = %broadcast_in_dim3A_64) -> (vector<16xf32>)  : i32 {
            %broadcast_in_dim3A_86 = arith.constant 0 : i32
            %broadcast_in_dim3A_87 = vector.broadcast %broadcast_in_dim3A_86 : i32 to vector<16xi32>
            %add3A_88 = vector.broadcast %scan3A_84 : i32 to vector<16xi32>
            %add3A_89 = arith.addi %broadcast_in_dim3A_87, %add3A_88 : vector<16xi32>
            %gather3A = tpu.vector_load_idx %arg19[%add3A_63, %add3A_89] : memref<128x128xf32, #tpu.memory_space<vmem>>[vector<16xi32>, vector<16xi32>], vector<16xf32>,
            %gather3A_90 = tpu.vector_load_idx %arg20[%add3A_63, %add3A_89] : memref<128x128xf32, #tpu.memory_space<vmem>>[vector<16xi32>, vector<16xi32>], vector<16xf32>,
            %add3A_91 = arith.addf %gather3A, %gather3A_90 : vector<16xf32>
            %ge3A = arith.constant 0.000000e+00 : f32
            %ge3A_92 = vector.broadcast %ge3A : f32 to vector<16xf32>
            %ge3A_93 = arith.cmpf oge, %add3A_91, %ge3A_92 : vector<16xf32>
            %mul3A_94 = arith.constant 2.000000e-01 : f32
            %mul3A_95 = vector.broadcast %mul3A_94 : f32 to vector<16xf32>
            %mul3A_96 = arith.mulf %mul3A_95, %add3A_91 : vector<16xf32>
            %select_n3A = arith.select %ge3A_93, %add3A_91, %mul3A_96 : vector<16xi1>, vector<16xf32>
            %add3A_97 = vector.broadcast %mul3A_2 : i32 to vector<16xi32>
            %add3A_98 = arith.addi %add3A_97, %add3A_89 : vector<16xi32>
            %gather3A_99 = tpu.vector_load_idx %arg15[%add3A_98] : memref<256xf32, #tpu.memory_space<vmem>>[vector<16xi32>], vector<16xf32>,
            %mul3A_100 = arith.mulf %select_n3A, %gather3A_99 : vector<16xf32>
            %add3A_101 = arith.addf %scan3A_85, %mul3A_100 : vector<16xf32>
            scf.yield %add3A_101 : vector<16xf32>
          }
          %scan3A_70 = arith.constant 64 : i32
          %exp3A = math.exp %scan3A_69 : vector<16xf32>
          %broadcast_in_dim3A_71 = arith.constant 0 : i32
          %broadcast_in_dim3A_72 = vector.broadcast %broadcast_in_dim3A_71 : i32 to vector<16xi32>
          tpu.vector_store_idx %arg21[%broadcast_in_dim3A_72, %add3A_63], %exp3A : memref<2x128xf32, #tpu.memory_space<vmem>>[vector<16xi32>, vector<16xi32>], vector<16xf32>,
          tpu.vector_store_idx %arg22[%add3A_63, %broadcast_in_dim3A_72], %exp3A : memref<128x128xf32, #tpu.memory_space<vmem>>[vector<16xi32>, vector<16xi32>], vector<16xf32>,
          %broadcast_in_dim3A_73 = arith.constant 0.000000e+00 : f32
          %broadcast_in_dim3A_74 = vector.broadcast %broadcast_in_dim3A_73 : f32 to vector<16xf32>
          %scan3A_75 = arith.constant 0 : i32
          %scan3A_76 = arith.constant 64 : i32
          %scan3A_77 = arith.addi %scan3A_75, %scan3A_76 : i32
          %scan3A_78 = arith.constant 1 : i32
          %scan3A_79 = scf.for %scan3A_84 = %scan3A_75 to %scan3A_77 step %scan3A_78 iter_args(%scan3A_85 = %broadcast_in_dim3A_74) -> (vector<16xf32>)  : i32 {
            %broadcast_in_dim3A_86 = arith.constant 64 : i32
            %broadcast_in_dim3A_87 = vector.broadcast %broadcast_in_dim3A_86 : i32 to vector<16xi32>
            %add3A_88 = vector.broadcast %scan3A_84 : i32 to vector<16xi32>
            %add3A_89 = arith.addi %broadcast_in_dim3A_87, %add3A_88 : vector<16xi32>
            %gather3A = tpu.vector_load_idx %arg19[%add3A_63, %add3A_89] : memref<128x128xf32, #tpu.memory_space<vmem>>[vector<16xi32>, vector<16xi32>], vector<16xf32>,
            %gather3A_90 = tpu.vector_load_idx %arg20[%add3A_63, %add3A_89] : memref<128x128xf32, #tpu.memory_space<vmem>>[vector<16xi32>, vector<16xi32>], vector<16xf32>,
            %add3A_91 = arith.addf %gather3A, %gather3A_90 : vector<16xf32>
            %ge3A = arith.constant 0.000000e+00 : f32
            %ge3A_92 = vector.broadcast %ge3A : f32 to vector<16xf32>
            %ge3A_93 = arith.cmpf oge, %add3A_91, %ge3A_92 : vector<16xf32>
            %mul3A_94 = arith.constant 2.000000e-01 : f32
            %mul3A_95 = vector.broadcast %mul3A_94 : f32 to vector<16xf32>
            %mul3A_96 = arith.mulf %mul3A_95, %add3A_91 : vector<16xf32>
            %select_n3A = arith.select %ge3A_93, %add3A_91, %mul3A_96 : vector<16xi1>, vector<16xf32>
            %add3A_97 = vector.broadcast %mul3A_2 : i32 to vector<16xi32>
            %add3A_98 = arith.addi %add3A_97, %add3A_89 : vector<16xi32>
            %gather3A_99 = tpu.vector_load_idx %arg15[%add3A_98] : memref<256xf32, #tpu.memory_space<vmem>>[vector<16xi32>], vector<16xf32>,
            %mul3A_100 = arith.mulf %select_n3A, %gather3A_99 : vector<16xf32>
            %add3A_101 = arith.addf %scan3A_85, %mul3A_100 : vector<16xf32>
            scf.yield %add3A_101 : vector<16xf32>
          }
          %scan3A_80 = arith.constant 64 : i32
          %exp3A_81 = math.exp %scan3A_79 : vector<16xf32>
          %broadcast_in_dim3A_82 = arith.constant 1 : i32
          %broadcast_in_dim3A_83 = vector.broadcast %broadcast_in_dim3A_82 : i32 to vector<16xi32>
          tpu.vector_store_idx %arg21[%broadcast_in_dim3A_83, %add3A_63], %exp3A_81 : memref<2x128xf32, #tpu.memory_space<vmem>>[vector<16xi32>, vector<16xi32>], vector<16xf32>,
          tpu.vector_store_idx %arg22[%add3A_63, %broadcast_in_dim3A_83], %exp3A_81 : memref<128x128xf32, #tpu.memory_space<vmem>>[vector<16xi32>, vector<16xi32>], vector<16xf32>,
        }
        %scan3A_48 = arith.constant 8 : i32
        %eq3A_49 = arith.constant 0 : i32
        %eq3A_50 = arith.cmpi eq, %arg0, %eq3A_49 : i32
        %convert_element_type3A_51 = arith.extui %eq3A_50 : i1 to i32
        %cond3A_52 = arith.constant 0 : i32
        %cond3A_53 = arith.cmpi ne, %convert_element_type3A_51, %cond3A_52 : i32
        scf.if %cond3A_53 {
          "tpu.region"() ({
            %run_scoped3A = tpu.sem_alloc : memref<!tpu.dma_semaphore, #tpu.memory_space<semaphore_mem>>
            %dma_start3A = arith.constant 0 : i32
            %dma_start3A_59 = tpu.memref_slice %arg11[%dma_start3A, %mul3A_32] : memref<2x160000xf32, #tpu.memory_space<hbm>> -> memref<2x128xf32, #tpu.memory_space<hbm>>
            %dma_start3A_60 = arith.constant 0 : i32
            %dma_start3A_61 = tpu.memref_slice %arg11[%dma_start3A_60, %mul3A_32] : memref<2x160000xf32, #tpu.memory_space<hbm>> -> memref<2x128xf32, #tpu.memory_space<hbm>>
            tpu.enqueue_dma source(%arg21 : memref<2x128xf32, #tpu.memory_space<vmem>>) target(%dma_start3A_61 : memref<2x128xf32, #tpu.memory_space<hbm>>) target_semaphore(%run_scoped3A : memref<!tpu.dma_semaphore, #tpu.memory_space<semaphore_mem>>)
            %dma_wait3A = arith.constant 0 : i32
            %dma_wait3A_62 = tpu.memref_slice %arg11[%dma_wait3A, %mul3A_32] : memref<2x160000xf32, #tpu.memory_space<hbm>> -> memref<2x128xf32, #tpu.memory_space<hbm>>
            %dma_wait3A_63 = arith.constant 0 : i32
            %dma_wait3A_64 = tpu.memref_slice %arg11[%dma_wait3A_63, %mul3A_32] : memref<2x160000xf32, #tpu.memory_space<hbm>> -> memref<2x128xf32, #tpu.memory_space<hbm>>
            tpu.wait_dma2 semaphore(%run_scoped3A : memref<!tpu.dma_semaphore, #tpu.memory_space<semaphore_mem>>) src(%arg21 : memref<2x128xf32, #tpu.memory_space<vmem>>) dst(%dma_wait3A_64 : memref<2x128xf32, #tpu.memory_space<hbm>>)
            tpu.yield
          }) : () -> ()
        } else {
        }
        %eq3A_54 = arith.constant 1 : i32
        %eq3A_55 = arith.cmpi eq, %arg0, %eq3A_54 : i32
        %convert_element_type3A_56 = arith.extui %eq3A_55 : i1 to i32
        %cond3A_57 = arith.constant 0 : i32
        %cond3A_58 = arith.cmpi ne, %convert_element_type3A_56, %cond3A_57 : i32
        scf.if %cond3A_58 {
          "tpu.region"() ({
            %run_scoped3A = tpu.sem_alloc : memref<!tpu.dma_semaphore, #tpu.memory_space<semaphore_mem>>
            %dma_start3A = arith.constant 0 : i32
            %dma_start3A_59 = tpu.memref_slice %arg12[%dma_start3A, %mul3A_32] : memref<2x160000xf32, #tpu.memory_space<hbm>> -> memref<2x128xf32, #tpu.memory_space<hbm>>
            %dma_start3A_60 = arith.constant 0 : i32
            %dma_start3A_61 = tpu.memref_slice %arg12[%dma_start3A_60, %mul3A_32] : memref<2x160000xf32, #tpu.memory_space<hbm>> -> memref<2x128xf32, #tpu.memory_space<hbm>>
            tpu.enqueue_dma source(%arg21 : memref<2x128xf32, #tpu.memory_space<vmem>>) target(%dma_start3A_61 : memref<2x128xf32, #tpu.memory_space<hbm>>) target_semaphore(%run_scoped3A : memref<!tpu.dma_semaphore, #tpu.memory_space<semaphore_mem>>)
            %dma_wait3A = arith.constant 0 : i32
            %dma_wait3A_62 = tpu.memref_slice %arg12[%dma_wait3A, %mul3A_32] : memref<2x160000xf32, #tpu.memory_space<hbm>> -> memref<2x128xf32, #tpu.memory_space<hbm>>
            %dma_wait3A_63 = arith.constant 0 : i32
            %dma_wait3A_64 = tpu.memref_slice %arg12[%dma_wait3A_63, %mul3A_32] : memref<2x160000xf32, #tpu.memory_space<hbm>> -> memref<2x128xf32, #tpu.memory_space<hbm>>
            tpu.wait_dma2 semaphore(%run_scoped3A : memref<!tpu.dma_semaphore, #tpu.memory_space<semaphore_mem>>) src(%arg21 : memref<2x128xf32, #tpu.memory_space<vmem>>) dst(%dma_wait3A_64 : memref<2x128xf32, #tpu.memory_space<hbm>>)
            tpu.yield
          }) : () -> ()
        } else {
        }
        "tpu.region"() ({
          %run_scoped3A = tpu.sem_alloc : memref<!tpu.dma_semaphore, #tpu.memory_space<semaphore_mem>>
          %dma_start3A = arith.constant 0 : i32
          %dma_start3A_59 = arith.constant 0 : i32
          %dma_start3A_60 = tpu.memref_slice %arg25[%dma_start3A, %dma_start3A_59] : memref<10000x128xf32, #tpu.memory_space<vmem_shared>> -> memref<10000x128xf32, #tpu.memory_space<vmem_shared>>
          tpu.enqueue_indirect_dma source(%arg22 : memref<128x128xf32, #tpu.memory_space<vmem>>) target(%dma_start3A_60 : memref<10000x128xf32, #tpu.memory_space<vmem_shared>>) offsets(%arg18 : memref<128xi32, #tpu.memory_space<vmem>>) semaphore(%run_scoped3A : memref<!tpu.dma_semaphore, #tpu.memory_space<semaphore_mem>>) {add = true}
          %dma_wait3A = arith.constant 0 : i32
          %dma_wait3A_61 = arith.constant 0 : i32
          %dma_wait3A_62 = tpu.memref_slice %arg25[%dma_wait3A, %dma_wait3A_61] : memref<10000x128xf32, #tpu.memory_space<vmem_shared>> -> memref<10000x128xf32, #tpu.memory_space<vmem_shared>>
          tpu.wait_indirect_dma semaphore(%run_scoped3A : memref<!tpu.dma_semaphore, #tpu.memory_space<semaphore_mem>>) src(%arg22 : memref<128x128xf32, #tpu.memory_space<vmem>>) dst(%dma_wait3A_62 : memref<10000x128xf32, #tpu.memory_space<vmem_shared>>)
          tpu.yield
        }) : () -> ()
      } else {
      }
    }
    %scan3A_7 = arith.constant 79 : i32
    %barrier3A_8 = arith.constant 0 : index
    tpu.barrier barrier_id(%barrier3A_8)
    %eq3A_9 = arith.constant 0 : i32
    %eq3A_10 = arith.cmpi eq, %arg1, %eq3A_9 : i32
    %eq3A_11 = arith.constant 0 : i32
    %eq3A_12 = arith.cmpi eq, %arg0, %eq3A_11 : i32
    %and3A = arith.andi %eq3A_10, %eq3A_12 : i1
    %convert_element_type3A_13 = arith.extui %and3A : i1 to i32
    %cond3A_14 = arith.constant 0 : i32
    %cond3A_15 = arith.cmpi ne, %convert_element_type3A_13, %cond3A_14 : i32
    scf.if %cond3A_15 {
      "tpu.region"() ({
        %run_scoped3A = tpu.sem_alloc : memref<!tpu.dma_semaphore, #tpu.memory_space<semaphore_mem>>
        tpu.enqueue_dma source(%arg25 : memref<10000x128xf32, #tpu.memory_space<vmem_shared>>) target(%arg13 : memref<10000x128xf32, #tpu.memory_space<hbm>>) target_semaphore(%run_scoped3A : memref<!tpu.dma_semaphore, #tpu.memory_space<semaphore_mem>>)
        tpu.wait_dma2 semaphore(%run_scoped3A : memref<!tpu.dma_semaphore, #tpu.memory_space<semaphore_mem>>) src(%arg25 : memref<10000x128xf32, #tpu.memory_space<vmem_shared>>) dst(%arg13 : memref<10000x128xf32, #tpu.memory_space<hbm>>)
        tpu.yield
      }) : () -> ()
    } else {
    }
    %eq3A_16 = arith.constant 0 : i32
    %eq3A_17 = arith.cmpi eq, %arg1, %eq3A_16 : i32
    %eq3A_18 = arith.constant 1 : i32
    %eq3A_19 = arith.cmpi eq, %arg0, %eq3A_18 : i32
    %and3A_20 = arith.andi %eq3A_17, %eq3A_19 : i1
    %convert_element_type3A_21 = arith.extui %and3A_20 : i1 to i32
    %cond3A_22 = arith.constant 0 : i32
    %cond3A_23 = arith.cmpi ne, %convert_element_type3A_21, %cond3A_22 : i32
    scf.if %cond3A_23 {
      "tpu.region"() ({
        %run_scoped3A = tpu.sem_alloc : memref<!tpu.dma_semaphore, #tpu.memory_space<semaphore_mem>>
        tpu.enqueue_dma source(%arg25 : memref<10000x128xf32, #tpu.memory_space<vmem_shared>>) target(%arg14 : memref<10000x128xf32, #tpu.memory_space<hbm>>) target_semaphore(%run_scoped3A : memref<!tpu.dma_semaphore, #tpu.memory_space<semaphore_mem>>)
        tpu.wait_dma2 semaphore(%run_scoped3A : memref<!tpu.dma_semaphore, #tpu.memory_space<semaphore_mem>>) src(%arg25 : memref<10000x128xf32, #tpu.memory_space<vmem_shared>>) dst(%arg14 : memref<10000x128xf32, #tpu.memory_space<hbm>>)
        tpu.yield
      }) : () -> ()
    } else {
    }
    return
  }
}

module attributes {stable_mosaic.version = 14 : i64} {
  func.func @_proj_body(%arg0: i32, %arg1: memref<1000x256xf32, #tpu.memory_space<vmem>>, %arg2: memref<1000x256xf32, #tpu.memory_space<vmem>>, %arg3: memref<256x256xf32, #tpu.memory_space<vmem>>, %arg4: memref<1x256xf32, #tpu.memory_space<vmem>>, %arg5: memref<256x256xf32, #tpu.memory_space<vmem>>, %arg6: memref<1x256xf32, #tpu.memory_space<vmem>>, %arg7: memref<1000x128xf32, #tpu.memory_space<vmem>>, %arg8: memref<1000x128xf32, #tpu.memory_space<vmem>>, %arg9: memref<1000x128xf32, #tpu.memory_space<vmem>>, %arg10: memref<1000x128xf32, #tpu.memory_space<vmem>>) attributes {dimension_semantics = [#tpu.dimension_semantics<arbitrary>], iteration_bounds = array<i64: 10>, scalar_prefetch = 0 : i64, scratch_operands = 0 : i64, tpu.core_type = #tpu.core_type<tc>, window_params = [{transform_indices = @transform_0, window_bounds = array<i64: 1000, 256>}, {transform_indices = @transform_1, window_bounds = array<i64: 1000, 256>}, {pipeline_mode = #tpu.pipeline_mode<synchronous>, transform_indices = @transform_2, window_bounds = array<i64: 256, 256>}, {pipeline_mode = #tpu.pipeline_mode<synchronous>, transform_indices = @transform_3, window_bounds = array<i64: 1, 256>}, {pipeline_mode = #tpu.pipeline_mode<synchronous>, transform_indices = @transform_4, window_bounds = array<i64: 256, 256>}, {pipeline_mode = #tpu.pipeline_mode<synchronous>, transform_indices = @transform_5, window_bounds = array<i64: 1, 256>}, {transform_indices = @transform_6, window_bounds = array<i64: 1000, 128>}, {transform_indices = @transform_7, window_bounds = array<i64: 1000, 128>}, {transform_indices = @transform_8, window_bounds = array<i64: 1000, 128>}, {transform_indices = @transform_9, window_bounds = array<i64: 1000, 128>}]} {
    %get3A = arith.constant 0 : index
    %get3A_0 = arith.constant 0 : index
    %get3A_1 = vector.load %arg1[%get3A, %get3A_0] : memref<1000x256xf32, #tpu.memory_space<vmem>>, vector<1000x256xf32>
    %get3A_2 = arith.constant 0 : index
    %get3A_3 = arith.constant 0 : index
    %get3A_4 = vector.load %arg3[%get3A_2, %get3A_3] : memref<256x256xf32, #tpu.memory_space<vmem>>, vector<256x256xf32>
    %dot_general3A = arith.constant dense<0.000000e+00> : vector<1000x256xf32>
    %dot_general3A_5 = tpu.matmul %get3A_1, %get3A_4, %dot_general3A {dimension_numbers = #tpu.dot_dimension_numbers<[1], [0], [0], [1], [0, 0, 1, 1], [], []>, transpose_lhs_hint = false} : vector<1000x256xf32>, vector<256x256xf32>, vector<1000x256xf32> -> vector<1000x256xf32>
    %get3A_6 = arith.constant 0 : index
    %get3A_7 = arith.constant 0 : index
    %get3A_8 = vector.load %arg4[%get3A_6, %get3A_7] : memref<1x256xf32, #tpu.memory_space<vmem>>, vector<1x256xf32>
    %add3A = vector.broadcast %get3A_8 : vector<1x256xf32> to vector<1000x256xf32>
    %add3A_9 = arith.addf %dot_general3A_5, %add3A : vector<1000x256xf32>
    %get3A_10 = arith.constant 0 : index
    %get3A_11 = arith.constant 0 : index
    %get3A_12 = vector.load %arg2[%get3A_10, %get3A_11] : memref<1000x256xf32, #tpu.memory_space<vmem>>, vector<1000x256xf32>
    %get3A_13 = arith.constant 0 : index
    %get3A_14 = arith.constant 0 : index
    %get3A_15 = vector.load %arg5[%get3A_13, %get3A_14] : memref<256x256xf32, #tpu.memory_space<vmem>>, vector<256x256xf32>
    %dot_general3A_16 = arith.constant dense<0.000000e+00> : vector<1000x256xf32>
    %dot_general3A_17 = tpu.matmul %get3A_12, %get3A_15, %dot_general3A_16 {dimension_numbers = #tpu.dot_dimension_numbers<[1], [0], [0], [1], [0, 0, 1, 1], [], []>, transpose_lhs_hint = false} : vector<1000x256xf32>, vector<256x256xf32>, vector<1000x256xf32> -> vector<1000x256xf32>
    %get3A_18 = arith.constant 0 : index
    %get3A_19 = arith.constant 0 : index
    %get3A_20 = vector.load %arg6[%get3A_18, %get3A_19] : memref<1x256xf32, #tpu.memory_space<vmem>>, vector<1x256xf32>
    %add3A_21 = vector.broadcast %get3A_20 : vector<1x256xf32> to vector<1000x256xf32>
    %add3A_22 = arith.addf %dot_general3A_17, %add3A_21 : vector<1000x256xf32>
    %slice3A = vector.extract_strided_slice %add3A_9 {offsets = [0, 0], sizes = [1000, 128], strides = [1, 1]} : vector<1000x256xf32> to vector<1000x128xf32>
    %swap3A = arith.constant 0 : index
    %swap3A_23 = arith.constant 0 : index
    %swap3A_24 = vector.load %arg7[%swap3A, %swap3A_23] : memref<1000x128xf32, #tpu.memory_space<vmem>>, vector<1000x128xf32>
    tpu.vector_store %arg7[%swap3A, %swap3A_23], %slice3A {strides = array<i32>} : memref<1000x128xf32, #tpu.memory_space<vmem>>, vector<1000x128xf32>,
    %slice3A_25 = vector.extract_strided_slice %add3A_9 {offsets = [0, 128], sizes = [1000, 128], strides = [1, 1]} : vector<1000x256xf32> to vector<1000x128xf32>
    %swap3A_26 = arith.constant 0 : index
    %swap3A_27 = arith.constant 0 : index
    %swap3A_28 = vector.load %arg8[%swap3A_26, %swap3A_27] : memref<1000x128xf32, #tpu.memory_space<vmem>>, vector<1000x128xf32>
    tpu.vector_store %arg8[%swap3A_26, %swap3A_27], %slice3A_25 {strides = array<i32>} : memref<1000x128xf32, #tpu.memory_space<vmem>>, vector<1000x128xf32>,
    %slice3A_29 = vector.extract_strided_slice %add3A_22 {offsets = [0, 0], sizes = [1000, 128], strides = [1, 1]} : vector<1000x256xf32> to vector<1000x128xf32>
    %swap3A_30 = arith.constant 0 : index
    %swap3A_31 = arith.constant 0 : index
    %swap3A_32 = vector.load %arg9[%swap3A_30, %swap3A_31] : memref<1000x128xf32, #tpu.memory_space<vmem>>, vector<1000x128xf32>
    tpu.vector_store %arg9[%swap3A_30, %swap3A_31], %slice3A_29 {strides = array<i32>} : memref<1000x128xf32, #tpu.memory_space<vmem>>, vector<1000x128xf32>,
    %slice3A_33 = vector.extract_strided_slice %add3A_22 {offsets = [0, 128], sizes = [1000, 128], strides = [1, 1]} : vector<1000x256xf32> to vector<1000x128xf32>
    %swap3A_34 = arith.constant 0 : index
    %swap3A_35 = arith.constant 0 : index
    %swap3A_36 = vector.load %arg10[%swap3A_34, %swap3A_35] : memref<1000x128xf32, #tpu.memory_space<vmem>>, vector<1000x128xf32>
    tpu.vector_store %arg10[%swap3A_34, %swap3A_35], %slice3A_33 {strides = array<i32>} : memref<1000x128xf32, #tpu.memory_space<vmem>>, vector<1000x128xf32>,
    return
  }
  func.func @transform_0(%arg0: i32) -> (i32, i32) {
    %c0_i32 = arith.constant 0 : i32
    %c0_i32_0 = arith.constant 0 : i32
    return %arg0, %c0_i32 : i32, i32
  }
  func.func @transform_1(%arg0: i32) -> (i32, i32) {
    %c0_i32 = arith.constant 0 : i32
    %c0_i32_0 = arith.constant 0 : i32
    return %arg0, %c0_i32 : i32, i32
  }
  func.func @transform_2(%arg0: i32) -> (i32, i32) {
    %c0_i32 = arith.constant 0 : i32
    %c0_i32_0 = arith.constant 0 : i32
    %c0_i32_1 = arith.constant 0 : i32
    return %c0_i32, %c0_i32_0 : i32, i32
  }
  func.func @transform_3(%arg0: i32) -> (i32, i32) {
    %c0_i32 = arith.constant 0 : i32
    %c0_i32_0 = arith.constant 0 : i32
    %c0_i32_1 = arith.constant 0 : i32
    return %c0_i32, %c0_i32_0 : i32, i32
  }
  func.func @transform_4(%arg0: i32) -> (i32, i32) {
    %c0_i32 = arith.constant 0 : i32
    %c0_i32_0 = arith.constant 0 : i32
    %c0_i32_1 = arith.constant 0 : i32
    return %c0_i32, %c0_i32_0 : i32, i32
  }
  func.func @transform_5(%arg0: i32) -> (i32, i32) {
    %c0_i32 = arith.constant 0 : i32
    %c0_i32_0 = arith.constant 0 : i32
    %c0_i32_1 = arith.constant 0 : i32
    return %c0_i32, %c0_i32_0 : i32, i32
  }
  func.func @transform_6(%arg0: i32) -> (i32, i32) {
    %c0_i32 = arith.constant 0 : i32
    %c0_i32_0 = arith.constant 0 : i32
    return %arg0, %c0_i32 : i32, i32
  }
  func.func @transform_7(%arg0: i32) -> (i32, i32) {
    %c0_i32 = arith.constant 0 : i32
    %c0_i32_0 = arith.constant 0 : i32
    return %arg0, %c0_i32 : i32, i32
  }
  func.func @transform_8(%arg0: i32) -> (i32, i32) {
    %c0_i32 = arith.constant 0 : i32
    %c0_i32_0 = arith.constant 0 : i32
    return %arg0, %c0_i32 : i32, i32
  }
  func.func @transform_9(%arg0: i32) -> (i32, i32) {
    %c0_i32 = arith.constant 0 : i32
    %c0_i32_0 = arith.constant 0 : i32
    return %arg0, %c0_i32 : i32, i32
  }
}

</mosaic_0001>

<sc_bundles>
// kernel: kernel.5.cloned.1.call-start
scs
__scs_entry_jumppad:
0x0: {  	(pc) =	sbr.rel $0x88, $3  }
0x1: {  	(tag) =	ssettag $0x0;
	lr =	simm.s32 $0x1  }
0x2: {  	[smem:$0x3F98] =	sst lr;
	_ =	strace $0xD0000000  }
0x3: {  	_ = 	snop  }
0x4: {  	_ = 	snop  }
0x5: {  	_ = 	snop  }
0x6: {  	_ = 	snop  }
0x7: {  	_ = 	snop  }
__scs_overlays_trampoline_lowered:
0x8: {  	[smem:$0x3FA7] =	sst s0  }
0x9: {  	[smem:$0x3FA8] =	sst s1  }
0xa: {  	[smem:$0x3FA9] =	sst s2  }
0xb: {  	[smem:$0x3FAA] =	sst s3  }
0xc: {  	[smem:$0x3FAB] =	sst s4  }
0xd: {  	[smem:$0x3FAC] =	sst s5  }
0xe: {  	[smem:$0x3FAD] =	sst s6  }
0xf: {  	[smem:$0x3FAE] =	sst s7  }
0x10: {  	[smem:$0x3FAF] =	sst s8  }
0x11: {  	[smem:$0x3FB0] =	sst s9;
	s0 =	simm.s32 @!p0 $0x0  }
0x12: {  	s1 =	sld [smem:$0x3F96];
	s0 =	simm.s32 @p0 $0x1  }
0x13: {  	[smem:$0x3FB1] =	sst s0;
	s0 =	simm.s32 @!p1 $0x0  }
0x14: {  	s2 =	sld [smem:$0x3F95];
	s0 =	simm.s32 @p1 $0x1  }
0x15: {  	[smem:$0x3FB2] =	sst s0;
	s0 =	simm.s32 @!p2 $0x0  }
0x16: {  	s3 =	sld [smem:$0x3FDB];
	s0 =	simm.s32 @p2 $0x1  }
0x17: {  	s4 =	simm.s32 $0x1BF5;
	[smem:$0x3FB4] =	sst s0  }
0x18: {  	s0 =	sld [smem:$0x3F97];
	_ =	swait.ge [sflag:s4], $0x0  }
0x19: {  	s7 =	sld [smem:$0x3F98]  }
0x1a: {  	s8 =	sadd.s32 $0xFFFFE003, lr  }
0x1b: {  	s9 =	sadd.s32 $0xFFFFFEF7, lr;
	s5 =	simm.s32 $0xFFFFFFFF;
	p2 =	slt.u32 s8, $0xFFFFF086  }
0x1c: {  	p1 =	slt.u32 s9, $0xF7A;
	s5 =	simm.s32 @!p2 $0x0  }
0x1d: {  	s5 =	simm.s32 @p1 $0x1;
	p0 =	seq.s32 s7, s2  }
0x1e: {  	s7 =	smul.u32 @!p0 $0xF7A, s2;
	p2 =	seq.s32 @!p0 s5, $0x0  }
0x1f: {  	s9 =	smul.u32 $0xF7A, s1;
	s8 =	simm.s32 @!p0 $0x1BF5;
	p2 =	por !p2, p0  }
0x20: {  	[sflag:s8] =	ssyncset.s32 @!p0 $0xFFFFF086;
	s6 =	sadd.s32 @!p0 s3, s7;
	s7 =	simm.s32 @!p0 $0x108  }
0x21: {  	s3 =	sadd.s32 s3, s9;
	s6 =	sadd.s32 @!p0 $0x88, s6;
	s7 =	simm.s32 @p2 $0x1082  }
0x22: {  	[simem:s7], [sflag:s8] =	dma.local @!p0 [hbm:s6], $0xF7A  }
0x23: {  	s9 =	sor.u32 $0xD0000000, s2;
	s6 =	simm.s32 $0x108;
	_ =	swait.ge @!p0 [sflag:s8], $0x0  }
0x24: {  	s3 =	sadd.s32 $0x88, s3;
	s6 =	simm.s32 @!p1 $0x1082;
	[sflag:s4] =	ssyncset.s32 $0xFFFFF086  }
0x25: {  	[simem:s6], [sflag:s4] =	dma.local [hbm:s3], $0xF7A  }
0x26: {  	[smem:$0x3F98] =	sst s1;
	(tag) =	ssettag s2;
	_ =	strace s9  }
0x27: {  	s1 =	sld [smem:$0x3FA8]  }
0x28: {  	s2 =	sld [smem:$0x3FA9]  }
0x29: {  	s4 =	sld [smem:$0x3FAB]  }
0x2a: {  	p0 =	seq.s32 s5, $0x0;
	s5 =	sld [smem:$0x3FAC]  }
0x2b: {  	s6 =	sld [smem:$0x3FAD]  }
0x2c: {  	s7 =	sld [smem:$0x3FAE]  }
0x2d: {  	s3 =	simm.s32 $0x108;
	s8 =	sld [smem:$0x3FAF]  }
0x2e: {  	s3 =	simm.s32 @!p0 $0x1082;
	s9 =	sld [smem:$0x3FB0]  }
0x2f: {  	lr =	sadd.s32 s0, s3;
	s0 =	sld [smem:$0x3FA7]  }
0x30: {  	s3 =	sld [smem:$0x3FAA]  }
0x31: {  	[smem:$0x3FB3] =	sst s10  }
0x32: {  	s10 =	sld [smem:$0x3FB1];
	_ =	sdelay $0x3  }
0x33: {  	p0 =	seq.s32 s10, $0x1;
	s10 =	sld [smem:$0x3FB3];
	_ =	sdelay $0x3  }
0x34: {  	[smem:$0x3FB3] =	sst s10  }
0x35: {  	s10 =	sld [smem:$0x3FB2];
	_ =	sdelay $0x3  }
0x36: {  	p1 =	seq.s32 s10, $0x1;
	s10 =	sld [smem:$0x3FB3];
	_ =	sdelay $0x3  }
0x37: {  	[smem:$0x3FB3] =	sst s10  }
0x38: {  	s10 =	sld [smem:$0x3FB4]  }
0x39: {  	_ = 	snop;
	(pc) =	sbr.ind lr, $3  }
0x3a: {  	_ = 	snop  }
0x3b: {  	_ = 	snop  }
0x3c: {  	p2 =	seq.s32 s10, $0x1;
	s10 =	sld [smem:$0x3FB3]  }
0x3d: {  	_ =	shalt  }
0x3e: {  	_ =	shalt  }
0x3f: {  	_ =	shalt  }
0x40: {  	_ =	shalt  }
0x41: {  	_ =	shalt  }
0x42: {  	_ =	shalt  }
0x43: {  	_ =	shalt  }
0x44: {  	_ =	shalt  }
0x45: {  	_ =	shalt  }
0x46: {  	_ =	shalt  }
0x47: {  	_ =	shalt  }
0x48: {  	_ =	shalt  }
0x49: {  	_ =	shalt  }
0x4a: {  	_ =	shalt  }
0x4b: {  	_ =	shalt  }
0x4c: {  	_ =	shalt  }
0x4d: {  	_ =	shalt  }
0x4e: {  	_ =	shalt  }
0x4f: {  	_ =	shalt  }
0x50: {  	_ =	shalt  }
0x51: {  	_ =	shalt  }
0x52: {  	_ =	shalt  }
0x53: {  	_ =	shalt  }
0x54: {  	_ =	shalt  }
0x55: {  	_ =	shalt  }
0x56: {  	_ =	shalt  }
0x57: {  	_ =	shalt  }
0x58: {  	_ =	shalt  }
0x59: {  	_ =	shalt  }
0x5a: {  	_ =	shalt  }
0x5b: {  	_ =	shalt  }
0x5c: {  	_ =	shalt  }
0x5d: {  	_ =	shalt  }
0x5e: {  	_ =	shalt  }
0x5f: {  	_ =	shalt  }
0x60: {  	_ =	shalt  }
0x61: {  	_ =	shalt  }
0x62: {  	_ =	shalt  }
0x63: {  	_ =	shalt  }
0x64: {  	_ =	shalt  }
0x65: {  	_ =	shalt  }
0x66: {  	_ =	shalt  }
0x67: {  	_ =	shalt  }
0x68: {  	_ =	shalt  }
0x69: {  	_ =	shalt  }
0x6a: {  	_ =	shalt  }
0x6b: {  	_ =	shalt  }
0x6c: {  	_ =	shalt  }
0x6d: {  	_ =	shalt  }
0x6e: {  	_ =	shalt  }
0x6f: {  	_ =	shalt  }
0x70: {  	_ =	shalt  }
0x71: {  	_ =	shalt  }
0x72: {  	_ =	shalt  }
0x73: {  	_ =	shalt  }
0x74: {  	_ =	shalt  }
0x75: {  	_ =	shalt  }
0x76: {  	_ =	shalt  }
0x77: {  	_ =	shalt  }
0x78: {  	_ =	shalt  }
0x79: {  	_ =	shalt  }
0x7a: {  	_ =	shalt  }
0x7b: {  	_ =	shalt  }
0x7c: {  	_ =	shalt  }
0x7d: {  	_ =	shalt  }
0x7e: {  	_ =	shalt  }
0x7f: {  	_ =	shalt  }
0x80: {  	_ =	shalt  }
0x81: {  	_ =	shalt  }
0x82: {  	_ =	shalt  }
0x83: {  	_ =	shalt  }
0x84: {  	_ =	shalt  }
0x85: {  	_ =	shalt  }
0x86: {  	_ =	shalt  }
0x87: {  	_ =	shalt  }
.Lfunc_end0:
.L_simem_size_0:
called_computation.2_lowered:
.L_overlay_start_0:
0x88: {  	s2 =	sld [smem:$0x3FD9]  }
0x89: {  	s3 =	sld [smem:$0x3FFE];
	_ =	sdelay $0x1  }
0x8a: {  	s1 =	srdreg.scid  }
0x8b: {  	s0 =	sand.u32 $0x1, s1  }
0x8c: {  	s17 =	sshll.u32 s0, $0xA;
	s2 =	sadd.s32 s3, s2  }
0x8d: {  	s2 =	sadd.s32 s2, s17  }
0x8e: {  	[smem:$0x3FBF] =	sst s2  }
0x8f: {  	_ = 	snop  }
0x90: {  	s2 =	sld [smem:$0x3FC7];
	(tm) =	ssettm $0x1  }
0x91: {  	s18 =	sld [smem:$0x3FFB];
	_ =	sdelay $0x3  }
0x92: {  	_ =	strace s18  }
0x93: {  	s3 =	sld [smem:$0x3FFC];
	_ =	sdelay $0x3  }
0x94: {  	_ =	strace s3  }
0x95: {  	s3 =	sld [smem:$0x3FFD];
	_ =	sdelay $0x3  }
0x96: {  	_ =	strace s3  }
0x97: {  	_ =	strace $0x8FFFFFFF  }
0x98: {  	s19 =	sld [smem:$0x3FDB];
	_ =	sdelay $0x1  }
0x99: {  	s4 =	simm.s32 $_scs_section_size  }
0x9a: {  	s5 =	simm.s32 $_size__tile_overlayer_lowered;
	s6 =	simm.s32 $_tile_overlayer_lowered  }
0x9b: {  	s22 =	simm.s32 $0x1BFF;
	s21 =	sshll.u32 s6, $0x1;
	s3 =	sadd.s32 s4, s19  }
0x9c: {  	s7 =	simm.s32 $0x0;
	s20 =	sshll.u32 s5, $0x1;
	s5 =	sadd.s32 s21, s3  }
0x9d: {  	[timem:s7], [sflag:s22] =	dma.local [hbm:s5], s20  }
0x9e: {  	_ =	swait.ge [sflag:s22], s20  }
0x9f: {  	s4 =	ssub.s32 $0x0, s20;
	[sflag:s22] =	ssyncset.done $0x0  }
0xa0: {  	[sflag:s22] =	ssyncadd.s32 s4;
	_ =	sdelay $0x1  }
0xa1: {  	s23 =	simm.s32 $0x1B8B  }
0xa2: {  	_ =	swait.ge [sflag:s23], $0x1  }
0xa3: {  	[sflag:s23] =	ssyncset.done $0x0  }
0xa4: {  	s25 =	simm.s32 $0x1B8E;
	s24 =	sld [smem:$0x3FFE];
	[sflag:s23] =	ssyncadd.s32 $0xFFFFFFFF  }
0xa5: {  	s26 =	simm.s32 $execute0_lowered;
	[smem:$0x3FD2] =	sst s25  }
0xa6: {  	s5 =	sshll.u32 s26, $0x1;
	_ =	strace $0x80000046;
	[dreg:$0x1] =	wrdreg $0xFFFFFFFF  }
0xa7: {  	s28 =	simm.s32 $_size_execute0_lowered;
	s3 =	sadd.s32 s3, s5;
	[dreg:$0x0] =	wrdreg $0x0  }
0xa8: {  	s5 =	sshll.u32 s28, $0x1;
	[dreg:$0x2] =	wrdreg s3  }
0xa9: {  	[dreg:$0x3] =	wrdreg s5  }
0xaa: {  	[dreg:$0x4] =	wrdreg $0xC0  }
0xab: {  	_ =	task [dreg:s7], $0x5FFFF  }
0xac: {  	[dreg:$0x1] =	wrdreg $0xFFFFFFFF  }
0xad: {  	[dreg:$0x0] =	wrdreg $0x60  }
0xae: {  	[dreg:$0x2] =	wrdreg s24  }
0xaf: {  	[dreg:$0x3] =	wrdreg s2  }
0xb0: {  	[dreg:$0x4] =	wrdreg $0xC3800  }
0xb1: {  	[dreg:$0x5] =	wrdreg $0x9  }
0xb2: {  	_ =	task.clear_ibuf [dreg:s7], $0x6FFFF;
	_ =	strace $0x90000046  }
0xb3: {  	s29 =	simm.s32 $0x9;
	_ =	strace $0x80000048  }
0xb4: {  	_ =	swait.ge [sflag:s29], $0x1  }
0xb5: {  	[sflag:s29] =	ssyncadd.s32 $0xFFFFFFFF  }
0xb6: {  	_ =	strace $0x90000048  }
0xb7: {  	_ =	sfence  }
0xb8: {  	s30 =	sld [smem:$0x0];
	_ =	sdelay $0x2  }
0xb9: {  	s31 =	sshll.u32 s1, $0xD;
	s1 =	sshrl.u32 s1, $0x2  }
0xba: {  	s3 =	sand.u32 $0x4000, s31;
	s1 =	sadd.s32 s1, s30  }
0xbb: {  	s0 =	sor.u32 s3, s0;
	s1 =	sshll.u32 s1, $0x11  }
0xbc: {  	s0 =	sor.u32 s1, s0  }
0xbd: {  	s0 =	sadd.s32 $0x8F2B, s0  }
0xbe: {  	[sflag:s0] =	ssyncadd.remote.s32 $0x1  }
0xbf: {  	_ =	sfence.sel $0xFFFF  }
0xc0: {  	[dreg:$0x0] =	wrdreg $0xFFFFFFFF;
	(pc) =	sbr.abs _section_cstart, $3  }
0xc1: {  	[dreg:$0x1] =	wrdreg $0xFFFFFFFF  }
0xc2: {  	_ =	task.clear_ibuf [dreg:s7], $0x2FFFF;
	_ =	strace $0x9FFFFFFF  }
0xc3: {  	(tm) =	ssettm $0x7FFFFFFF  }
tec
execute0_lowered:
.L_overlay_start_1:
0x0: {  	(tag) =	ssettag $0x1  }
0x1: {  	s0 =	rddreg [dreg:$0x0]  }
0x2: {  	s1 =	rddreg [dreg:$0x1]  }
0x3: {  	s2 =	rddreg [dreg:$0x2];
	s3 =	simm.s32 $0x0  }
0x4: {  	s9 =	srdreg.scid;
	s13 =	stileid.u32;
	s17 =	simm.s32 $0x8380  }
0x5: {  	s19 =	simm.s32 $0x100;
	s20 =	simm.s32 $0x4;
	s21 =	simm.s32 $0x180  }
0x6: {  	s22 =	simm.s32 $0x200;
	s23 =	simm.s32 $0x80;
	s24 =	simm.s32 $0x280  }
0x7: {  	s28 =	simm.s32 $0x2;
	s29 =	simm.s32 $0x8280;
	s30 =	simm.s32 $0x0  }
0x8: {  	[smem:$0x7FF] =	sst s3;
	s8 =	sadd.s32 $0x82800, s0;
	s4 =	sadd.s32 $0xD200, s0  }
0x9: {  	s11 =	sadd.s32 $0x34400, s0;
	s5 =	sadd.s32 $0x5B600, s0;
	s6 =	sadd.s32 $0x8200, s0  }
0xa: {  	s7 =	sadd.s32 $0x3200, s0;
	s10 =	sadd.s32 $0x3000, s0;
	s12 =	sand.u32 $0x1, s9  }
0xb: {  	s25 =	sadd.s32 $0xA9A00, s0;
	s15 =	sadd.s32 $0xD0C00, s0;
	s26 =	sadd.s32 $0xE4800, s0  }
0xc: {  	p0 =	seq.s32 s13, $0x0;
	_ =	strace $0x80000047;
	[dreg:$0x4] =	wrdreg s10  }
0xd: {  	[dreg:$0x5] =	wrdreg s25;
	s14 =	ssub.s32 $0x2, s12;
	s10 =	sadd.s32 $0xDAA00, s0  }
0xe: {  	[dreg:$0x6] =	wrdreg s26;
	s0 =	sadd.s32 $0x10BA00, s0;
	p1 =	seq.s32 s12, $0x1  }
0xf: {  	p2 =	seq.s32 s12, $0x0;
	s25 =	simm.s32 $0x4280;
	s26 =	simm.s32 $0x1  }
0x10: {  	s16 =	sshrl.u32 s14, $0x1;
	[dreg:$0x7] =	wrdreg s0;
	p0 =	por !p0, !p1  }
.Ltmp0:
0x11: {  	s4 =	smov.u32 @p2 s8;
	s5 =	smov.u32 @p2 s11;
	(pc) =	sbr.rel .LBB2_1-.Ltmp0, $4  }
0x12: {  	s10 =	smov.u32 @p2 s15;
	s31 =	ssub.s32 s14, s16;
	s14 =	sshll.u32 s12, $0x7  }
0x13: {  	p1 =	por !p0, !p0;
	p0 =	sne.s32 s13, $0x0;
	s0 =	smax.u32 s31, $0x1  }
0x14: {  	v0 =	vlaneseq.u32;
	s12 =	sor.u32 s12, s13;
	v1 =	vmov s14;
	[dreg:$0x8] =	wrdreg s0;
	s0 =	sshrl.u32 @!p0 s2, $0x3  }
0x15: {  	v2 =	vor.u32 $0x80, v0;
	s16 =	simm.s32 $0x3;
	p2 =	sne.s32 s12, $0x0;
	v1 =	vor.u32 $0x40, v1;
	[dreg:$0x9] =	wrdreg s0  }
.LBB2_11:
0x16: {  	s0 =	sshll.u32 @!p2 s13, $0x6;
	[bflag:$0x0] =	sbarrier.arrive $0xFFFF  }
0x17: {  	s8 =	sshrl.u32 @!p2 s2, $0x3;
	s0 =	sor.u32 @!p2 $0x1C03, s0;
	s9 =	rddreg [dreg:$0x6]  }
0x18: {  	[hbm:s9], [sflag:s0] =	dma.local @!p2 [spmem:s8], $0x27100  }
0x19: {  	s0 =	simm.s32 @!p2 $0x3  }
0x1a: {  	_ =	swait.ge @!p2 [sflag:s0], $0x27100  }
0x1b: {  	s8 =	simm.s32 @p1 $0x1C03;
	[sflag:s0] =	ssyncset.done @!p2 $0x0  }
0x1c: {  	s9 =	rddreg [dreg:$0x7];
	[sflag:s0] =	ssyncadd.s32 @!p2 $0xFFFD8F00;
	s0 =	sshrl.u32 @p1 s2, $0x3  }
0x1d: {  	[hbm:s9], [sflag:s8] =	dma.local @p1 [spmem:s0], $0x27100  }
0x1e: {  	s0 =	simm.s32 @p1 $0x3  }
0x1f: {  	_ =	swait.ge @p1 [sflag:s0], $0x27100  }
0x20: {  	s30 =	sadd.s32 $0x1, s30;
	s31 =	rddreg [dreg:$0x8]  }
0x21: {  	p3 =	sne.s32 s30, s31  }
.Ltmp1:
0x22: {  	_ = 	snop;
	(pc) =	sbr.rel @!p3 .LBB2_12-.Ltmp1, $3  }
0x23: {  	_ =	sdelay $0x1  }
0x24: {  	[sflag:s0] =	ssyncset.done @p1 $0x0  }
0x25: {  	[sflag:s0] =	ssyncadd.s32 @p1 $0xFFFD8F00  }
.LBB2_1:
0x26: {  	s0 =	rddreg [dreg:$0x4]  }
0x27: {  	[tilespmem:s3], [sflag:$0x3] =	stream.linear.gather [hbm4b:s0+s3], $0x100, $0x38;
	[tilespmem:$0x1FC00] =	vst v63  }
0x28: {  	_ =	swait.ge [sflag:s16], $0x100  }
0x29: {  	[sflag:s16] =	ssyncset.done $0x0  }
0x2a: {  	s8 =	rddreg [dreg:$0x5];
	[sflag:s16] =	ssyncadd.s32 $0xFFFFFF00  }
0x2b: {  	[tilespmem:s17], [sflag:$0x3] =	stream.linear.gather [hbm4b:s8+s3], $0x4000, $0x38;
	[tilespmem:$0x1FC00] =	vst v63  }
0x2c: {  	_ =	swait.ge [sflag:s16], $0x4000  }
0x2d: {  	[sflag:s16] =	ssyncset.done $0x0  }
0x2e: {  	s0 =	simm.s32 @!p0 $0x1C03;
	s9 =	rddreg [dreg:$0x9];
	[sflag:s16] =	ssyncadd.s32 $0xFFFFC000  }
0x2f: {  	[spmem:s9], [sflag:s0] =	dma.local @!p0 [hbm:s8], $0x27100  }
0x30: {  	s0 =	simm.s32 @!p0 $0x3  }
.Ltmp2:
0x31: {  	_ =	swait.ge @!p0 [sflag:s0], $0x27100;
	(pc) =	sbr.rel .LBB2_2-.Ltmp2, $4  }
0x32: {  	[sflag:s0] =	ssyncset.done @!p0 $0x0  }
0x33: {  	[sflag:s0] =	ssyncadd.s32 @!p0 $0xFFFD8F00  }
0x34: {  	[bflag:$0x0] =	sbarrier.arrive $0xFFFF  }
0x35: {  	s31 =	simm.s32 $0x0  }
.LBB2_10:
0x36: {  	s31 =	sadd.s32 $0x1, s31  }
0x37: {  	p3 =	sne.s32 s31, $0x4F  }
.Ltmp3:
0x38: {  	_ = 	snop;
	(pc) =	sbr.rel @!p3 .LBB2_11-.Ltmp3, $1  }
0x39: {  	_ =	sdelay $0x3  }
.LBB2_2:
0x3a: {  	s0 =	sshll.u32 s31, $0x4  }
0x3b: {  	s0 =	sor.u32 s13, s0  }
0x3c: {  	p3 =	sgt.u32 s0, $0x4E1  }
.Ltmp4:
0x3d: {  	_ = 	snop;
	(pc) =	sbr.rel @p3 .LBB2_10-.Ltmp4, $1  }
0x3e: {  	_ =	sdelay $0x3  }
0x3f: {  	s11 =	sshll.u32 s0, $0x4  }
0x40: {  	s8 =	simm.s32 $0x0;
	s12 =	sadd.s32 s6, s11  }
0x41: {  	[tilespmem:s19], [sflag:$0x4] =	stream.linear.gather [hbm4b:s12+s8], $0x80, $0x38;
	[tilespmem:$0x1FC00] =	vst v63  }
0x42: {  	_ =	swait.ge [sflag:s20], $0x80  }
0x43: {  	[sflag:s20] =	ssyncset.done $0x0  }
0x44: {  	s18 =	sadd.s32 s1, s11;
	[sflag:s20] =	ssyncadd.s32 $0xFFFFFF80  }
0x45: {  	[tilespmem:s21], [sflag:$0x4] =	stream.linear.gather [hbm4b:s18+s8], $0x80, $0x38;
	[tilespmem:$0x1FC00] =	vst v63  }
0x46: {  	_ =	swait.ge [sflag:s20], $0x80  }
0x47: {  	[sflag:s20] =	ssyncset.done $0x0  }
0x48: {  	s11 =	sadd.s32 s7, s11;
	[sflag:s20] =	ssyncadd.s32 $0xFFFFFF80  }
0x49: {  	[tilespmem:s22], [sflag:$0x4] =	stream.linear.gather [hbm4b:s11+s8], $0x80, $0x38;
	[tilespmem:$0x1FC00] =	vst v63  }
0x4a: {  	_ =	swait.ge [sflag:s20], $0x80  }
0x4b: {  	[sflag:s20] =	ssyncset.done $0x0  }
0x4c: {  	[sflag:s20] =	ssyncadd.s32 $0xFFFFFF80  }
0x4d: {  	[tilespmem:s24], [sflag:$0x1] =	stream.indirect.gather [hbm4b:s4+s23], $0x80, s19, s23, $0xb8;
	[tilespmem:$0x1FC00] =	vst v63  }
0x4e: {  	_ = 	snop  }
0x4f: {  	[tilespmem:s25], [sflag:$0x2] =	stream.indirect.gather [hbm4b:s5+s23], $0x80, s21, s23, $0xb8;
	[tilespmem:$0x1FC00] =	vst v63  }
0x50: {  	_ =	swait.ge [sflag:s26], $0x4000  }
0x51: {  	[sflag:s26] =	ssyncset.done $0x0  }
0x52: {  	[sflag:s26] =	ssyncadd.s32 $0xFFFFC000  }
0x53: {  	_ =	swait.ge [sflag:s28], $0x4000  }
0x54: {  	[sflag:s28] =	ssyncset.done $0x0  }
0x55: {  	s11 =	simm.s32 $0x0;
	[sflag:s28] =	ssyncadd.s32 $0xFFFFC000  }
.LBB2_4:
0x56: {  	v3 =	vmov s8  }
0x57: {  	s15 =	sshll.u32 s11, $0x4;
	v3 =	vand.u32 $0x7F, v3  }
0x58: {  	v5 =	vor.u32 s15, v0;
	v4 =	vbroadcast v3, $0x0  }
0x59: {  	v3 =	vshll.u32 v5, $0x7  }
0x5a: {  	v4 =	vor.u32 v3, v4  }
0x5b: {  	s12 =	simm.s32 $0x1  }
0x5c: {  	v6 =	vmov s12  }
0x5d: {  	v6 =	vand.u32 $0x7F, v6  }
0x5e: {  	s18 =	sadd.s32 $0x0, s14;
	v6 =	vbroadcast v6, $0x0  }
0x5f: {  	v7 =	vmov s18;
	v12 =	vld.idx.msk [tilespmem:v4+s24+$0x0], $0xffff  }
0x60: {  	s12 =	simm.s32 $0x2;
	v11 =	vor.u32 v3, v6;
	v13 =	vld.idx.msk [tilespmem:v4+s25+$0x0], $0xffff  }
0x61: {  	v4 =	vmov s12  }
0x62: {  	v4 =	vand.u32 $0x7F, v4  }
0x63: {  	s18 =	sadd.s32 $0x1, s14;
	v10 =	vbroadcast v4, $0x0  }
0x64: {  	v9 =	vmov s18;
	v7 =	vld.idx.msk [tilespmem:v7+s3+$0x0], $0xffff  }
0x65: {  	v8 =	vld.idx.msk [tilespmem:v11+s24+$0x0], $0xffff;
	v10 =	vor.u32 v3, v10;
	v12 =	vadd.f32 v13, v12  }
0x66: {  	v6 =	vimm.f32 $0.0e+00;
	v11 =	vld.idx.msk [tilespmem:v11+s25+$0x0], $0xffff;
	v4 =	vmov s15;
	s15 =	simm.s32 $0x3  }
.LBB2_5:
0x67: {  	v13 =	vmov s15;
	v15 =	vmul.f32 $2.000000030e-01, v12;
	s18 =	smov.u32 s15;
	p3 =	sne.s32 s15, $0x3F  }
.Ltmp5:
0x68: {  	s15 =	sadd.s32 $0x1, s15;
	vm0 =	vge.f32 v12, $0.0e+00;
	v13 =	vand.u32 $0x7F, v13;
	(pc) =	sbr.rel @p3 .LBB2_5-.Ltmp5, $4  }
0x69: {  	s9 =	sadd.s32 s14, s12;
	v14 =	vmov v7;
	s12 =	smov.u32 s18;
	v13 =	vbroadcast v13, $0x0;
	v15 =	vsel vm0, v12, v15;
	v7 =	vld.idx.msk [tilespmem:v9+s3+$0x0], $0xffff  }
0x6a: {  	v9 =	vmov s9;
	v12 =	vmov v8;
	v14 =	vmul.f32 v15, v14;
	v8 =	vld.idx.msk [tilespmem:v10+s24+$0x0], $0xffff  }
0x6b: {  	v12 =	vadd.f32 v11, v12;
	v11 =	vld.idx.msk [tilespmem:v10+s25+$0x0], $0xffff;
	v10 =	vor.u32 v3, v13  }
0x6c: {  	v6 =	vadd.f32 v14, v6  }
0x6d: {  	_ =	sdelay $0x3  }
0x6e: {  	s9 =	sadd.s32 s14, s12;
	v13 =	vld.idx.msk [tilespmem:v10+s24+$0x0], $0xffff  }
0x6f: {  	v10 =	vld.idx.msk [tilespmem:v10+s25+$0x0], $0xffff;
	v14 =	vmov s9;
	_ =	sdelay $0x2  }
0x70: {  	v9 =	vld.idx.msk [tilespmem:v9+s3+$0x0], $0xffff;
	v8 =	vadd.f32 v11, v8;
	v11 =	vmul.f32 $2.000000030e-01, v12  }
0x71: {  	vm0 =	vge.f32 v12, $0.0e+00  }
0x72: {  	v11 =	vsel vm0, v12, v11;
	v12 =	vmul.f32 $2.000000030e-01, v8;
	v10 =	vadd.f32 v10, v13;
	v14 =	vld.idx.msk [tilespmem:v14+s3+$0x0], $0xffff  }
0x73: {  	vm13 =	vge.f32 v8, $0.0e+00;
	v7 =	vmul.f32 v11, v7  }
0x74: {  	v8 =	vsel vm13, v8, v12;
	v11 =	vmul.f32 $2.000000030e-01, v10  }
0x75: {  	vm14 =	vge.f32 v10, $0.0e+00;
	v6 =	vadd.f32 v7, v6;
	v7 =	vmul.f32 v8, v9  }
0x76: {  	v8 =	vsel vm14, v10, v11  }
0x77: {  	v6 =	vadd.f32 v7, v6;
	v7 =	vmul.f32 v8, v14;
	_ =	sdelay $0x1  }
0x78: {  	v6 =	vadd.f32 v7, v6;
	_ =	sdelay $0x1  }
0x79: {  	v6 =	vmul.f32 $1.442695020e+00, v6;
	_ =	sdelay $0x1  }
0x7a: {  	(erf) = vpow2.f32 v6  }
0x7b: {  	s12 =	simm.s32 $0x0  }
0x7c: {  	v6 =	vmov s12  }
0x7d: {  	v6 =	vadd.s32 $0x40, v6  }
0x7e: {  	v6 =	vand.u32 $0x7F, v6  }
0x7f: {  	v6 =	vbroadcast v6, $0x0;
	_ =	sdelay $0x1  }
0x80: {  	s15 =	simm.s32 $0x1;
	v6 =	vor.u32 v3, v6  }
0x81: {  	v7 =	vmov s15  }
0x82: {  	v7 =	vadd.s32 $0x40, v7;
	v8 =	vpop (erf)  }
0x83: {  	v9 =	vadd.s32 s12, v1;
	v7 =	vand.u32 $0x7F, v7;
	[tilespmem:v5+s29+$0x0] =	vst.idx.msk $0xffff, v8  }
0x84: {  	v5 =	vbroadcast v7, $0x0;
	v7 =	vbroadcast v9, $0x0;
	[tilespmem:v3+s17+$0x0] =	vst.idx.msk $0xffff, v8  }
0x85: {  	s18 =	simm.s32 $0x2;
	v8 =	vld.idx.msk [tilespmem:v6+s24+$0x0], $0xffff  }
0x86: {  	v9 =	vmov s18;
	v5 =	vor.u32 v3, v5;
	v6 =	vld.idx.msk [tilespmem:v6+s25+$0x0], $0xffff  }
0x87: {  	v9 =	vadd.s32 $0x40, v9  }
0x88: {  	v10 =	vadd.s32 s15, v1;
	v9 =	vand.u32 $0x7F, v9  }
0x89: {  	v10 =	vbroadcast v10, $0x0;
	v9 =	vbroadcast v9, $0x0  }
0x8a: {  	v11 =	vld.idx.msk [tilespmem:v7+s3+$0x0], $0xffff  }
0x8b: {  	s12 =	simm.s32 $0x3;
	v14 =	vor.u32 v3, v9;
	v13 =	vld.idx.msk [tilespmem:v5+s24+$0x0], $0xffff;
	v8 =	vadd.f32 v6, v8  }
0x8c: {  	v15 =	vld.idx.msk [tilespmem:v5+s25+$0x0], $0xffff;
	v5 =	vmov s12  }
0x8d: {  	v5 =	vadd.s32 $0x40, v5;
	v9 =	vmul.f32 $2.000000030e-01, v8  }
0x8e: {  	v7 =	vadd.s32 s18, v1;
	v5 =	vand.u32 $0x7F, v5;
	vm15 =	vge.f32 v8, $0.0e+00  }
0x8f: {  	v7 =	vbroadcast v7, $0x0;
	v16 =	vbroadcast v5, $0x0;
	v5 =	vld.idx.msk [tilespmem:v10+s3+$0x0], $0xffff;
	v9 =	vsel vm15, v8, v9  }
0x90: {  	v10 =	vld.idx.msk [tilespmem:v14+s25+$0x0], $0xffff;
	v12 =	vmul.f32 v9, v11  }
0x91: {  	s15 =	simm.s32 $0x4;
	v6 =	vimm.f32 $0.0e+00;
	v8 =	vld.idx.msk [tilespmem:v14+s24+$0x0], $0xffff;
	v9 =	vor.u32 v3, v16;
	v11 =	vadd.f32 v15, v13  }
.LBB2_7:
0x92: {  	v13 =	vmov s15;
	v6 =	vadd.f32 v12, v6;
	s9 =	smov.u32 s15;
	p3 =	sne.s32 s15, $0x3F  }
.Ltmp6:
0x93: {  	s15 =	sadd.s32 $0x1, s15;
	v17 =	vadd.s32 $0x40, v13;
	v13 =	vmul.f32 $2.000000030e-01, v11;
	(pc) =	sbr.rel @p3 .LBB2_7-.Ltmp6, $4  }
0x94: {  	v14 =	vadd.s32 s12, v1;
	vm0 =	vge.f32 v11, $0.0e+00;
	s12 =	smov.u32 s9;
	v16 =	vand.u32 $0x7F, v17  }
0x95: {  	v12 =	vmovc v5;
	v15 =	vbroadcast v16, $0x0;
	v13 =	vsel vm0, v11, v13;
	v5 =	vld.idx.msk [tilespmem:v7+s3+$0x0], $0xffff;
	v7 =	vbroadcast v14, $0x0  }
0x96: {  	v11 =	vmov v8;
	v12 =	vmul.f32 v13, v12;
	v8 =	vld.idx.msk [tilespmem:v9+s24+$0x0], $0xffff  }
0x97: {  	v11 =	vadd.f32 v10, v11;
	v10 =	vld.idx.msk [tilespmem:v9+s25+$0x0], $0xffff;
	v9 =	vor.u32 v3, v15  }
0x98: {  	_ =	sdelay $0x2  }
0x99: {  	v13 =	vadd.s32 s12, v1  }
0x9a: {  	v14 =	vld.idx.msk [tilespmem:v9+s24+$0x0], $0xffff;
	v13 =	vbroadcast v13, $0x0  }
0x9b: {  	v57 =	vld.idx.msk [tilespmem:v9+s25+$0x0], $0xffff;
	_ =	sdelay $0x2  }
0x9c: {  	v7 =	vld.idx.msk [tilespmem:v7+s3+$0x0], $0xffff;
	v58 =	vmul.f32 $2.000000030e-01, v11;
	v8 =	vadd.f32 v10, v8  }
0x9d: {  	vm0 =	vge.f32 v11, $0.0e+00  }
0x9e: {  	v10 =	vsel vm0, v11, v58;
	v9 =	vadd.f32 v57, v14;
	v59 =	vmul.f32 $2.000000030e-01, v8;
	v13 =	vld.idx.msk [tilespmem:v13+s3+$0x0], $0xffff  }
0x9f: {  	v6 =	vadd.f32 v12, v6;
	v5 =	vmul.f32 v10, v5;
	vm14 =	vge.f32 v8, $0.0e+00  }
0xa0: {  	v60 =	vmul.f32 $2.000000030e-01, v9;
	v8 =	vsel vm14, v8, v59  }
0xa1: {  	v5 =	vadd.f32 v5, v6;
	vm15 =	vge.f32 v9, $0.0e+00;
	v61 =	vmul.f32 v8, v7  }
0xa2: {  	v62 =	vsel vm15, v9, v60  }
0xa3: {  	v5 =	vadd.f32 v61, v5;
	v63 =	vmul.f32 v62, v13;
	_ =	sdelay $0x1  }
0xa4: {  	v5 =	vadd.f32 v63, v5;
	_ =	sdelay $0x1  }
0xa5: {  	v5 =	vmul.f32 $1.442695020e+00, v5;
	_ =	sdelay $0x1  }
0xa6: {  	(erf) = vpow2.f32 v5;
	_ =	sdelay $0x4  }
0xa7: {  	v4 =	vor.u32 v2, v4;
	s11 =	sadd.s32 $0x1, s11  }
0xa8: {  	v3 =	vor.u32 $0x1, v3;
	p3 =	sne.s32 s11, $0x8  }
.Ltmp7:
0xa9: {  	_ = 	snop;
	(pc) =	sbr.rel @p3 .LBB2_4-.Ltmp7, $4  }
0xaa: {  	_ = 	snop  }
0xab: {  	v5 =	vpop (erf)  }
0xac: {  	[tilespmem:v4+s29+$0x0] =	vst.idx.msk $0xffff, v5  }
0xad: {  	[tilespmem:v3+s17+$0x0] =	vst.idx.msk $0xffff, v5  }
0xae: {  	s0 =	sshll.u32 s0, $0x5  }
0xaf: {  	s0 =	sadd.s32 s10, s0  }
0xb0: {  	[hbm4b:s0+s3] =	stream.linear.scatter [tilespmem:s29], [sflag:$0x4], $0x100, $0x38;
	[tilespmem:$0x1FC00] =	vst v63  }
0xb1: {  	_ =	swait.ge [sflag:s20], $0x100  }
0xb2: {  	[sflag:s20] =	ssyncset.done $0x0  }
.Ltmp8:
0xb3: {  	[sflag:s20] =	ssyncadd.s32 $0xFFFFFF00;
	(pc) =	sbr.rel .LBB2_10-.Ltmp8, $4  }
0xb4: {  	[spmem:s2] =	stream.indirect.scatter.add.f32 [tilespmem:s17], [sflag:$0x3], $0x80, s22, s23, $0xb8;
	[tilespmem:$0x1FC00] =	vst v63  }
0xb5: {  	_ =	swait.ge [sflag:s16], $0x4000  }
0xb6: {  	[sflag:s16] =	ssyncset.done $0x0  }
0xb7: {  	[sflag:s16] =	ssyncadd.s32 $0xFFFFC000  }
.LBB2_12:
0xb8: {  	_ =	sfence.sel $0x180000  }
0xb9: {  	[bflag:$0x0] =	sbarrier.arrive $0xFFFF  }
0xba: {  	_ =	strace $0x90000047  }
0xbb: {  	[bflag:$0x2] =	sbarrier.arrive $0xFFFF  }
0xbc: {  	s0 =	rddreg [dreg:$0x3]  }
0xbd: {  	s0 =	sadd.s32 @!p0 $0x100000, s0  }
0xbe: {  	[sflag:s0] =	ssyncadd.tile.s32 @!p0 $0x1;
	_ =	shalt  }
.Lfunc_end2:
_tile_overlayer_lowered:
.L_overlay_start_2:
0xbf: {  	(tag) =	ssettag $0x2  }
0xc0: {  	s0 =	rddreg [dreg:$0x0];
	s2 =	stileid.u32  }
0xc1: {  	s1 =	rddreg [dreg:$0x1];
	p0 =	sne.s32 s2, $0x0  }
0xc2: {  	s3 =	rddreg [dreg:$0x2];
	[bflag:$0x3] =	sbarrier.arrive $0xFFFF;
	s2 =	simm.s32 @!p0 $0x1C03  }
0xc3: {  	[timem:s3], [sflag:s2] =	dma.local @!p0 [hbm:s0], s1  }
0xc4: {  	s0 =	simm.s32 @!p0 $0x3  }
0xc5: {  	_ =	swait.ge @!p0 [sflag:s0], s1  }
0xc6: {  	s1 =	ssub.s32 @!p0 $0x0, s1;
	[sflag:s0] =	ssyncset.done @!p0 $0x0  }
0xc7: {  	[sflag:s0] =	ssyncadd.s32 @!p0 s1  }
0xc8: {  	[bflag:$0x3] =	sbarrier.arrive $0xFFFF  }
0xc9: {  	_ =	shalt  }

// kernel: kernel.8.cloned.1.call-start
scs
__scs_entry_jumppad:
0x0: {  	(pc) =	sbr.rel $0x88, $3  }
0x1: {  	(tag) =	ssettag $0x0;
	lr =	simm.s32 $0x1  }
0x2: {  	[smem:$0x3F98] =	sst lr;
	_ =	strace $0xD0000000  }
0x3: {  	_ = 	snop  }
0x4: {  	_ = 	snop  }
0x5: {  	_ = 	snop  }
0x6: {  	_ = 	snop  }
0x7: {  	_ = 	snop  }
__scs_overlays_trampoline_lowered:
0x8: {  	[smem:$0x3FA7] =	sst s0  }
0x9: {  	[smem:$0x3FA8] =	sst s1  }
0xa: {  	[smem:$0x3FA9] =	sst s2  }
0xb: {  	[smem:$0x3FAA] =	sst s3  }
0xc: {  	[smem:$0x3FAB] =	sst s4  }
0xd: {  	[smem:$0x3FAC] =	sst s5  }
0xe: {  	[smem:$0x3FAD] =	sst s6  }
0xf: {  	[smem:$0x3FAE] =	sst s7  }
0x10: {  	[smem:$0x3FAF] =	sst s8  }
0x11: {  	[smem:$0x3FB0] =	sst s9;
	s0 =	simm.s32 @!p0 $0x0  }
0x12: {  	s1 =	sld [smem:$0x3F96];
	s0 =	simm.s32 @p0 $0x1  }
0x13: {  	[smem:$0x3FB1] =	sst s0;
	s0 =	simm.s32 @!p1 $0x0  }
0x14: {  	s2 =	sld [smem:$0x3F95];
	s0 =	simm.s32 @p1 $0x1  }
0x15: {  	[smem:$0x3FB2] =	sst s0;
	s0 =	simm.s32 @!p2 $0x0  }
0x16: {  	s3 =	sld [smem:$0x3FDB];
	s0 =	simm.s32 @p2 $0x1  }
0x17: {  	s4 =	simm.s32 $0x1BF5;
	[smem:$0x3FB4] =	sst s0  }
0x18: {  	s0 =	sld [smem:$0x3F97];
	_ =	swait.ge [sflag:s4], $0x0  }
0x19: {  	s7 =	sld [smem:$0x3F98]  }
0x1a: {  	s8 =	sadd.s32 $0xFFFFE003, lr  }
0x1b: {  	s9 =	sadd.s32 $0xFFFFFEF7, lr;
	s5 =	simm.s32 $0xFFFFFFFF;
	p2 =	slt.u32 s8, $0xFFFFF086  }
0x1c: {  	p1 =	slt.u32 s9, $0xF7A;
	s5 =	simm.s32 @!p2 $0x0  }
0x1d: {  	s5 =	simm.s32 @p1 $0x1;
	p0 =	seq.s32 s7, s2  }
0x1e: {  	s7 =	smul.u32 @!p0 $0xF7A, s2;
	p2 =	seq.s32 @!p0 s5, $0x0  }
0x1f: {  	s9 =	smul.u32 $0xF7A, s1;
	s8 =	simm.s32 @!p0 $0x1BF5;
	p2 =	por !p2, p0  }
0x20: {  	[sflag:s8] =	ssyncset.s32 @!p0 $0xFFFFF086;
	s6 =	sadd.s32 @!p0 s3, s7;
	s7 =	simm.s32 @!p0 $0x108  }
0x21: {  	s3 =	sadd.s32 s3, s9;
	s6 =	sadd.s32 @!p0 $0x88, s6;
	s7 =	simm.s32 @p2 $0x1082  }
0x22: {  	[simem:s7], [sflag:s8] =	dma.local @!p0 [hbm:s6], $0xF7A  }
0x23: {  	s9 =	sor.u32 $0xD0000000, s2;
	s6 =	simm.s32 $0x108;
	_ =	swait.ge @!p0 [sflag:s8], $0x0  }
0x24: {  	s3 =	sadd.s32 $0x88, s3;
	s6 =	simm.s32 @!p1 $0x1082;
	[sflag:s4] =	ssyncset.s32 $0xFFFFF086  }
0x25: {  	[simem:s6], [sflag:s4] =	dma.local [hbm:s3], $0xF7A  }
0x26: {  	[smem:$0x3F98] =	sst s1;
	(tag) =	ssettag s2;
	_ =	strace s9  }
0x27: {  	s1 =	sld [smem:$0x3FA8]  }
0x28: {  	s2 =	sld [smem:$0x3FA9]  }
0x29: {  	s4 =	sld [smem:$0x3FAB]  }
0x2a: {  	p0 =	seq.s32 s5, $0x0;
	s5 =	sld [smem:$0x3FAC]  }
0x2b: {  	s6 =	sld [smem:$0x3FAD]  }
0x2c: {  	s7 =	sld [smem:$0x3FAE]  }
0x2d: {  	s3 =	simm.s32 $0x108;
	s8 =	sld [smem:$0x3FAF]  }
0x2e: {  	s3 =	simm.s32 @!p0 $0x1082;
	s9 =	sld [smem:$0x3FB0]  }
0x2f: {  	lr =	sadd.s32 s0, s3;
	s0 =	sld [smem:$0x3FA7]  }
0x30: {  	s3 =	sld [smem:$0x3FAA]  }
0x31: {  	[smem:$0x3FB3] =	sst s10  }
0x32: {  	s10 =	sld [smem:$0x3FB1];
	_ =	sdelay $0x3  }
0x33: {  	p0 =	seq.s32 s10, $0x1;
	s10 =	sld [smem:$0x3FB3];
	_ =	sdelay $0x3  }
0x34: {  	[smem:$0x3FB3] =	sst s10  }
0x35: {  	s10 =	sld [smem:$0x3FB2];
	_ =	sdelay $0x3  }
0x36: {  	p1 =	seq.s32 s10, $0x1;
	s10 =	sld [smem:$0x3FB3];
	_ =	sdelay $0x3  }
0x37: {  	[smem:$0x3FB3] =	sst s10  }
0x38: {  	s10 =	sld [smem:$0x3FB4]  }
0x39: {  	_ = 	snop;
	(pc) =	sbr.ind lr, $3  }
0x3a: {  	_ = 	snop  }
0x3b: {  	_ = 	snop  }
0x3c: {  	p2 =	seq.s32 s10, $0x1;
	s10 =	sld [smem:$0x3FB3]  }
0x3d: {  	_ =	shalt  }
0x3e: {  	_ =	shalt  }
0x3f: {  	_ =	shalt  }
0x40: {  	_ =	shalt  }
0x41: {  	_ =	shalt  }
0x42: {  	_ =	shalt  }
0x43: {  	_ =	shalt  }
0x44: {  	_ =	shalt  }
0x45: {  	_ =	shalt  }
0x46: {  	_ =	shalt  }
0x47: {  	_ =	shalt  }
0x48: {  	_ =	shalt  }
0x49: {  	_ =	shalt  }
0x4a: {  	_ =	shalt  }
0x4b: {  	_ =	shalt  }
0x4c: {  	_ =	shalt  }
0x4d: {  	_ =	shalt  }
0x4e: {  	_ =	shalt  }
0x4f: {  	_ =	shalt  }
0x50: {  	_ =	shalt  }
0x51: {  	_ =	shalt  }
0x52: {  	_ =	shalt  }
0x53: {  	_ =	shalt  }
0x54: {  	_ =	shalt  }
0x55: {  	_ =	shalt  }
0x56: {  	_ =	shalt  }
0x57: {  	_ =	shalt  }
0x58: {  	_ =	shalt  }
0x59: {  	_ =	shalt  }
0x5a: {  	_ =	shalt  }
0x5b: {  	_ =	shalt  }
0x5c: {  	_ =	shalt  }
0x5d: {  	_ =	shalt  }
0x5e: {  	_ =	shalt  }
0x5f: {  	_ =	shalt  }
0x60: {  	_ =	shalt  }
0x61: {  	_ =	shalt  }
0x62: {  	_ =	shalt  }
0x63: {  	_ =	shalt  }
0x64: {  	_ =	shalt  }
0x65: {  	_ =	shalt  }
0x66: {  	_ =	shalt  }
0x67: {  	_ =	shalt  }
0x68: {  	_ =	shalt  }
0x69: {  	_ =	shalt  }
0x6a: {  	_ =	shalt  }
0x6b: {  	_ =	shalt  }
0x6c: {  	_ =	shalt  }
0x6d: {  	_ =	shalt  }
0x6e: {  	_ =	shalt  }
0x6f: {  	_ =	shalt  }
0x70: {  	_ =	shalt  }
0x71: {  	_ =	shalt  }
0x72: {  	_ =	shalt  }
0x73: {  	_ =	shalt  }
0x74: {  	_ =	shalt  }
0x75: {  	_ =	shalt  }
0x76: {  	_ =	shalt  }
0x77: {  	_ =	shalt  }
0x78: {  	_ =	shalt  }
0x79: {  	_ =	shalt  }
0x7a: {  	_ =	shalt  }
0x7b: {  	_ =	shalt  }
0x7c: {  	_ =	shalt  }
0x7d: {  	_ =	shalt  }
0x7e: {  	_ =	shalt  }
0x7f: {  	_ =	shalt  }
0x80: {  	_ =	shalt  }
0x81: {  	_ =	shalt  }
0x82: {  	_ =	shalt  }
0x83: {  	_ =	shalt  }
0x84: {  	_ =	shalt  }
0x85: {  	_ =	shalt  }
0x86: {  	_ =	shalt  }
0x87: {  	_ =	shalt  }
.Lfunc_end0:
.L_simem_size_0:
called_computation.3_lowered:
.L_overlay_start_0:
0x88: {  	s2 =	sld [smem:$0x3FD9]  }
0x89: {  	s3 =	sld [smem:$0x3FFE];
	_ =	sdelay $0x1  }
0x8a: {  	s1 =	srdreg.scid  }
0x8b: {  	s0 =	sand.u32 $0x1, s1  }
0x8c: {  	s17 =	sshll.u32 s0, $0xA;
	s2 =	sadd.s32 s3, s2  }
0x8d: {  	s2 =	sadd.s32 s2, s17  }
0x8e: {  	[smem:$0x3FBF] =	sst s2  }
0x8f: {  	_ = 	snop  }
0x90: {  	s2 =	sld [smem:$0x3FC8]  }
0x91: {  	s18 =	sld [smem:$0x3FD0];
	(tm) =	ssettm $0x1  }
0x92: {  	s4 =	sld [smem:$0x3FFB];
	_ =	sdelay $0x3  }
0x93: {  	_ =	strace s4  }
0x94: {  	s4 =	sld [smem:$0x3FFC];
	_ =	sdelay $0x3  }
0x95: {  	_ =	strace s4  }
0x96: {  	s4 =	sld [smem:$0x3FFD];
	_ =	sdelay $0x3  }
0x97: {  	_ =	strace s4  }
0x98: {  	_ =	strace $0x8FFFFFFF  }
0x99: {  	s19 =	sld [smem:$0x3FDB];
	_ =	sdelay $0x1  }
0x9a: {  	s5 =	simm.s32 $_scs_section_size  }
0x9b: {  	s6 =	simm.s32 $_size__tile_overlayer_lowered;
	s7 =	simm.s32 $_tile_overlayer_lowered  }
0x9c: {  	s22 =	simm.s32 $0x1BFF;
	s21 =	sshll.u32 s7, $0x1;
	s4 =	sadd.s32 s5, s19  }
0x9d: {  	s8 =	simm.s32 $0x0;
	s20 =	sshll.u32 s6, $0x1;
	s6 =	sadd.s32 s21, s4  }
0x9e: {  	[timem:s8], [sflag:s22] =	dma.local [hbm:s6], s20  }
0x9f: {  	_ =	swait.ge [sflag:s22], s20  }
0xa0: {  	s5 =	ssub.s32 $0x0, s20;
	[sflag:s22] =	ssyncset.done $0x0  }
0xa1: {  	[sflag:s22] =	ssyncadd.s32 s5;
	_ =	sdelay $0x1  }
0xa2: {  	s23 =	simm.s32 $0x1B8B  }
0xa3: {  	_ =	swait.ge [sflag:s23], $0x1  }
0xa4: {  	[sflag:s23] =	ssyncset.done $0x0  }
0xa5: {  	s25 =	simm.s32 $0x1B8E;
	s24 =	sld [smem:$0x3FFE];
	[sflag:s23] =	ssyncadd.s32 $0xFFFFFFFF  }
0xa6: {  	s26 =	simm.s32 $execute0_lowered;
	[smem:$0x3FD2] =	sst s25  }
0xa7: {  	s6 =	sshll.u32 s26, $0x1;
	_ =	strace $0x80000049;
	[dreg:$0x1] =	wrdreg $0xFFFFFFFF  }
0xa8: {  	s28 =	simm.s32 $_size_execute0_lowered;
	s4 =	sadd.s32 s4, s6;
	[dreg:$0x0] =	wrdreg $0x0  }
0xa9: {  	s6 =	sshll.u32 s28, $0x1;
	[dreg:$0x2] =	wrdreg s4  }
0xaa: {  	[dreg:$0x3] =	wrdreg s6  }
0xab: {  	[dreg:$0x4] =	wrdreg $0xC0  }
0xac: {  	_ =	task [dreg:s8], $0x5FFFF  }
0xad: {  	[dreg:$0x1] =	wrdreg $0xFFFFFFFF  }
0xae: {  	[dreg:$0x0] =	wrdreg $0x60  }
0xaf: {  	[dreg:$0x2] =	wrdreg s24  }
0xb0: {  	[dreg:$0x3] =	wrdreg s18  }
0xb1: {  	[dreg:$0x4] =	wrdreg s2  }
0xb2: {  	[dreg:$0x5] =	wrdreg $0xC3000  }
0xb3: {  	[dreg:$0x6] =	wrdreg $0x9  }
0xb4: {  	_ =	task.clear_ibuf [dreg:s8], $0x7FFFF;
	_ =	strace $0x90000049  }
0xb5: {  	s29 =	simm.s32 $0x9;
	_ =	strace $0x8000004B  }
0xb6: {  	_ =	swait.ge [sflag:s29], $0x1  }
0xb7: {  	[sflag:s29] =	ssyncadd.s32 $0xFFFFFFFF  }
0xb8: {  	_ =	strace $0x9000004B  }
0xb9: {  	_ =	sfence  }
0xba: {  	s30 =	sld [smem:$0x0];
	_ =	sdelay $0x2  }
0xbb: {  	s31 =	sshll.u32 s1, $0xD;
	s1 =	sshrl.u32 s1, $0x2  }
0xbc: {  	s3 =	sand.u32 $0x4000, s31;
	s1 =	sadd.s32 s1, s30  }
0xbd: {  	s0 =	sor.u32 s3, s0;
	s1 =	sshll.u32 s1, $0x11  }
0xbe: {  	s0 =	sor.u32 s1, s0  }
0xbf: {  	s0 =	sadd.s32 $0x8F2B, s0  }
0xc0: {  	[sflag:s0] =	ssyncadd.remote.s32 $0x1  }
0xc1: {  	_ =	sfence.sel $0xFFFF  }
0xc2: {  	[dreg:$0x0] =	wrdreg $0xFFFFFFFF;
	(pc) =	sbr.abs _section_cstart, $3  }
0xc3: {  	[dreg:$0x1] =	wrdreg $0xFFFFFFFF  }
0xc4: {  	_ =	task.clear_ibuf [dreg:s8], $0x2FFFF;
	_ =	strace $0x9FFFFFFF  }
0xc5: {  	(tm) =	ssettm $0x7FFFFFFF  }
tec
execute0_lowered:
.L_overlay_start_1:
0x0: {  	(tag) =	ssettag $0x1  }
0x1: {  	s0 =	rddreg [dreg:$0x0]  }
0x2: {  	s1 =	rddreg [dreg:$0x1]  }
0x3: {  	s2 =	rddreg [dreg:$0x2]  }
0x4: {  	s3 =	rddreg [dreg:$0x3];
	s4 =	simm.s32 $0x0  }
0x5: {  	s10 =	srdreg.scid;
	s13 =	stileid.u32;
	s28 =	simm.s32 $0x80  }
0x6: {  	s29 =	simm.s32 $0x200;
	s30 =	simm.s32 $0x4200;
	s31 =	simm.s32 $0x4300  }
0x7: {  	s15 =	simm.s32 $0x8300;
	[smem:$0x7FF] =	sst s4;
	s5 =	sadd.s32 $0x132C00, s0  }
0x8: {  	s6 =	sadd.s32 $0xD0C00, s0;
	s7 =	sadd.s32 $0xDAA00, s0;
	s11 =	sadd.s32 $0xA9A00, s0  }
0x9: {  	s17 =	sadd.s32 $0x3000, s0;
	_ =	strace $0x8000004A;
	[dreg:$0x5] =	wrdreg s11  }
0xa: {  	s8 =	sadd.s32 $0xE4800, s0;
	s18 =	sadd.s32 $0x159E00, s0;
	[dreg:$0x6] =	wrdreg s17  }
0xb: {  	s9 =	sadd.s32 $0x10BA00, s0;
	s14 =	sadd.s32 $0x2A100, s0;
	[dreg:$0x7] =	wrdreg s18  }
0xc: {  	s10 =	sand.u32 $0x1, s10;
	s22 =	sadd.s32 $0x180F00, s0;
	[dreg:$0x8] =	wrdreg s14  }
0xd: {  	p1 =	seq.s32 s13, $0x0;
	s23 =	sadd.s32 $0x51200, s0;
	[dreg:$0x9] =	wrdreg s22  }
0xe: {  	s24 =	sadd.s32 $0x1A8000, s0;
	s25 =	sadd.s32 $0x78300, s0;
	[dreg:$0xa] =	wrdreg s23  }
0xf: {  	s0 =	sadd.s32 $0x1CF100, s0;
	p2 =	sne.s32 s13, $0x0;
	[dreg:$0xb] =	wrdreg s24  }
0x10: {  	s19 =	ssub.s32 $0x2, s10;
	p0 =	seq.s32 s10, $0x1;
	[dreg:$0xc] =	wrdreg s25  }
0x11: {  	s20 =	sor.u32 s10, s13;
	[dreg:$0xd] =	wrdreg s0;
	s21 =	smov.u32 s6  }
0x12: {  	s22 =	smov.u32 s8;
	s0 =	sshrl.u32 @!p2 s3, $0x3;
	s24 =	simm.s32 $0x4  }
0x13: {  	p4 =	sne.s32 s10, $0x0;
	s25 =	simm.s32 $0x100;
	s17 =	simm.s32 $0x3  }
.Ltmp0:
0x14: {  	s12 =	sshrl.u32 s19, $0x1;
	p1 =	por !p1, !p0;
	(pc) =	sbr.rel .LBB2_1-.Ltmp0, $4  }
0x15: {  	s21 =	smov.u32 @p0 s7;
	s22 =	smov.u32 @p0 s9;
	[dreg:$0xf] =	wrdreg s0  }
0x16: {  	p3 =	sne.s32 s20, $0x0;
	s0 =	simm.s32 $0x2;
	s11 =	ssub.s32 s19, s12  }
0x17: {  	v0 =	vlaneseq.u32;
	p1 =	por !p1, !p1;
	s12 =	simm.s32 $0x1;
	s26 =	smax.u32 s11, $0x1  }
0x18: {  	v1 =	vor.u32 $0x80, v0;
	v2 =	vmul.u32 $0x80, v0;
	s11 =	simm.s32 $0x0;
	[dreg:$0xe] =	wrdreg s26;
	s26 =	simm.s32 $0x180  }
.LBB2_53:
0x19: {  	[bflag:$0x0] =	sbarrier.arrive $0xFFFF  }
0x1a: {  	s10 =	rddreg [dreg:$0xc]  }
0x1b: {  	s14 =	rddreg [dreg:$0x10]  }
0x1c: {  	[hbm:s10], [sflag:s14] =	dma.local @!p3 [spmem:s16], $0x27100  }
0x1d: {  	s10 =	simm.s32 @!p3 $0x3  }
0x1e: {  	_ =	swait.ge @!p3 [sflag:s10], $0x27100  }
0x1f: {  	s14 =	simm.s32 @p1 $0x1C03;
	[sflag:s10] =	ssyncset.done @!p3 $0x0  }
0x20: {  	s16 =	rddreg [dreg:$0xd];
	[sflag:s10] =	ssyncadd.s32 @!p3 $0xFFFD8F00;
	s10 =	sshrl.u32 @p1 s3, $0x3  }
0x21: {  	[hbm:s16], [sflag:s14] =	dma.local @p1 [spmem:s10], $0x27100  }
0x22: {  	s10 =	simm.s32 @p1 $0x3  }
0x23: {  	_ =	swait.ge @p1 [sflag:s10], $0x27100  }
0x24: {  	s11 =	sadd.s32 $0x1, s11;
	s23 =	rddreg [dreg:$0xe]  }
0x25: {  	p5 =	sne.s32 s11, s23  }
.Ltmp1:
0x26: {  	_ = 	snop;
	(pc) =	sbr.rel @!p5 .LBB2_54-.Ltmp1, $3  }
0x27: {  	[sflag:s10] =	ssyncset.done @p1 $0x0  }
0x28: {  	[sflag:s10] =	ssyncadd.s32 @p1 $0xFFFD8F00  }
0x29: {  	[bflag:$0x0] =	sbarrier.arrive $0xFFFF;
	_ =	sdelay $0x1  }
.LBB2_1:
0x2a: {  	s14 =	rddreg [dreg:$0x5]  }
0x2b: {  	s10 =	simm.s32 @!p2 $0x1C03;
	s16 =	rddreg [dreg:$0xf]  }
0x2c: {  	[spmem:s16], [sflag:s10] =	dma.local @!p2 [hbm:s14], $0x27100  }
0x2d: {  	s10 =	simm.s32 @!p2 $0x3  }
.Ltmp2:
0x2e: {  	_ =	swait.ge @!p2 [sflag:s10], $0x27100;
	(pc) =	sbr.rel .LBB2_2-.Ltmp2, $4  }
0x2f: {  	[sflag:s10] =	ssyncset.done @!p2 $0x0  }
0x30: {  	[sflag:s10] =	ssyncadd.s32 @!p2 $0xFFFD8F00  }
0x31: {  	[bflag:$0x0] =	sbarrier.arrive $0xFFFF  }
0x32: {  	s14 =	simm.s32 $0x0  }
.LBB2_10:
0x33: {  	s14 =	sadd.s32 $0x1, s14  }
0x34: {  	p5 =	sne.s32 s14, $0x4F  }
.Ltmp3:
0x35: {  	_ = 	snop;
	(pc) =	sbr.rel @!p5 .LBB2_11-.Ltmp3, $1  }
0x36: {  	_ =	sdelay $0x3  }
.LBB2_2:
0x37: {  	s10 =	sshll.u32 s14, $0x4  }
0x38: {  	s10 =	sor.u32 s13, s10  }
0x39: {  	p5 =	sgt.u32 s10, $0x4E1  }
.Ltmp4:
0x3a: {  	_ = 	snop;
	(pc) =	sbr.rel @p5 .LBB2_10-.Ltmp4, $1  }
0x3b: {  	_ =	sdelay $0x3  }
0x3c: {  	s16 =	sshll.u32 s10, $0x5;
	s23 =	simm.s32 $0x0  }
0x3d: {  	s18 =	sadd.s32 s2, s16;
	v3 =	vor.u32 s23, v0  }
0x3e: {  	[tilespmem:s23], [sflag:$0x4] =	stream.linear.gather [hbm4b:s18+s23], $0x100, $0x38;
	[tilespmem:$0x1FB80] =	vst v63  }
0x3f: {  	_ =	swait.ge [sflag:s24], $0x100  }
0x40: {  	[sflag:s24] =	ssyncset.done $0x0  }
0x41: {  	[sflag:s24] =	ssyncadd.s32 $0xFFFFFF00  }
0x42: {  	v4 =	vld.idx.msk [tilespmem:v3+s4+$0x0], $0xffff  }
0x43: {  	v5 =	vor.u32 s23, v1;
	_ =	sdelay $0x3  }
0x44: {  	[tilespmem:v3+s25+$0x0] =	vst.idx.msk $0xffff, v4  }
0x45: {  	s18 =	simm.s32 $0x10;
	v5 =	vld.idx.msk [tilespmem:v5+s4+$0x0], $0xffff  }
0x46: {  	s19 =	simm.s32 $0x20;
	v4 =	vor.u32 s18, v0  }
.LBB2_4:
0x47: {  	p5 =	sne.s32 s19, $0x70;
	_ =	sdelay $0x2  }
0x48: {  	[tilespmem:v3+s26+$0x0] =	vst.idx.msk $0xffff, v5;
	v3 =	vmov v4  }
0x49: {  	v4 =	vld.idx.msk [tilespmem:v4+s4+$0x0], $0xffff;
	_ =	sdelay $0x1  }
0x4a: {  	v5 =	vor.u32 s18, v1;
	s18 =	smov.u32 s19;
	_ =	sdelay $0x2  }
.Ltmp5:
0x4b: {  	(pc) =	sbr.rel @p5 .LBB2_4-.Ltmp5, $3  }
0x4c: {  	[tilespmem:v3+s25+$0x0] =	vst.idx.msk $0xffff, v4  }
0x4d: {  	v5 =	vld.idx.msk [tilespmem:v5+s4+$0x0], $0xffff;
	_ =	sdelay $0x1  }
0x4e: {  	s19 =	sadd.s32 $0x10, s19;
	v4 =	vor.u32 s18, v0  }
0x4f: {  	_ =	sdelay $0x3  }
0x50: {  	[tilespmem:v3+s26+$0x0] =	vst.idx.msk $0xffff, v5  }
0x51: {  	v3 =	vld.idx.msk [tilespmem:v4+s4+$0x0], $0xffff  }
0x52: {  	v63 =	vor.u32 s18, v1;
	_ =	sdelay $0x3  }
0x53: {  	[tilespmem:v4+s25+$0x0] =	vst.idx.msk $0xffff, v3  }
0x54: {  	v3 =	vld.idx.msk [tilespmem:v63+s4+$0x0], $0xffff;
	_ =	sdelay $0x4  }
0x55: {  	[tilespmem:v4+s26+$0x0] =	vst.idx.msk $0xffff, v3  }
0x56: {  	[tilespmem:s29], [sflag:$0x1] =	stream.indirect.gather [hbm4b:s5+s28], $0x80, s25, s28, $0xb8;
	[tilespmem:$0x1FB80] =	vst v63  }
0x57: {  	s10 =	sadd.s32 s21, s16;
	s16 =	simm.s32 $0x0  }
0x58: {  	[tilespmem:s30], [sflag:$0x4] =	stream.linear.gather [hbm4b:s10+s16], $0x100, $0x38;
	[tilespmem:$0x1FB80] =	vst v63  }
0x59: {  	_ =	swait.ge [sflag:s24], $0x100  }
0x5a: {  	[sflag:s24] =	ssyncset.done $0x0  }
0x5b: {  	[sflag:s24] =	ssyncadd.s32 $0xFFFFFF00  }
0x5c: {  	[tilespmem:s31], [sflag:$0x2] =	stream.indirect.gather [hbm4b:s22+s28], $0x80, s26, s28, $0xb8;
	[tilespmem:$0x1FB80] =	vst v63  }
0x5d: {  	_ =	swait.ge [sflag:s0], $0x4000  }
0x5e: {  	[sflag:s0] =	ssyncset.done $0x0  }
0x5f: {  	[sflag:s0] =	ssyncadd.s32 $0xFFFFC000  }
0x60: {  	_ =	swait.ge [sflag:s12], $0x4000  }
0x61: {  	[sflag:s12] =	ssyncset.done $0x0  }
0x62: {  	s18 =	simm.s32 $0x0;
	[sflag:s12] =	ssyncadd.s32 $0xFFFFC000  }
.LBB2_6:
0x63: {  	s10 =	sshll.u32 s18, $0x4  }
0x64: {  	v4 =	vor.u32 s10, v0  }
0x65: {  	v3 =	vshll.u32 v4, $0x7;
	_ =	sdelay $0x4  }
0x66: {  	v5 =	vld.idx.msk [tilespmem:v3+s31+$0x0], $0xffff;
	_ =	sdelay $0x4  }
0x67: {  	v5 =	vadd.f32 $9.999999710e-10, v5;
	_ =	sdelay $0x1  }
0x68: {  	(erf) = vrcp.f32 v5  }
0x69: {  	v5 =	vmov s16  }
0x6a: {  	v5 =	vand.u32 $0x7F, v5  }
0x6b: {  	v5 =	vbroadcast v5, $0x0;
	_ =	sdelay $0x1  }
0x6c: {  	v6 =	vld.idx.msk [tilespmem:v4+s30+$0x0], $0xffff;
	v4 =	vor.u32 v3, v5;
	_ =	sdelay $0x3  }
0x6d: {  	s23 =	simm.s32 $0x1;
	v5 =	vpop (erf)  }
0x6e: {  	v7 =	vmov s23;
	s10 =	simm.s32 $0x2;
	v5 =	vmul.f32 v5, v6;
	v6 =	vld.idx.msk [tilespmem:v4+s29+$0x0], $0xffff  }
.LBB2_7:
0x6f: {  	p5 =	sne.s32 s10, $0x7F;
	v7 =	vand.u32 $0x7F, v7  }
0x70: {  	v7 =	vbroadcast v7, $0x0;
	_ =	sdelay $0x1  }
0x71: {  	v8 =	vor.u32 v3, v7  }
.Ltmp6:
0x72: {  	(pc) =	sbr.rel @p5 .LBB2_7-.Ltmp6, $3  }
0x73: {  	v6 =	vmul.f32 v6, v5;
	_ =	sdelay $0x1  }
0x74: {  	[tilespmem:v4+s15+$0x0] =	vst.idx.msk $0xffff, v6;
	v4 =	vmov v8  }
0x75: {  	v7 =	vmov s10;
	s10 =	sadd.s32 $0x1, s10;
	v6 =	vld.idx.msk [tilespmem:v8+s29+$0x0], $0xffff  }
0x76: {  	v7 =	vand.u32 $0x7F, v7  }
0x77: {  	v7 =	vbroadcast v7, $0x0;
	_ =	sdelay $0x1  }
0x78: {  	v3 =	vor.u32 v3, v7;
	_ =	sdelay $0x1  }
0x79: {  	v6 =	vmul.f32 v6, v5;
	_ =	sdelay $0x1  }
0x7a: {  	[tilespmem:v4+s15+$0x0] =	vst.idx.msk $0xffff, v6  }
0x7b: {  	v4 =	vld.idx.msk [tilespmem:v3+s29+$0x0], $0xffff  }
0x7c: {  	s18 =	sadd.s32 $0x1, s18  }
0x7d: {  	p5 =	sne.s32 s18, $0x8  }
.Ltmp7:
0x7e: {  	_ = 	snop;
	(pc) =	sbr.rel @p5 .LBB2_6-.Ltmp7, $3  }
0x7f: {  	_ = 	snop  }
0x80: {  	v4 =	vmul.f32 v4, v5;
	_ =	sdelay $0x1  }
0x81: {  	[tilespmem:v3+s15+$0x0] =	vst.idx.msk $0xffff, v4  }
.Ltmp8:
0x82: {  	(pc) =	sbr.rel .LBB2_10-.Ltmp8, $4  }
0x83: {  	[spmem:s3] =	stream.indirect.scatter.add.f32 [tilespmem:s15], [sflag:$0x3], $0x80, s26, s28, $0xb8;
	[tilespmem:$0x1FB80] =	vst v63  }
0x84: {  	_ =	swait.ge [sflag:s17], $0x4000  }
0x85: {  	[sflag:s17] =	ssyncset.done $0x0  }
0x86: {  	[sflag:s17] =	ssyncadd.s32 $0xFFFFC000  }
.LBB2_11:
0x87: {  	s10 =	sshll.u32 @!p3 s13, $0x6;
	[bflag:$0x0] =	sbarrier.arrive $0xFFFF  }
0x88: {  	s14 =	sor.u32 @!p3 $0x1C03, s10;
	s10 =	rddreg [dreg:$0x6]  }
0x89: {  	s16 =	sshrl.u32 @!p3 s3, $0x3;
	[dreg:$0x10] =	wrdreg s14  }
0x8a: {  	[hbm:s10], [sflag:s14] =	dma.local @!p3 [spmem:s16], $0x27100  }
.Ltmp9:
0x8b: {  	_ = 	snop;
	(pc) =	sbr.rel @!p1 .LBB2_13-.Ltmp9, $4  }
0x8c: {  	s10 =	simm.s32 @!p3 $0x3  }
0x8d: {  	_ =	swait.ge @!p3 [sflag:s10], $0x27100  }
0x8e: {  	[sflag:s10] =	ssyncset.done @!p3 $0x0  }
0x8f: {  	s18 =	sshrl.u32 s3, $0x3;
	[sflag:s10] =	ssyncadd.s32 @!p3 $0xFFFD8F00  }
0x90: {  	s10 =	rddreg [dreg:$0x7];
	s14 =	simm.s32 $0x1C03  }
0x91: {  	[hbm:s10], [sflag:s14] =	dma.local [spmem:s18], $0x27100  }
.Ltmp10:
0x92: {  	_ =	swait.ge [sflag:s17], $0x27100;
	(pc) =	sbr.rel .LBB2_14-.Ltmp10, $3  }
0x93: {  	[sflag:s17] =	ssyncset.done $0x0  }
0x94: {  	[sflag:s17] =	ssyncadd.s32 $0xFFFD8F00  }
0x95: {  	[bflag:$0x0] =	sbarrier.arrive $0xFFFF;
	_ =	sdelay $0x1  }
.LBB2_13:
.Ltmp11:
0x96: {  	(pc) =	sbr.rel @p2 .LBB2_15-.Ltmp11, $2  }
0x97: {  	_ =	sdelay $0x1  }
0x98: {  	[bflag:$0x0] =	sbarrier.arrive $0xFFFF;
	_ =	sdelay $0x1  }
.LBB2_14:
0x99: {  	s10 =	sshll.u32 s13, $0x6  }
0x9a: {  	s14 =	rddreg [dreg:$0x5];
	s10 =	sor.u32 $0x1C03, s10  }
0x9b: {  	[spmem:s18], [sflag:s10] =	dma.local [hbm:s14], $0x27100  }
0x9c: {  	_ =	swait.ge [sflag:s17], $0x27100  }
0x9d: {  	[sflag:s17] =	ssyncset.done $0x0  }
0x9e: {  	[sflag:s17] =	ssyncadd.s32 $0xFFFD8F00  }
.LBB2_15:
.Ltmp12:
0x9f: {  	(pc) =	sbr.rel .LBB2_16-.Ltmp12, $3  }
0xa0: {  	_ =	sdelay $0x1  }
0xa1: {  	[bflag:$0x0] =	sbarrier.arrive $0xFFFF  }
0xa2: {  	s19 =	simm.s32 $0x0  }
.LBB2_24:
0xa3: {  	s19 =	sadd.s32 $0x1, s19  }
0xa4: {  	p5 =	sne.s32 s19, $0x4F  }
.Ltmp13:
0xa5: {  	_ = 	snop;
	(pc) =	sbr.rel @!p5 .LBB2_25-.Ltmp13, $1  }
0xa6: {  	_ =	sdelay $0x3  }
.LBB2_16:
0xa7: {  	s10 =	sshll.u32 s19, $0x4  }
0xa8: {  	s10 =	sor.u32 s13, s10  }
0xa9: {  	p5 =	sgt.u32 s10, $0x4E1  }
.Ltmp14:
0xaa: {  	_ = 	snop;
	(pc) =	sbr.rel @p5 .LBB2_24-.Ltmp14, $1  }
0xab: {  	_ =	sdelay $0x3  }
0xac: {  	s20 =	sshll.u32 s10, $0x5;
	s14 =	simm.s32 $0x0  }
0xad: {  	s23 =	sadd.s32 s2, s20;
	v3 =	vor.u32 s14, v0  }
0xae: {  	[tilespmem:s14], [sflag:$0x4] =	stream.linear.gather [hbm4b:s23+s14], $0x100, $0x38;
	[tilespmem:$0x1FB80] =	vst v63  }
0xaf: {  	_ =	swait.ge [sflag:s24], $0x100  }
0xb0: {  	[sflag:s24] =	ssyncset.done $0x0  }
0xb1: {  	[sflag:s24] =	ssyncadd.s32 $0xFFFFFF00  }
0xb2: {  	v4 =	vld.idx.msk [tilespmem:v3+s4+$0x0], $0xffff  }
0xb3: {  	v5 =	vor.u32 s14, v1;
	_ =	sdelay $0x3  }
0xb4: {  	[tilespmem:v3+s25+$0x0] =	vst.idx.msk $0xffff, v4  }
0xb5: {  	s23 =	simm.s32 $0x10;
	v5 =	vld.idx.msk [tilespmem:v5+s4+$0x0], $0xffff  }
0xb6: {  	s10 =	simm.s32 $0x20;
	v4 =	vor.u32 s23, v0  }
.LBB2_18:
0xb7: {  	p5 =	sne.s32 s10, $0x70;
	_ =	sdelay $0x2  }
0xb8: {  	[tilespmem:v3+s26+$0x0] =	vst.idx.msk $0xffff, v5;
	v3 =	vmov v4  }
0xb9: {  	v4 =	vld.idx.msk [tilespmem:v4+s4+$0x0], $0xffff;
	_ =	sdelay $0x1  }
0xba: {  	v5 =	vor.u32 s23, v1;
	s23 =	smov.u32 s10;
	_ =	sdelay $0x2  }
.Ltmp15:
0xbb: {  	(pc) =	sbr.rel @p5 .LBB2_18-.Ltmp15, $3  }
0xbc: {  	[tilespmem:v3+s25+$0x0] =	vst.idx.msk $0xffff, v4  }
0xbd: {  	v5 =	vld.idx.msk [tilespmem:v5+s4+$0x0], $0xffff;
	_ =	sdelay $0x1  }
0xbe: {  	s10 =	sadd.s32 $0x10, s10;
	v4 =	vor.u32 s23, v0  }
0xbf: {  	_ =	sdelay $0x3  }
0xc0: {  	[tilespmem:v3+s26+$0x0] =	vst.idx.msk $0xffff, v5  }
0xc1: {  	v3 =	vld.idx.msk [tilespmem:v4+s4+$0x0], $0xffff  }
0xc2: {  	v63 =	vor.u32 s23, v1;
	_ =	sdelay $0x3  }
0xc3: {  	[tilespmem:v4+s25+$0x0] =	vst.idx.msk $0xffff, v3  }
0xc4: {  	v3 =	vld.idx.msk [tilespmem:v63+s4+$0x0], $0xffff;
	_ =	sdelay $0x4  }
0xc5: {  	[tilespmem:v4+s26+$0x0] =	vst.idx.msk $0xffff, v3  }
0xc6: {  	[tilespmem:s29], [sflag:$0x1] =	stream.indirect.gather [hbm4b:s1+s28], $0x80, s25, s28, $0xb8;
	[tilespmem:$0x1FB80] =	vst v63  }
0xc7: {  	s10 =	sadd.s32 @!p4 s6, s20;
	s23 =	simm.s32 @!p4 $0x0;
	s14 =	simm.s32 @!p4 $0x4200  }
0xc8: {  	[tilespmem:s14], [sflag:$0x4] =	stream.linear.gather @!p4 [hbm4b:s10+s23], $0x100, $0x38;
	[tilespmem:$0x1FB80] =	vst v63  }
0xc9: {  	s10 =	simm.s32 @!p4 $0x4  }
0xca: {  	_ =	swait.ge @!p4 [sflag:s10], $0x100  }
0xcb: {  	s14 =	simm.s32 @!p4 $0x180;
	[sflag:s10] =	ssyncset.done @!p4 $0x0  }
0xcc: {  	s23 =	simm.s32 @!p4 $0x4300;
	[sflag:s10] =	ssyncadd.s32 @!p4 $0xFFFFFF00;
	s10 =	simm.s32 @!p4 $0x80  }
0xcd: {  	[tilespmem:s23], [sflag:$0x2] =	stream.indirect.gather @!p4 [hbm4b:s8+s10], $0x80, s14, s10, $0xb8;
	[tilespmem:$0x1FB80] =	vst v63  }
0xce: {  	s10 =	simm.s32 @!p4 $0x2  }
0xcf: {  	_ =	swait.ge @!p4 [sflag:s10], $0x4000  }
0xd0: {  	s14 =	simm.s32 @p0 $0x0;
	[sflag:s10] =	ssyncset.done @!p4 $0x0  }
0xd1: {  	[sflag:s10] =	ssyncadd.s32 @!p4 $0xFFFFC000;
	s10 =	sadd.s32 @p0 s7, s20;
	s20 =	simm.s32 @p0 $0x4200  }
0xd2: {  	[tilespmem:s20], [sflag:$0x4] =	stream.linear.gather @p0 [hbm4b:s10+s14], $0x100, $0x38;
	[tilespmem:$0x1FB80] =	vst v63  }
0xd3: {  	s10 =	simm.s32 @p0 $0x4  }
0xd4: {  	_ =	swait.ge @p0 [sflag:s10], $0x100  }
0xd5: {  	s14 =	simm.s32 @p0 $0x180;
	[sflag:s10] =	ssyncset.done @p0 $0x0  }
0xd6: {  	s20 =	simm.s32 @p0 $0x4300;
	[sflag:s10] =	ssyncadd.s32 @p0 $0xFFFFFF00;
	s10 =	simm.s32 @p0 $0x80  }
0xd7: {  	[tilespmem:s20], [sflag:$0x2] =	stream.indirect.gather @p0 [hbm4b:s9+s10], $0x80, s14, s10, $0xb8;
	[tilespmem:$0x1FB80] =	vst v63  }
0xd8: {  	s10 =	simm.s32 @p0 $0x2  }
0xd9: {  	_ =	swait.ge @p0 [sflag:s10], $0x4000  }
0xda: {  	[sflag:s10] =	ssyncset.done @p0 $0x0  }
0xdb: {  	[sflag:s10] =	ssyncadd.s32 @p0 $0xFFFFC000  }
0xdc: {  	_ =	swait.ge [sflag:s12], $0x4000  }
0xdd: {  	[sflag:s12] =	ssyncset.done $0x0  }
0xde: {  	s23 =	simm.s32 $0x0;
	s20 =	simm.s32 $0x0;
	[sflag:s12] =	ssyncadd.s32 $0xFFFFC000  }
.LBB2_20:
0xdf: {  	s10 =	sshll.u32 s23, $0x4  }
0xe0: {  	v4 =	vor.u32 s10, v0  }
0xe1: {  	v3 =	vshll.u32 v4, $0x7;
	_ =	sdelay $0x4  }
0xe2: {  	v5 =	vld.idx.msk [tilespmem:v3+s31+$0x0], $0xffff;
	_ =	sdelay $0x4  }
0xe3: {  	v5 =	vadd.f32 $9.999999710e-10, v5;
	_ =	sdelay $0x1  }
0xe4: {  	(erf) = vrcp.f32 v5  }
0xe5: {  	v5 =	vmov s20  }
0xe6: {  	v5 =	vand.u32 $0x7F, v5  }
0xe7: {  	v5 =	vbroadcast v5, $0x0;
	_ =	sdelay $0x1  }
0xe8: {  	v6 =	vld.idx.msk [tilespmem:v4+s30+$0x0], $0xffff;
	v4 =	vor.u32 v3, v5;
	_ =	sdelay $0x3  }
0xe9: {  	s14 =	simm.s32 $0x1;
	v5 =	vpop (erf)  }
0xea: {  	v7 =	vmov s14;
	s10 =	simm.s32 $0x2;
	v5 =	vmul.f32 v5, v6;
	v6 =	vld.idx.msk [tilespmem:v4+s29+$0x0], $0xffff  }
.LBB2_21:
0xeb: {  	p5 =	sne.s32 s10, $0x7F;
	v7 =	vand.u32 $0x7F, v7  }
0xec: {  	v7 =	vbroadcast v7, $0x0;
	_ =	sdelay $0x1  }
0xed: {  	v8 =	vor.u32 v3, v7  }
.Ltmp16:
0xee: {  	(pc) =	sbr.rel @p5 .LBB2_21-.Ltmp16, $3  }
0xef: {  	v6 =	vmul.f32 v6, v5;
	_ =	sdelay $0x1  }
0xf0: {  	[tilespmem:v4+s15+$0x0] =	vst.idx.msk $0xffff, v6;
	v4 =	vmov v8  }
0xf1: {  	v7 =	vmov s10;
	s10 =	sadd.s32 $0x1, s10;
	v6 =	vld.idx.msk [tilespmem:v8+s29+$0x0], $0xffff  }
0xf2: {  	v7 =	vand.u32 $0x7F, v7  }
0xf3: {  	v7 =	vbroadcast v7, $0x0;
	_ =	sdelay $0x1  }
0xf4: {  	v3 =	vor.u32 v3, v7;
	_ =	sdelay $0x1  }
0xf5: {  	v6 =	vmul.f32 v6, v5;
	_ =	sdelay $0x1  }
0xf6: {  	[tilespmem:v4+s15+$0x0] =	vst.idx.msk $0xffff, v6  }
0xf7: {  	v4 =	vld.idx.msk [tilespmem:v3+s29+$0x0], $0xffff  }
0xf8: {  	s23 =	sadd.s32 $0x1, s23  }
0xf9: {  	p5 =	sne.s32 s23, $0x8  }
.Ltmp17:
0xfa: {  	_ = 	snop;
	(pc) =	sbr.rel @p5 .LBB2_20-.Ltmp17, $3  }
0xfb: {  	_ = 	snop  }
0xfc: {  	v4 =	vmul.f32 v4, v5;
	_ =	sdelay $0x1  }
0xfd: {  	[tilespmem:v3+s15+$0x0] =	vst.idx.msk $0xffff, v4  }
.Ltmp18:
0xfe: {  	(pc) =	sbr.rel .LBB2_24-.Ltmp18, $4  }
0xff: {  	[spmem:s3] =	stream.indirect.scatter.add.f32 [tilespmem:s15], [sflag:$0x3], $0x80, s26, s28, $0xb8;
	[tilespmem:$0x1FB80] =	vst v63  }
0x100: {  	_ =	swait.ge [sflag:s17], $0x4000  }
0x101: {  	[sflag:s17] =	ssyncset.done $0x0  }
0x102: {  	[sflag:s17] =	ssyncadd.s32 $0xFFFFC000  }
.LBB2_25:
0x103: {  	[bflag:$0x0] =	sbarrier.arrive $0xFFFF  }
0x104: {  	s10 =	rddreg [dreg:$0x8]  }
0x105: {  	s14 =	rddreg [dreg:$0x10]  }
0x106: {  	[hbm:s10], [sflag:s14] =	dma.local @!p3 [spmem:s16], $0x27100  }
.Ltmp19:
0x107: {  	_ = 	snop;
	(pc) =	sbr.rel @!p1 .LBB2_27-.Ltmp19, $4  }
0x108: {  	s10 =	simm.s32 @!p3 $0x3  }
0x109: {  	_ =	swait.ge @!p3 [sflag:s10], $0x27100  }
0x10a: {  	[sflag:s10] =	ssyncset.done @!p3 $0x0  }
0x10b: {  	[sflag:s10] =	ssyncadd.s32 @!p3 $0xFFFD8F00  }
0x10c: {  	s10 =	rddreg [dreg:$0x9];
	s14 =	simm.s32 $0x1C03  }
0x10d: {  	[hbm:s10], [sflag:s14] =	dma.local [spmem:s18], $0x27100  }
.Ltmp20:
0x10e: {  	_ =	swait.ge [sflag:s17], $0x27100;
	(pc) =	sbr.rel .LBB2_28-.Ltmp20, $3  }
0x10f: {  	[sflag:s17] =	ssyncset.done $0x0  }
0x110: {  	[sflag:s17] =	ssyncadd.s32 $0xFFFD8F00  }
0x111: {  	[bflag:$0x0] =	sbarrier.arrive $0xFFFF;
	_ =	sdelay $0x1  }
.LBB2_27:
.Ltmp21:
0x112: {  	(pc) =	sbr.rel @p2 .LBB2_29-.Ltmp21, $2  }
0x113: {  	_ =	sdelay $0x1  }
0x114: {  	[bflag:$0x0] =	sbarrier.arrive $0xFFFF;
	_ =	sdelay $0x1  }
.LBB2_28:
0x115: {  	s10 =	sshll.u32 s13, $0x6  }
0x116: {  	s14 =	rddreg [dreg:$0x5];
	s10 =	sor.u32 $0x1C03, s10  }
0x117: {  	[spmem:s18], [sflag:s10] =	dma.local [hbm:s14], $0x27100  }
0x118: {  	_ =	swait.ge [sflag:s17], $0x27100  }
0x119: {  	[sflag:s17] =	ssyncset.done $0x0  }
0x11a: {  	[sflag:s17] =	ssyncadd.s32 $0xFFFD8F00  }
.LBB2_29:
.Ltmp22:
0x11b: {  	(pc) =	sbr.rel .LBB2_30-.Ltmp22, $3  }
0x11c: {  	_ =	sdelay $0x1  }
0x11d: {  	[bflag:$0x0] =	sbarrier.arrive $0xFFFF  }
0x11e: {  	s19 =	simm.s32 $0x0  }
.LBB2_38:
0x11f: {  	s19 =	sadd.s32 $0x1, s19  }
0x120: {  	p5 =	sne.s32 s19, $0x4F  }
.Ltmp23:
0x121: {  	_ = 	snop;
	(pc) =	sbr.rel @!p5 .LBB2_39-.Ltmp23, $1  }
0x122: {  	_ =	sdelay $0x3  }
.LBB2_30:
0x123: {  	s10 =	sshll.u32 s19, $0x4  }
0x124: {  	s10 =	sor.u32 s13, s10  }
0x125: {  	p5 =	sgt.u32 s10, $0x4E1  }
.Ltmp24:
0x126: {  	_ = 	snop;
	(pc) =	sbr.rel @p5 .LBB2_38-.Ltmp24, $1  }
0x127: {  	_ =	sdelay $0x3  }
0x128: {  	s20 =	sshll.u32 s10, $0x5;
	s23 =	simm.s32 $0x0  }
0x129: {  	s14 =	sadd.s32 s2, s20;
	v3 =	vor.u32 s23, v0  }
0x12a: {  	[tilespmem:s23], [sflag:$0x4] =	stream.linear.gather [hbm4b:s14+s23], $0x100, $0x38;
	[tilespmem:$0x1FB80] =	vst v63  }
0x12b: {  	_ =	swait.ge [sflag:s24], $0x100  }
0x12c: {  	[sflag:s24] =	ssyncset.done $0x0  }
0x12d: {  	[sflag:s24] =	ssyncadd.s32 $0xFFFFFF00  }
0x12e: {  	v4 =	vld.idx.msk [tilespmem:v3+s4+$0x0], $0xffff  }
0x12f: {  	v5 =	vor.u32 s23, v1;
	_ =	sdelay $0x3  }
0x130: {  	[tilespmem:v3+s25+$0x0] =	vst.idx.msk $0xffff, v4  }
0x131: {  	s23 =	simm.s32 $0x10;
	v5 =	vld.idx.msk [tilespmem:v5+s4+$0x0], $0xffff  }
0x132: {  	s10 =	simm.s32 $0x20;
	v4 =	vor.u32 s23, v0  }
.LBB2_32:
0x133: {  	p5 =	sne.s32 s10, $0x70;
	_ =	sdelay $0x2  }
0x134: {  	[tilespmem:v3+s26+$0x0] =	vst.idx.msk $0xffff, v5;
	v3 =	vmov v4  }
0x135: {  	v4 =	vld.idx.msk [tilespmem:v4+s4+$0x0], $0xffff;
	_ =	sdelay $0x1  }
0x136: {  	v5 =	vor.u32 s23, v1;
	s23 =	smov.u32 s10;
	_ =	sdelay $0x2  }
.Ltmp25:
0x137: {  	(pc) =	sbr.rel @p5 .LBB2_32-.Ltmp25, $3  }
0x138: {  	[tilespmem:v3+s25+$0x0] =	vst.idx.msk $0xffff, v4  }
0x139: {  	v5 =	vld.idx.msk [tilespmem:v5+s4+$0x0], $0xffff;
	_ =	sdelay $0x1  }
0x13a: {  	s10 =	sadd.s32 $0x10, s10;
	v4 =	vor.u32 s23, v0  }
0x13b: {  	_ =	sdelay $0x3  }
0x13c: {  	[tilespmem:v3+s26+$0x0] =	vst.idx.msk $0xffff, v5  }
0x13d: {  	v3 =	vld.idx.msk [tilespmem:v4+s4+$0x0], $0xffff  }
0x13e: {  	v63 =	vor.u32 s23, v1;
	_ =	sdelay $0x3  }
0x13f: {  	[tilespmem:v4+s25+$0x0] =	vst.idx.msk $0xffff, v3  }
0x140: {  	v3 =	vld.idx.msk [tilespmem:v63+s4+$0x0], $0xffff;
	_ =	sdelay $0x4  }
0x141: {  	[tilespmem:v4+s26+$0x0] =	vst.idx.msk $0xffff, v3  }
0x142: {  	[tilespmem:s29], [sflag:$0x1] =	stream.indirect.gather [hbm4b:s5+s28], $0x80, s25, s28, $0xb8;
	[tilespmem:$0x1FB80] =	vst v63  }
0x143: {  	s10 =	sadd.s32 @!p4 s6, s20;
	s14 =	simm.s32 @!p4 $0x0;
	s23 =	simm.s32 @!p4 $0x4200  }
0x144: {  	[tilespmem:s23], [sflag:$0x4] =	stream.linear.gather @!p4 [hbm4b:s10+s14], $0x100, $0x38;
	[tilespmem:$0x1FB80] =	vst v63  }
0x145: {  	s10 =	simm.s32 @!p4 $0x4  }
0x146: {  	_ =	swait.ge @!p4 [sflag:s10], $0x100  }
0x147: {  	s14 =	simm.s32 @!p4 $0x180;
	[sflag:s10] =	ssyncset.done @!p4 $0x0  }
0x148: {  	s23 =	simm.s32 @!p4 $0x4300;
	[sflag:s10] =	ssyncadd.s32 @!p4 $0xFFFFFF00;
	s10 =	simm.s32 @!p4 $0x80  }
0x149: {  	[tilespmem:s23], [sflag:$0x2] =	stream.indirect.gather @!p4 [hbm4b:s8+s10], $0x80, s14, s10, $0xb8;
	[tilespmem:$0x1FB80] =	vst v63  }
0x14a: {  	s10 =	simm.s32 @!p4 $0x2  }
0x14b: {  	_ =	swait.ge @!p4 [sflag:s10], $0x4000  }
0x14c: {  	s14 =	simm.s32 @p0 $0x0;
	[sflag:s10] =	ssyncset.done @!p4 $0x0  }
0x14d: {  	[sflag:s10] =	ssyncadd.s32 @!p4 $0xFFFFC000;
	s10 =	sadd.s32 @p0 s7, s20;
	s20 =	simm.s32 @p0 $0x4200  }
0x14e: {  	[tilespmem:s20], [sflag:$0x4] =	stream.linear.gather @p0 [hbm4b:s10+s14], $0x100, $0x38;
	[tilespmem:$0x1FB80] =	vst v63  }
0x14f: {  	s10 =	simm.s32 @p0 $0x4  }
0x150: {  	_ =	swait.ge @p0 [sflag:s10], $0x100  }
0x151: {  	s14 =	simm.s32 @p0 $0x180;
	[sflag:s10] =	ssyncset.done @p0 $0x0  }
0x152: {  	s20 =	simm.s32 @p0 $0x4300;
	[sflag:s10] =	ssyncadd.s32 @p0 $0xFFFFFF00;
	s10 =	simm.s32 @p0 $0x80  }
0x153: {  	[tilespmem:s20], [sflag:$0x2] =	stream.indirect.gather @p0 [hbm4b:s9+s10], $0x80, s14, s10, $0xb8;
	[tilespmem:$0x1FB80] =	vst v63  }
0x154: {  	s10 =	simm.s32 @p0 $0x2  }
0x155: {  	_ =	swait.ge @p0 [sflag:s10], $0x4000  }
0x156: {  	[sflag:s10] =	ssyncset.done @p0 $0x0  }
0x157: {  	[sflag:s10] =	ssyncadd.s32 @p0 $0xFFFFC000  }
0x158: {  	_ =	swait.ge [sflag:s12], $0x4000  }
0x159: {  	[sflag:s12] =	ssyncset.done $0x0  }
0x15a: {  	s23 =	simm.s32 $0x0;
	s20 =	simm.s32 $0x0;
	[sflag:s12] =	ssyncadd.s32 $0xFFFFC000  }
.LBB2_34:
0x15b: {  	s10 =	sshll.u32 s23, $0x4  }
0x15c: {  	v3 =	vmov s10  }
0x15d: {  	v3 =	vshll.u32 v3, $0x7  }
0x15e: {  	v3 =	vor.u32 v2, v3  }
0x15f: {  	v4 =	vor.u32 $0x1, v3;
	_ =	sdelay $0x4  }
0x160: {  	v4 =	vld.idx.msk [tilespmem:v4+s31+$0x0], $0xffff;
	_ =	sdelay $0x4  }
0x161: {  	v4 =	vadd.f32 $9.999999710e-10, v4;
	_ =	sdelay $0x1  }
0x162: {  	v5 =	vor.u32 s10, v1;
	(erf) = vrcp.f32 v4  }
0x163: {  	v4 =	vmov s20  }
0x164: {  	v4 =	vand.u32 $0x7F, v4  }
0x165: {  	v4 =	vbroadcast v4, $0x0;
	_ =	sdelay $0x1  }
0x166: {  	v5 =	vld.idx.msk [tilespmem:v5+s30+$0x0], $0xffff;
	v4 =	vor.u32 v3, v4;
	_ =	sdelay $0x3  }
0x167: {  	s14 =	simm.s32 $0x1;
	v6 =	vpop (erf)  }
0x168: {  	v7 =	vmov s14;
	s10 =	simm.s32 $0x2;
	v5 =	vmul.f32 v6, v5;
	v6 =	vld.idx.msk [tilespmem:v4+s29+$0x0], $0xffff  }
.LBB2_35:
0x169: {  	p5 =	sne.s32 s10, $0x7F;
	v7 =	vand.u32 $0x7F, v7  }
0x16a: {  	v7 =	vbroadcast v7, $0x0;
	_ =	sdelay $0x1  }
0x16b: {  	v8 =	vor.u32 v3, v7  }
.Ltmp26:
0x16c: {  	(pc) =	sbr.rel @p5 .LBB2_35-.Ltmp26, $3  }
0x16d: {  	v6 =	vmul.f32 v6, v5;
	_ =	sdelay $0x1  }
0x16e: {  	[tilespmem:v4+s15+$0x0] =	vst.idx.msk $0xffff, v6;
	v4 =	vmov v8  }
0x16f: {  	v7 =	vmov s10;
	s10 =	sadd.s32 $0x1, s10;
	v6 =	vld.idx.msk [tilespmem:v8+s29+$0x0], $0xffff  }
0x170: {  	v7 =	vand.u32 $0x7F, v7  }
0x171: {  	v7 =	vbroadcast v7, $0x0;
	_ =	sdelay $0x1  }
0x172: {  	v3 =	vor.u32 v3, v7;
	_ =	sdelay $0x1  }
0x173: {  	v6 =	vmul.f32 v6, v5;
	_ =	sdelay $0x1  }
0x174: {  	[tilespmem:v4+s15+$0x0] =	vst.idx.msk $0xffff, v6  }
0x175: {  	v4 =	vld.idx.msk [tilespmem:v3+s29+$0x0], $0xffff  }
0x176: {  	s23 =	sadd.s32 $0x1, s23  }
0x177: {  	p5 =	sne.s32 s23, $0x8  }
.Ltmp27:
0x178: {  	_ = 	snop;
	(pc) =	sbr.rel @p5 .LBB2_34-.Ltmp27, $3  }
0x179: {  	_ = 	snop  }
0x17a: {  	v4 =	vmul.f32 v4, v5;
	_ =	sdelay $0x1  }
0x17b: {  	[tilespmem:v3+s15+$0x0] =	vst.idx.msk $0xffff, v4  }
.Ltmp28:
0x17c: {  	(pc) =	sbr.rel .LBB2_38-.Ltmp28, $4  }
0x17d: {  	[spmem:s3] =	stream.indirect.scatter.add.f32 [tilespmem:s15], [sflag:$0x3], $0x80, s26, s28, $0xb8;
	[tilespmem:$0x1FB80] =	vst v63  }
0x17e: {  	_ =	swait.ge [sflag:s17], $0x4000  }
0x17f: {  	[sflag:s17] =	ssyncset.done $0x0  }
0x180: {  	[sflag:s17] =	ssyncadd.s32 $0xFFFFC000  }
.LBB2_39:
0x181: {  	[bflag:$0x0] =	sbarrier.arrive $0xFFFF  }
0x182: {  	s10 =	rddreg [dreg:$0xa]  }
0x183: {  	s14 =	rddreg [dreg:$0x10]  }
0x184: {  	[hbm:s10], [sflag:s14] =	dma.local @!p3 [spmem:s16], $0x27100  }
.Ltmp29:
0x185: {  	_ = 	snop;
	(pc) =	sbr.rel @!p1 .LBB2_41-.Ltmp29, $4  }
0x186: {  	s10 =	simm.s32 @!p3 $0x3  }
0x187: {  	_ =	swait.ge @!p3 [sflag:s10], $0x27100  }
0x188: {  	[sflag:s10] =	ssyncset.done @!p3 $0x0  }
0x189: {  	[sflag:s10] =	ssyncadd.s32 @!p3 $0xFFFD8F00  }
0x18a: {  	s10 =	rddreg [dreg:$0xb];
	s14 =	simm.s32 $0x1C03  }
0x18b: {  	[hbm:s10], [sflag:s14] =	dma.local [spmem:s18], $0x27100  }
.Ltmp30:
0x18c: {  	_ =	swait.ge [sflag:s17], $0x27100;
	(pc) =	sbr.rel .LBB2_42-.Ltmp30, $3  }
0x18d: {  	[sflag:s17] =	ssyncset.done $0x0  }
0x18e: {  	[sflag:s17] =	ssyncadd.s32 $0xFFFD8F00  }
0x18f: {  	[bflag:$0x0] =	sbarrier.arrive $0xFFFF;
	_ =	sdelay $0x1  }
.LBB2_41:
.Ltmp31:
0x190: {  	(pc) =	sbr.rel @p2 .LBB2_43-.Ltmp31, $2  }
0x191: {  	_ =	sdelay $0x1  }
0x192: {  	[bflag:$0x0] =	sbarrier.arrive $0xFFFF;
	_ =	sdelay $0x1  }
.LBB2_42:
0x193: {  	s10 =	sshll.u32 s13, $0x6  }
0x194: {  	s14 =	rddreg [dreg:$0x5];
	s10 =	sor.u32 $0x1C03, s10  }
0x195: {  	[spmem:s18], [sflag:s10] =	dma.local [hbm:s14], $0x27100  }
0x196: {  	_ =	swait.ge [sflag:s17], $0x27100  }
0x197: {  	[sflag:s17] =	ssyncset.done $0x0  }
0x198: {  	[sflag:s17] =	ssyncadd.s32 $0xFFFD8F00  }
.LBB2_43:
.Ltmp32:
0x199: {  	(pc) =	sbr.rel .LBB2_44-.Ltmp32, $3  }
0x19a: {  	_ =	sdelay $0x1  }
0x19b: {  	[bflag:$0x0] =	sbarrier.arrive $0xFFFF  }
0x19c: {  	s18 =	simm.s32 $0x0  }
.LBB2_52:
0x19d: {  	s18 =	sadd.s32 $0x1, s18  }
0x19e: {  	p5 =	sne.s32 s18, $0x4F  }
.Ltmp33:
0x19f: {  	_ = 	snop;
	(pc) =	sbr.rel @!p5 .LBB2_53-.Ltmp33, $1  }
0x1a0: {  	_ =	sdelay $0x3  }
.LBB2_44:
0x1a1: {  	s10 =	sshll.u32 s18, $0x4  }
0x1a2: {  	s10 =	sor.u32 s13, s10  }
0x1a3: {  	p5 =	sgt.u32 s10, $0x4E1  }
.Ltmp34:
0x1a4: {  	_ = 	snop;
	(pc) =	sbr.rel @p5 .LBB2_52-.Ltmp34, $1  }
0x1a5: {  	_ =	sdelay $0x3  }
0x1a6: {  	s19 =	sshll.u32 s10, $0x5;
	s23 =	simm.s32 $0x0  }
0x1a7: {  	s14 =	sadd.s32 s2, s19;
	v3 =	vor.u32 s23, v0  }
0x1a8: {  	[tilespmem:s23], [sflag:$0x4] =	stream.linear.gather [hbm4b:s14+s23], $0x100, $0x38;
	[tilespmem:$0x1FB80] =	vst v63  }
0x1a9: {  	_ =	swait.ge [sflag:s24], $0x100  }
0x1aa: {  	[sflag:s24] =	ssyncset.done $0x0  }
0x1ab: {  	[sflag:s24] =	ssyncadd.s32 $0xFFFFFF00  }
0x1ac: {  	v4 =	vld.idx.msk [tilespmem:v3+s4+$0x0], $0xffff  }
0x1ad: {  	v5 =	vor.u32 s23, v1;
	_ =	sdelay $0x3  }
0x1ae: {  	[tilespmem:v3+s25+$0x0] =	vst.idx.msk $0xffff, v4  }
0x1af: {  	s20 =	simm.s32 $0x10;
	v5 =	vld.idx.msk [tilespmem:v5+s4+$0x0], $0xffff  }
0x1b0: {  	s10 =	simm.s32 $0x20;
	v4 =	vor.u32 s20, v0  }
.LBB2_46:
0x1b1: {  	p5 =	sne.s32 s10, $0x70;
	_ =	sdelay $0x2  }
0x1b2: {  	[tilespmem:v3+s26+$0x0] =	vst.idx.msk $0xffff, v5;
	v3 =	vmov v4  }
0x1b3: {  	v4 =	vld.idx.msk [tilespmem:v4+s4+$0x0], $0xffff;
	_ =	sdelay $0x1  }
0x1b4: {  	v5 =	vor.u32 s20, v1;
	s20 =	smov.u32 s10;
	_ =	sdelay $0x2  }
.Ltmp35:
0x1b5: {  	(pc) =	sbr.rel @p5 .LBB2_46-.Ltmp35, $3  }
0x1b6: {  	[tilespmem:v3+s25+$0x0] =	vst.idx.msk $0xffff, v4  }
0x1b7: {  	v5 =	vld.idx.msk [tilespmem:v5+s4+$0x0], $0xffff;
	_ =	sdelay $0x1  }
0x1b8: {  	s10 =	sadd.s32 $0x10, s10;
	v4 =	vor.u32 s20, v0  }
0x1b9: {  	_ =	sdelay $0x3  }
0x1ba: {  	[tilespmem:v3+s26+$0x0] =	vst.idx.msk $0xffff, v5  }
0x1bb: {  	v3 =	vld.idx.msk [tilespmem:v4+s4+$0x0], $0xffff  }
0x1bc: {  	v63 =	vor.u32 s20, v1;
	_ =	sdelay $0x3  }
0x1bd: {  	[tilespmem:v4+s25+$0x0] =	vst.idx.msk $0xffff, v3  }
0x1be: {  	v3 =	vld.idx.msk [tilespmem:v63+s4+$0x0], $0xffff;
	_ =	sdelay $0x4  }
0x1bf: {  	[tilespmem:v4+s26+$0x0] =	vst.idx.msk $0xffff, v3  }
0x1c0: {  	[tilespmem:s29], [sflag:$0x1] =	stream.indirect.gather [hbm4b:s1+s28], $0x80, s25, s28, $0xb8;
	[tilespmem:$0x1FB80] =	vst v63  }
0x1c1: {  	s10 =	sadd.s32 @!p4 s6, s19;
	s14 =	simm.s32 @!p4 $0x0;
	s20 =	simm.s32 @!p4 $0x4200  }
0x1c2: {  	[tilespmem:s20], [sflag:$0x4] =	stream.linear.gather @!p4 [hbm4b:s10+s14], $0x100, $0x38;
	[tilespmem:$0x1FB80] =	vst v63  }
0x1c3: {  	s10 =	simm.s32 @!p4 $0x4  }
0x1c4: {  	_ =	swait.ge @!p4 [sflag:s10], $0x100  }
0x1c5: {  	s14 =	simm.s32 @!p4 $0x180;
	[sflag:s10] =	ssyncset.done @!p4 $0x0  }
0x1c6: {  	s20 =	simm.s32 @!p4 $0x4300;
	[sflag:s10] =	ssyncadd.s32 @!p4 $0xFFFFFF00;
	s10 =	simm.s32 @!p4 $0x80  }
0x1c7: {  	[tilespmem:s20], [sflag:$0x2] =	stream.indirect.gather @!p4 [hbm4b:s8+s10], $0x80, s14, s10, $0xb8;
	[tilespmem:$0x1FB80] =	vst v63  }
0x1c8: {  	s10 =	simm.s32 @!p4 $0x2  }
0x1c9: {  	_ =	swait.ge @!p4 [sflag:s10], $0x4000  }
0x1ca: {  	s14 =	simm.s32 @p0 $0x0;
	[sflag:s10] =	ssyncset.done @!p4 $0x0  }
0x1cb: {  	[sflag:s10] =	ssyncadd.s32 @!p4 $0xFFFFC000;
	s10 =	sadd.s32 @p0 s7, s19;
	s19 =	simm.s32 @p0 $0x4200  }
0x1cc: {  	[tilespmem:s19], [sflag:$0x4] =	stream.linear.gather @p0 [hbm4b:s10+s14], $0x100, $0x38;
	[tilespmem:$0x1FB80] =	vst v63  }
0x1cd: {  	s10 =	simm.s32 @p0 $0x4  }
0x1ce: {  	_ =	swait.ge @p0 [sflag:s10], $0x100  }
0x1cf: {  	s14 =	simm.s32 @p0 $0x180;
	[sflag:s10] =	ssyncset.done @p0 $0x0  }
0x1d0: {  	s19 =	simm.s32 @p0 $0x4300;
	[sflag:s10] =	ssyncadd.s32 @p0 $0xFFFFFF00;
	s10 =	simm.s32 @p0 $0x80  }
0x1d1: {  	[tilespmem:s19], [sflag:$0x2] =	stream.indirect.gather @p0 [hbm4b:s9+s10], $0x80, s14, s10, $0xb8;
	[tilespmem:$0x1FB80] =	vst v63  }
0x1d2: {  	s10 =	simm.s32 @p0 $0x2  }
0x1d3: {  	_ =	swait.ge @p0 [sflag:s10], $0x4000  }
0x1d4: {  	[sflag:s10] =	ssyncset.done @p0 $0x0  }
0x1d5: {  	[sflag:s10] =	ssyncadd.s32 @p0 $0xFFFFC000  }
0x1d6: {  	_ =	swait.ge [sflag:s12], $0x4000  }
0x1d7: {  	[sflag:s12] =	ssyncset.done $0x0  }
0x1d8: {  	s20 =	simm.s32 $0x0;
	s19 =	simm.s32 $0x0;
	[sflag:s12] =	ssyncadd.s32 $0xFFFFC000  }
.LBB2_48:
0x1d9: {  	s10 =	sshll.u32 s20, $0x4  }
0x1da: {  	v3 =	vmov s10  }
0x1db: {  	v3 =	vshll.u32 v3, $0x7  }
0x1dc: {  	v3 =	vor.u32 v2, v3  }
0x1dd: {  	v4 =	vor.u32 $0x1, v3;
	_ =	sdelay $0x4  }
0x1de: {  	v4 =	vld.idx.msk [tilespmem:v4+s31+$0x0], $0xffff;
	_ =	sdelay $0x4  }
0x1df: {  	v4 =	vadd.f32 $9.999999710e-10, v4;
	_ =	sdelay $0x1  }
0x1e0: {  	v5 =	vor.u32 s10, v1;
	(erf) = vrcp.f32 v4  }
0x1e1: {  	v4 =	vmov s19  }
0x1e2: {  	v4 =	vand.u32 $0x7F, v4  }
0x1e3: {  	v4 =	vbroadcast v4, $0x0;
	_ =	sdelay $0x1  }
0x1e4: {  	v5 =	vld.idx.msk [tilespmem:v5+s30+$0x0], $0xffff;
	v4 =	vor.u32 v3, v4;
	_ =	sdelay $0x3  }
0x1e5: {  	s23 =	simm.s32 $0x1;
	v6 =	vpop (erf)  }
0x1e6: {  	v7 =	vmov s23;
	s10 =	simm.s32 $0x2;
	v5 =	vmul.f32 v6, v5;
	v6 =	vld.idx.msk [tilespmem:v4+s29+$0x0], $0xffff  }
.LBB2_49:
0x1e7: {  	p5 =	sne.s32 s10, $0x7F;
	v7 =	vand.u32 $0x7F, v7  }
0x1e8: {  	v7 =	vbroadcast v7, $0x0;
	_ =	sdelay $0x1  }
0x1e9: {  	v8 =	vor.u32 v3, v7  }
.Ltmp36:
0x1ea: {  	(pc) =	sbr.rel @p5 .LBB2_49-.Ltmp36, $3  }
0x1eb: {  	v6 =	vmul.f32 v6, v5;
	_ =	sdelay $0x1  }
0x1ec: {  	[tilespmem:v4+s15+$0x0] =	vst.idx.msk $0xffff, v6;
	v4 =	vmov v8  }
0x1ed: {  	v7 =	vmov s10;
	s10 =	sadd.s32 $0x1, s10;
	v6 =	vld.idx.msk [tilespmem:v8+s29+$0x0], $0xffff  }
0x1ee: {  	v7 =	vand.u32 $0x7F, v7  }
0x1ef: {  	v7 =	vbroadcast v7, $0x0;
	_ =	sdelay $0x1  }
0x1f0: {  	v3 =	vor.u32 v3, v7;
	_ =	sdelay $0x1  }
0x1f1: {  	v6 =	vmul.f32 v6, v5;
	_ =	sdelay $0x1  }
0x1f2: {  	[tilespmem:v4+s15+$0x0] =	vst.idx.msk $0xffff, v6  }
0x1f3: {  	v4 =	vld.idx.msk [tilespmem:v3+s29+$0x0], $0xffff  }
0x1f4: {  	s20 =	sadd.s32 $0x1, s20  }
0x1f5: {  	p5 =	sne.s32 s20, $0x8  }
.Ltmp37:
0x1f6: {  	_ = 	snop;
	(pc) =	sbr.rel @p5 .LBB2_48-.Ltmp37, $3  }
0x1f7: {  	_ = 	snop  }
0x1f8: {  	v4 =	vmul.f32 v4, v5;
	_ =	sdelay $0x1  }
0x1f9: {  	[tilespmem:v3+s15+$0x0] =	vst.idx.msk $0xffff, v4  }
.Ltmp38:
0x1fa: {  	(pc) =	sbr.rel .LBB2_52-.Ltmp38, $4  }
0x1fb: {  	[spmem:s3] =	stream.indirect.scatter.add.f32 [tilespmem:s15], [sflag:$0x3], $0x80, s26, s28, $0xb8;
	[tilespmem:$0x1FB80] =	vst v63  }
0x1fc: {  	_ =	swait.ge [sflag:s17], $0x4000  }
0x1fd: {  	[sflag:s17] =	ssyncset.done $0x0  }
0x1fe: {  	[sflag:s17] =	ssyncadd.s32 $0xFFFFC000  }
.LBB2_54:
0x1ff: {  	_ =	sfence.sel $0x180000  }
0x200: {  	[bflag:$0x0] =	sbarrier.arrive $0xFFFF  }
0x201: {  	_ =	strace $0x9000004A  }
0x202: {  	[bflag:$0x2] =	sbarrier.arrive $0xFFFF  }
0x203: {  	s0 =	rddreg [dreg:$0x4]  }
0x204: {  	s0 =	sadd.s32 @!p2 $0x100000, s0  }
0x205: {  	[sflag:s0] =	ssyncadd.tile.s32 @!p2 $0x1;
	_ =	shalt  }
.Lfunc_end2:
_tile_overlayer_lowered:
.L_overlay_start_2:
0x206: {  	(tag) =	ssettag $0x2  }
0x207: {  	s0 =	rddreg [dreg:$0x0];
	s2 =	stileid.u32  }
0x208: {  	s1 =	rddreg [dreg:$0x1];
	p0 =	sne.s32 s2, $0x0  }
0x209: {  	s3 =	rddreg [dreg:$0x2];
	[bflag:$0x3] =	sbarrier.arrive $0xFFFF;
	s2 =	simm.s32 @!p0 $0x1C03  }
0x20a: {  	[timem:s3], [sflag:s2] =	dma.local @!p0 [hbm:s0], s1  }
0x20b: {  	s0 =	simm.s32 @!p0 $0x3  }
0x20c: {  	_ =	swait.ge @!p0 [sflag:s0], s1  }
0x20d: {  	s1 =	ssub.s32 @!p0 $0x0, s1;
	[sflag:s0] =	ssyncset.done @!p0 $0x0  }
0x20e: {  	[sflag:s0] =	ssyncadd.s32 @!p0 s1  }
0x20f: {  	[bflag:$0x3] =	sbarrier.arrive $0xFFFF  }
0x210: {  	_ =	shalt  }

// kernel: sparse-core-data-format-call.1.cloned.1.call-start
scs
called_computation.1_lowered:
.L_overlay_start_0:
0x0: {  	s2 =	sld [smem:$0x3FD9]  }
0x1: {  	s3 =	sld [smem:$0x3FFE];
	_ =	sdelay $0x1  }
0x2: {  	s1 =	srdreg.scid  }
0x3: {  	s0 =	sand.u32 $0x1, s1  }
0x4: {  	s18 =	sshll.u32 s0, $0xA;
	s2 =	sadd.s32 s3, s2  }
0x5: {  	s2 =	sadd.s32 s2, s18  }
0x6: {  	[smem:$0x3FBF] =	sst s2  }
0x7: {  	_ = 	snop  }
0x8: {  	s2 =	sld [smem:$0x3FD0];
	(tm) =	ssettm $0x1  }
0x9: {  	s19 =	sld [smem:$0x3FFB];
	_ =	sdelay $0x3  }
0xa: {  	_ =	strace s19  }
0xb: {  	s3 =	sld [smem:$0x3FFC];
	_ =	sdelay $0x3  }
0xc: {  	_ =	strace s3  }
0xd: {  	s3 =	sld [smem:$0x3FFD];
	_ =	sdelay $0x3  }
0xe: {  	_ =	strace s3  }
0xf: {  	_ =	strace $0x8FFFFFFF  }
0x10: {  	s20 =	sld [smem:$0x3FDB];
	_ =	sdelay $0x1  }
0x11: {  	s4 =	simm.s32 $_scs_section_size  }
0x12: {  	s5 =	simm.s32 $_size__tile_overlayer_lowered;
	s6 =	simm.s32 $_tile_overlayer_lowered  }
0x13: {  	s23 =	simm.s32 $0x1BFF;
	s22 =	sshll.u32 s6, $0x1;
	s3 =	sadd.s32 s4, s20  }
0x14: {  	s7 =	simm.s32 $0x0;
	s21 =	sshll.u32 s5, $0x1;
	s5 =	sadd.s32 s22, s3  }
0x15: {  	[timem:s7], [sflag:s23] =	dma.local [hbm:s5], s21  }
0x16: {  	_ =	swait.ge [sflag:s23], s21  }
0x17: {  	s4 =	ssub.s32 $0x0, s21;
	[sflag:s23] =	ssyncset.done $0x0  }
0x18: {  	[sflag:s23] =	ssyncadd.s32 s4;
	_ =	sdelay $0x1  }
0x19: {  	s24 =	simm.s32 $0x1B8B  }
0x1a: {  	_ =	swait.ge [sflag:s24], $0x1  }
0x1b: {  	[sflag:s24] =	ssyncset.done $0x0  }
0x1c: {  	s26 =	simm.s32 $0x1B8E;
	s25 =	sld [smem:$0x3FFE];
	[sflag:s24] =	ssyncadd.s32 $0xFFFFFFFF  }
0x1d: {  	s27 =	simm.s32 $execute0_lowered;
	[smem:$0x3FD2] =	sst s26  }
0x1e: {  	s5 =	sshll.u32 s27, $0x1;
	_ =	strace $0x8000004C;
	[dreg:$0x1] =	wrdreg $0xFFFFFFFF  }
0x1f: {  	s28 =	simm.s32 $_size_execute0_lowered;
	s3 =	sadd.s32 s3, s5;
	[dreg:$0x0] =	wrdreg $0x0  }
0x20: {  	s5 =	sshll.u32 s28, $0x1;
	[dreg:$0x2] =	wrdreg s3  }
0x21: {  	[dreg:$0x3] =	wrdreg s5  }
0x22: {  	[dreg:$0x4] =	wrdreg $0xC0  }
0x23: {  	_ =	task [dreg:s7], $0x5FFFF  }
0x24: {  	[dreg:$0x1] =	wrdreg $0xFFFFFFFF  }
0x25: {  	[dreg:$0x0] =	wrdreg $0x60  }
0x26: {  	[dreg:$0x2] =	wrdreg s2  }
0x27: {  	[dreg:$0x3] =	wrdreg s25  }
0x28: {  	[dreg:$0x4] =	wrdreg $0x9  }
0x29: {  	_ =	task.clear_ibuf [dreg:s7], $0x5FFFF;
	_ =	strace $0x9000004C  }
0x2a: {  	s29 =	simm.s32 $0x9;
	_ =	strace $0x8000004E  }
0x2b: {  	_ =	swait.ge [sflag:s29], $0x1  }
0x2c: {  	[sflag:s29] =	ssyncadd.s32 $0xFFFFFFFF  }
0x2d: {  	_ =	strace $0x9000004E  }
0x2e: {  	_ =	sfence  }
0x2f: {  	s30 =	sld [smem:$0x0];
	_ =	sdelay $0x2  }
0x30: {  	s31 =	sshll.u32 s1, $0xD;
	s1 =	sshrl.u32 s1, $0x2  }
0x31: {  	s3 =	sand.u32 $0x4000, s31;
	s1 =	sadd.s32 s1, s30  }
0x32: {  	s0 =	sor.u32 s3, s0;
	s1 =	sshll.u32 s1, $0x11  }
0x33: {  	s0 =	sor.u32 s1, s0  }
0x34: {  	s0 =	sadd.s32 $0x8F2B, s0  }
0x35: {  	[sflag:s0] =	ssyncadd.remote.s32 $0x1  }
0x36: {  	_ =	sfence.sel $0xFFFF  }
0x37: {  	[dreg:$0x0] =	wrdreg $0xFFFFFFFF;
	(pc) =	sbr.abs _section_cstart, $3  }
0x38: {  	[dreg:$0x1] =	wrdreg $0xFFFFFFFF  }
0x39: {  	_ =	task.clear_ibuf [dreg:s7], $0x2FFFF;
	_ =	strace $0x9FFFFFFF  }
0x3a: {  	(tm) =	ssettm $0x7FFFFFFF  }
0x3b: {  	_ =	shalt  }
tec
execute0_lowered:
.L_overlay_start_1:
0x0: {  	(tag) =	ssettag $0x1  }
0x1: {  	s0 =	stileid.u32  }
0x2: {  	s3 =	srdreg.scid;
	s9 =	rddreg [dreg:$0x1]  }
0x3: {  	s31 =	simm.s32 $0x2;
	s20 =	simm.s32 $0x0;
	p0 =	por $0x0, $0x0  }
0x4: {  	s11 =	simm.s32 $0x13C00;
	s17 =	simm.s32 $0x0;
	s18 =	simm.s32 $0x0  }
0x5: {  	s19 =	simm.s32 $0x0;
	s2 =	sshrl.u32 s0, $0x1;
	s1 =	sand.u32 $0x1, s0  }
0x6: {  	s4 =	sshrl.u32 s0, $0x2;
	s5 =	sshll.u32 s0, $0x4;
	s6 =	sshll.u32 s3, $0x8  }
0x7: {  	s2 =	sand.u32 $0x1, s2;
	s3 =	sand.u32 $0x1, s4;
	s25 =	ssub.s32 $0x2, s1  }
0x8: {  	s24 =	sor.u32 s5, s6;
	s26 =	sshrl.u32 s25, $0x1;
	s7 =	ssub.s32 $0x2, s2  }
0x9: {  	s5 =	sand.u32 $0x1, s25;
	s8 =	sshrl.u32 s7, $0x1;
	s7 =	sand.u32 $0x1, s7  }
0xa: {  	s28 =	ssub.s32 $0x2, s3;
	s5 =	sadd.s32 s5, s26;
	s27 =	sadd.s32 s7, s8  }
0xb: {  	s29 =	sshrl.u32 s28, $0x1;
	s7 =	sand.u32 $0x1, s28;
	s5 =	smul.u32 s5, s27  }
0xc: {  	s16 =	simm.s32 $0x0;
	s4 =	sand.u32 $0x180, s24;
	s7 =	sadd.s32 s7, s29  }
0xd: {  	s9 =	sadd.s32 $0x3000, s9;
	s30 =	ssub.s32 $0x2700, s4;
	s10 =	smul.u32 s7, s5  }
.Ltmp0:
0xe: {  	s6 =	rddreg [dreg:$0x0];
	s8 =	sshrl.u32 s30, $0x9;
	(pc) =	sbr.rel .LBB1_1-.Ltmp0, $4  }
0xf: {  	s15 =	smov.u32 s1;
	s8 =	sadd.s32 $0x1, s8;
	s5 =	rddreg [dreg:$0x2]  }
0x10: {  	_ =	strace $0x8000004D;
	s7 =	simm.s32 $0x1;
	s8 =	smul.u32 s8, s10  }
0x11: {  	s13 =	smov.u32 s3;
	s14 =	smov.u32 s2;
	[sflag:s7] =	ssyncpa.u1 $0x0  }
0x12: {  	s12 =	smov.u32 s4;
	[sflag:s31] =	ssyncpa.u1 $0x0;
	s10 =	sadd.s32 $0x1, s8  }
.LBB1_4:
0x13: {  	s26 =	sshll.u32 s20, $0x3;
	v5 =	vld [tilespmem:s23+$0xFFFFFFD0];
	[tilespmem:s24+$0x2040 ss:$0x81] =	vst.msk $0xffff, v2  }
0x14: {  	s31 =	sand.u32 $0x7F, s20;
	v58 =	vld [tilespmem:s23+$0xFFFFFFE0];
	[tilespmem:s24+$0x2850 ss:$0x81] =	vst.msk $0xffff, v3;
	s26 =	sand.u32 $0xFFFFFC00, s26  }
0x15: {  	s25 =	sshra.s32 s25, $0x2;
	v59 =	vld [tilespmem:s23+$0xFFFFFFF0];
	[tilespmem:s24+$0x3060 ss:$0x81] =	vst.msk $0xffff, v4;
	s19 =	smul.u32 $0x9E000, s19;
	s20 =	sor.u32 s31, s26  }
0x16: {  	[tilespmem:s24+$0x0 ss:$0x81] =	vst.msk $0xffff, v0;
	v60 =	vld [tilespmem:s23+$0x0];
	s22 =	sadd.s32 s25, s22;
	s27 =	smulhi.u32 $0xCF6474A9, s20  }
0x17: {  	v61 =	vld [tilespmem:s23+$0x10];
	[tilespmem:s22+$0x3870 ss:$0x81] =	vst.msk $0xffff, v1;
	s28 =	smulhi.u32 $0xCF6474A9, s26  }
0x18: {  	v62 =	vld [tilespmem:s23+$0x20];
	s18 =	smul.u32 $0x4F000, s18;
	s27 =	sshrl.u32 s27, $0xD;
	[tilespmem:s22+$0x810 ss:$0x81] =	vst.msk $0xffff, v5  }
0x19: {  	v63 =	vld [tilespmem:s23+$0xFFFFFFC0];
	s29 =	sshrl.u32 s28, $0xD;
	[tilespmem:s22+$0x1020 ss:$0x81] =	vst.msk $0xffff, v58;
	s27 =	smul.u32 $0x2780, s27  }
0x1a: {  	s17 =	smul.u32 $0x27800, s17;
	s19 =	sadd.s32 s9, s19;
	[tilespmem:s22+$0x1830 ss:$0x81] =	vst.msk $0xffff, v59;
	s23 =	sand.u32 $0x7F, s29  }
0x1b: {  	s18 =	sadd.s32 s18, s19;
	[tilespmem:s22+$0x2040 ss:$0x81] =	vst.msk $0xffff, v60;
	s23 =	smul.u32 $0x4F0, s23;
	s20 =	ssub.s32 s20, s27  }
0x1c: {  	s17 =	sadd.s32 s17, s18;
	[tilespmem:s22+$0x2850 ss:$0x81] =	vst.msk $0xffff, v61;
	s30 =	sand.u32 $0x7, s20  }
0x1d: {  	[tilespmem:s22+$0x3060 ss:$0x81] =	vst.msk $0xffff, v62;
	s17 =	sadd.s32 s23, s17;
	s31 =	sshrl.u32 s20, $0x3;
	s18 =	sshll.u32 s30, $0x12  }
0x1e: {  	[tilespmem:s22+$0x0 ss:$0x81] =	vst.msk $0xffff, v63;
	s17 =	sadd.s32 s31, s17;
	s18 =	sor.u32 $0x400, s18  }
0x1f: {  	[hbm4b:s17+s18] =	stream.strided.scatter [tilespmem:s21], [sflag:$0x2], $0x4000, s11, s18, $0x20;
	[tilespmem:$0x10100] =	vst v63  }
.LBB1_5:
0x20: {  	s21 =	sadd.s32 $0x200, s12  }
0x21: {  	s17 =	sadd.s32 $0x2, s13;
	s22 =	smov.u32 s13;
	p2 =	sgt.s32 s21, $0x270F  }
0x22: {  	s22 =	smov.u32 @p2 s17  }
0x23: {  	s23 =	smov.u32 s14;
	s17 =	sadd.s32 $0x2, s14;
	p3 =	sgt.s32 s22, $0x1  }
0x24: {  	s23 =	smov.u32 @p3 s17  }
0x25: {  	s24 =	smov.u32 s15;
	s17 =	sadd.s32 $0x2, s15;
	p4 =	sgt.s32 s23, $0x1  }
0x26: {  	p1 =	slt.u32 s16, $0x2;
	s24 =	smov.u32 @p4 s17  }
0x27: {  	s20 =	smov.u32 s12;
	s21 =	smov.u32 @p2 s4;
	p2 =	sgt.s32 s24, $0x1  }
0x28: {  	s25 =	simm.s32 @!p1 $0x2;
	s24 =	smov.u32 @p2 s1;
	p2 =	sne.s32 s16, s10  }
.Ltmp1:
0x29: {  	s18 =	smov.u32 s14;
	_ =	swait.ge @!p1 [sflag:s25], $0x4000;
	(pc) =	sbr.rel @!p2 .LBB1_6-.Ltmp1, $4  }
0x2a: {  	s19 =	smov.u32 s15;
	p0 =	por !p0, !p0;
	[sflag:s25] =	ssyncset.done @!p1 $0x0  }
0x2b: {  	s12 =	smov.u32 s21;
	s22 =	smov.u32 @p3 s3;
	[sflag:s25] =	ssyncadd.s32 @!p1 $0xFFFFC000  }
0x2c: {  	s23 =	smov.u32 @p4 s2;
	s17 =	smov.u32 s13;
	s13 =	smov.u32 s22  }
0x2d: {  	s14 =	smov.u32 s23;
	s16 =	sadd.s32 $0x1, s16;
	s15 =	smov.u32 s24  }
.LBB1_1:
0x2e: {  	p1 =	sge.u32 s16, s8;
	s24 =	smov.u32 s15;
	s25 =	smov.u32 s14  }
0x2f: {  	s21 =	sand.u32 @!p1 $0x1FFFFFF, s12;
	p2 =	sgt.s32 @!p1 s15, $0x1;
	s23 =	sshra.s32 @!p1 s15, $0x1F  }
0x30: {  	p3 =	sgt.s32 @!p1 s14, $0x1;
	s26 =	sshra.s32 @!p1 s13, $0x1F;
	s27 =	sshra.s32 @!p1 s12, $0x1F  }
0x31: {  	s22 =	smulhi.u32 @!p1 $0x1A36E2F, s21;
	p2 =	por !p2, p1;
	s23 =	sand.u32 @!p1 s23, s15  }
0x32: {  	p3 =	por !p3, p1;
	s26 =	sand.u32 @!p1 s26, s13;
	s27 =	sand.u32 @!p1 s27, s12  }
0x33: {  	s24 =	simm.s32 @p2 $0x1;
	s23 =	sxor.u32 @!p1 $0xFFFFFFFF, s23;
	s25 =	simm.s32 @p3 $0x1  }
0x34: {  	p3 =	sgt.s32 @!p1 s13, $0x1;
	s26 =	sxor.u32 @!p1 $0xFFFFFFFF, s26;
	s22 =	sshrl.u32 @!p1 s22, $0x6  }
0x35: {  	s23 =	sadd.s32 @!p1 s23, s24;
	s24 =	sshra.s32 @!p1 s14, $0x1F;
	p3 =	por !p3, p1  }
0x36: {  	p2 =	sgt.s32 @!p1 s23, $0x0;
	s24 =	sand.u32 @!p1 s24, s14;
	s23 =	sshll.u32 @!p1 s23, $0x7  }
0x37: {  	s22 =	smul.u32 @!p1 $0x2710, s22;
	s24 =	sxor.u32 @!p1 $0xFFFFFFFF, s24;
	s23 =	ssub.s32 @!p1 $0x80, s23  }
0x38: {  	p2 =	por !p2, p1;
	s24 =	sadd.s32 @!p1 s24, s25;
	s25 =	smov.u32 s13  }
0x39: {  	s23 =	simm.s32 @!p2 $0x0;
	p2 =	sgt.s32 @!p1 s12, $0x2690;
	s21 =	ssub.s32 @!p1 s21, s22  }
0x3a: {  	s22 =	smul.u32 @!p1 $0x9C400, s15;
	s25 =	simm.s32 @p3 $0x1;
	p3 =	sgt.s32 @!p1 s24, $0x0  }
0x3b: {  	s24 =	ssub.s32 @!p1 $0x1, s24;
	p2 =	por !p2, p1;
	p3 =	por !p3, p1  }
0x3c: {  	s25 =	sadd.s32 @!p1 s26, s25;
	s26 =	smov.u32 s12;
	s24 =	simm.s32 @!p3 $0x0  }
0x3d: {  	p3 =	sgt.s32 @!p1 s25, $0x0;
	s25 =	ssub.s32 @!p1 $0x1, s25;
	s26 =	simm.s32 @p2 $0x2690  }
0x3e: {  	p3 =	por !p3, p1;
	s23 =	smul.u32 @!p1 s24, s23;
	s24 =	ssub.s32 @!p1 s26, s27  }
0x3f: {  	s31 =	sadd.s32 $0xFFFFFFFF, s16;
	s25 =	simm.s32 @!p3 $0x0;
	s27 =	sadd.s32 @!p1 $0xFFFFD970, s24  }
0x40: {  	s22 =	sadd.s32 @!p1 s6, s22;
	s23 =	smul.u32 @!p1 s25, s23;
	p2 =	sgt.s32 @!p1 s27, $0x7F  }
0x41: {  	s24 =	ssub.s32 @!p1 $0x2710, s24;
	s25 =	smul.u32 @!p1 $0x4E200, s14;
	p2 =	por !p2, p1  }
0x42: {  	s26 =	sxor.u32 @!p1 $0xFFFFFFFF, s16;
	s27 =	smul.u32 @!p1 $0x27100, s13;
	s24 =	simm.s32 @!p2 $0x0  }
0x43: {  	s26 =	sshll.u32 @!p1 s26, $0xE;
	s22 =	sadd.s32 @!p1 s25, s22;
	s23 =	smul.u32 @!p1 s24, s23  }
0x44: {  	s21 =	sshll.u32 @!p1 s21, $0x4;
	s24 =	sand.u32 @!p1 $0x4000, s26;
	s22 =	sadd.s32 @!p1 s27, s22  }
0x45: {  	s21 =	sadd.s32 @!p1 s21, s22;
	s22 =	simm.s32 @!p1 $0x0;
	s23 =	sand.u32 @!p1 $0x3FFFFF80, s23  }
0x46: {  	[tilespmem:s24], [sflag:$0x1] =	stream.linear.gather @!p1 [hbm4b:s21+s22], s23, $0x38;
	[tilespmem:$0x10100] =	vst v63  }
0x47: {  	p1 =	sge.u32 s31, s8  }
.Ltmp2:
0x48: {  	_ = 	snop;
	(pc) =	sbr.rel @p1 .LBB1_5-.Ltmp2, $1  }
0x49: {  	_ =	sdelay $0x3  }
0x4a: {  	p1 =	sgt.s32 s19, $0x1  }
0x4b: {  	s21 =	smov.u32 s19;
	s22 =	sshra.s32 s19, $0x1F;
	s23 =	sshra.s32 s18, $0x1F  }
0x4c: {  	s24 =	smov.u32 s18;
	s27 =	sshra.s32 s17, $0x1F;
	s21 =	simm.s32 @!p1 $0x1  }
0x4d: {  	s22 =	sand.u32 s22, s19;
	p1 =	sgt.s32 s18, $0x1;
	s23 =	sand.u32 s23, s18  }
0x4e: {  	s22 =	sxor.u32 $0xFFFFFFFF, s22;
	s24 =	simm.s32 @!p1 $0x1;
	s23 =	sxor.u32 $0xFFFFFFFF, s23  }
0x4f: {  	s25 =	sshra.s32 s20, $0x1F;
	s21 =	sadd.s32 s22, s21;
	s26 =	sadd.s32 s23, s24  }
0x50: {  	s24 =	smov.u32 s17;
	s23 =	sand.u32 s27, s17;
	p1 =	sgt.s32 s26, $0x0  }
0x51: {  	s22 =	ssub.s32 $0x1, s26;
	p2 =	sgt.s32 s21, $0x0;
	s23 =	sxor.u32 $0xFFFFFFFF, s23  }
0x52: {  	s21 =	sshll.u32 s21, $0x7;
	s22 =	simm.s32 @p1 $0x0;
	p1 =	sgt.s32 s17, $0x1  }
0x53: {  	s21 =	ssub.s32 $0x80, s21;
	s24 =	simm.s32 @!p1 $0x1;
	p1 =	sgt.s32 s20, $0x2690  }
0x54: {  	s21 =	simm.s32 @p2 $0x0;
	s23 =	sadd.s32 s23, s24;
	s24 =	smov.u32 s20  }
0x55: {  	s25 =	sand.u32 s25, s20;
	s21 =	smul.u32 s22, s21;
	s24 =	simm.s32 @!p1 $0x2690  }
0x56: {  	p1 =	sgt.s32 s23, $0x0;
	s23 =	ssub.s32 $0x1, s23;
	s24 =	ssub.s32 s24, s25  }
0x57: {  	s23 =	simm.s32 @p1 $0x0;
	s28 =	sadd.s32 $0xFFFFD970, s24  }
0x58: {  	s22 =	ssub.s32 $0x2710, s24;
	s21 =	smul.u32 s23, s21;
	p1 =	sgt.s32 s28, $0x7F  }
0x59: {  	s22 =	simm.s32 @p1 $0x0  }
0x5a: {  	s21 =	smul.u32 s22, s21;
	_ =	sdelay $0x1  }
0x5b: {  	s22 =	simm.s32 $0x1;
	s21 =	sand.u32 $0x3FFFFF80, s21  }
0x5c: {  	s22 =	simm.s32 @!p0 $0x0;
	_ =	swait.ge [sflag:s7], s21  }
0x5d: {  	s29 =	sshll.u32 s22, $0xE;
	s21 =	ssub.s32 $0x0, s21;
	[sflag:s7] =	ssyncset.done $0x0  }
0x5e: {  	s23 =	sor.u32 $0x40, s29;
	[sflag:s7] =	ssyncadd.s32 s21  }
0x5f: {  	s30 =	smul.u32 $0x10200, s22;
	v0 =	vld [tilespmem:s23+$0x30]  }
0x60: {  	v1 =	vld [tilespmem:s23+$0xFFFFFFD0]  }
0x61: {  	s21 =	sshrl.u32 s30, $0x2;
	v5 =	vld [tilespmem:s23+$0xFFFFFFE0]  }
0x62: {  	s22 =	sor.u32 $0x8000, s21;
	v6 =	vld [tilespmem:s23+$0xFFFFFFF0]  }
0x63: {  	s31 =	sand.u32 $0x1, s16;
	v2 =	vld [tilespmem:s23+$0x0];
	s24 =	sadd.s32 $0x0, s22  }
0x64: {  	s21 =	smul.u32 $0x10200, s31;
	v3 =	vld [tilespmem:s23+$0x10];
	[tilespmem:s24+$0x3870 ss:$0x81] =	vst.msk $0xffff, v0  }
0x65: {  	v4 =	vld [tilespmem:s23+$0x20];
	[tilespmem:s24+$0x810 ss:$0x81] =	vst.msk $0xffff, v1  }
0x66: {  	s21 =	sshrl.u32 s21, $0x2;
	v0 =	vld [tilespmem:s23+$0xFFFFFFC0];
	[tilespmem:s24+$0x1020 ss:$0x81] =	vst.msk $0xffff, v5;
	s23 =	sadd.s32 $0x80, s23  }
0x67: {  	s26 =	simm.s32 $0x8;
	s25 =	simm.s32 $0x4;
	s21 =	sor.u32 $0x8000, s21;
	[tilespmem:s24+$0x1830 ss:$0x81] =	vst.msk $0xffff, v6;
	v1 =	vld [tilespmem:s23+$0x30]  }
.LBB1_3:
0x68: {  	p1 =	sne.s32 s26, $0x1FC;
	v5 =	vld [tilespmem:s23+$0xFFFFFFD0];
	[tilespmem:s24+$0x2040 ss:$0x81] =	vst.msk $0xffff, v2  }
0x69: {  	v6 =	vld [tilespmem:s23+$0xFFFFFFE0];
	[tilespmem:s24+$0x2850 ss:$0x81] =	vst.msk $0xffff, v3  }
0x6a: {  	s27 =	sshra.s32 s25, $0x2;
	s25 =	smov.u32 s26;
	v7 =	vld [tilespmem:s23+$0xFFFFFFF0];
	[tilespmem:s24+$0x3060 ss:$0x81] =	vst.msk $0xffff, v4  }
.Ltmp3:
0x6b: {  	v2 =	vld [tilespmem:s23+$0x0];
	[tilespmem:s24+$0x0 ss:$0x81] =	vst.msk $0xffff, v0;
	s24 =	sadd.s32 s27, s22;
	(pc) =	sbr.rel @p1 .LBB1_3-.Ltmp3, $4  }
0x6c: {  	v3 =	vld [tilespmem:s23+$0x10];
	[tilespmem:s24+$0x3870 ss:$0x81] =	vst.msk $0xffff, v1  }
0x6d: {  	[tilespmem:s24+$0x810 ss:$0x81] =	vst.msk $0xffff, v5;
	v4 =	vld [tilespmem:s23+$0x20]  }
0x6e: {  	v0 =	vld [tilespmem:s23+$0xFFFFFFC0];
	[tilespmem:s24+$0x1020 ss:$0x81] =	vst.msk $0xffff, v6;
	s23 =	sadd.s32 $0x80, s23  }
0x6f: {  	s26 =	sadd.s32 $0x4, s26;
	v1 =	vld [tilespmem:s23+$0x30];
	[tilespmem:s24+$0x1830 ss:$0x81] =	vst.msk $0xffff, v7  }
.Ltmp4:
0x70: {  	_ = 	snop;
	(pc) =	sbr.rel .LBB1_4-.Ltmp4, $1  }
0x71: {  	_ =	sdelay $0x3  }
.LBB1_6:
0x72: {  	_ =	sfence.sel $0x180000  }
0x73: {  	s1 =	simm.s32 $0x1;
	[bflag:$0x0] =	sbarrier.arrive $0xFFFF  }
0x74: {  	s31 =	simm.s32 $0x2;
	[sflag:s1] =	ssyncpa.u1 $0x1  }
0x75: {  	[sflag:s31] =	ssyncpa.u1 $0x1  }
0x76: {  	p0 =	sne.s32 s0, $0x0;
	_ =	strace $0x9000004D  }
0x77: {  	s0 =	sadd.s32 @!p0 $0x100000, s5;
	[bflag:$0x2] =	sbarrier.arrive $0xFFFF  }
0x78: {  	[sflag:s0] =	ssyncadd.tile.s32 @!p0 $0x1;
	_ =	shalt  }
.Lfunc_end1:
_tile_overlayer_lowered:
.L_overlay_start_2:
0x79: {  	(tag) =	ssettag $0x2  }
0x7a: {  	s0 =	rddreg [dreg:$0x0];
	s2 =	stileid.u32  }
0x7b: {  	s1 =	rddreg [dreg:$0x1];
	p0 =	sne.s32 s2, $0x0  }
0x7c: {  	s3 =	rddreg [dreg:$0x2];
	[bflag:$0x3] =	sbarrier.arrive $0xFFFF;
	s2 =	simm.s32 @!p0 $0x1C01  }
0x7d: {  	[timem:s3], [sflag:s2] =	dma.local @!p0 [hbm:s0], s1  }
0x7e: {  	s0 =	simm.s32 @!p0 $0x1  }
0x7f: {  	_ =	swait.ge @!p0 [sflag:s0], s1  }
0x80: {  	s1 =	ssub.s32 @!p0 $0x0, s1;
	[sflag:s0] =	ssyncset.done @!p0 $0x0  }
0x81: {  	[sflag:s0] =	ssyncadd.s32 @!p0 s1  }
0x82: {  	[bflag:$0x3] =	sbarrier.arrive $0xFFFF  }
0x83: {  	_ =	shalt  }

// kernel: sparse-core-data-format-call.cloned.1.call-start
scs
called_computation_lowered:
.L_overlay_start_0:
0x0: {  	s2 =	sld [smem:$0x3FD9]  }
0x1: {  	s3 =	sld [smem:$0x3FFE];
	_ =	sdelay $0x1  }
0x2: {  	s1 =	srdreg.scid  }
0x3: {  	s0 =	sand.u32 $0x1, s1  }
0x4: {  	s18 =	sshll.u32 s0, $0xA;
	s2 =	sadd.s32 s3, s2  }
0x5: {  	s2 =	sadd.s32 s2, s18  }
0x6: {  	[smem:$0x3FBF] =	sst s2  }
0x7: {  	_ = 	snop  }
0x8: {  	s2 =	sld [smem:$0x3FD0];
	(tm) =	ssettm $0x1  }
0x9: {  	s19 =	sld [smem:$0x3FFB];
	_ =	sdelay $0x3  }
0xa: {  	_ =	strace s19  }
0xb: {  	s3 =	sld [smem:$0x3FFC];
	_ =	sdelay $0x3  }
0xc: {  	_ =	strace s3  }
0xd: {  	s3 =	sld [smem:$0x3FFD];
	_ =	sdelay $0x3  }
0xe: {  	_ =	strace s3  }
0xf: {  	_ =	strace $0x8FFFFFFF  }
0x10: {  	s20 =	sld [smem:$0x3FDB];
	_ =	sdelay $0x1  }
0x11: {  	s4 =	simm.s32 $_scs_section_size  }
0x12: {  	s5 =	simm.s32 $_size__tile_overlayer_lowered;
	s6 =	simm.s32 $_tile_overlayer_lowered  }
0x13: {  	s23 =	simm.s32 $0x1BFF;
	s22 =	sshll.u32 s6, $0x1;
	s3 =	sadd.s32 s4, s20  }
0x14: {  	s7 =	simm.s32 $0x0;
	s21 =	sshll.u32 s5, $0x1;
	s5 =	sadd.s32 s22, s3  }
0x15: {  	[timem:s7], [sflag:s23] =	dma.local [hbm:s5], s21  }
0x16: {  	_ =	swait.ge [sflag:s23], s21  }
0x17: {  	s4 =	ssub.s32 $0x0, s21;
	[sflag:s23] =	ssyncset.done $0x0  }
0x18: {  	[sflag:s23] =	ssyncadd.s32 s4;
	_ =	sdelay $0x1  }
0x19: {  	s24 =	simm.s32 $0x1B8B  }
0x1a: {  	_ =	swait.ge [sflag:s24], $0x1  }
0x1b: {  	[sflag:s24] =	ssyncset.done $0x0  }
0x1c: {  	s26 =	simm.s32 $0x1B8E;
	s25 =	sld [smem:$0x3FFE];
	[sflag:s24] =	ssyncadd.s32 $0xFFFFFFFF  }
0x1d: {  	s27 =	simm.s32 $execute0_lowered;
	[smem:$0x3FD2] =	sst s26  }
0x1e: {  	s5 =	sshll.u32 s27, $0x1;
	_ =	strace $0x8000004F;
	[dreg:$0x1] =	wrdreg $0xFFFFFFFF  }
0x1f: {  	s28 =	simm.s32 $_size_execute0_lowered;
	s3 =	sadd.s32 s3, s5;
	[dreg:$0x0] =	wrdreg $0x0  }
0x20: {  	s5 =	sshll.u32 s28, $0x1;
	[dreg:$0x2] =	wrdreg s3  }
0x21: {  	[dreg:$0x3] =	wrdreg s5  }
0x22: {  	[dreg:$0x4] =	wrdreg $0xC0  }
0x23: {  	_ =	task [dreg:s7], $0x5FFFF  }
0x24: {  	[dreg:$0x1] =	wrdreg $0xFFFFFFFF  }
0x25: {  	[dreg:$0x0] =	wrdreg $0x60  }
0x26: {  	[dreg:$0x2] =	wrdreg s25  }
0x27: {  	[dreg:$0x3] =	wrdreg s2  }
0x28: {  	[dreg:$0x4] =	wrdreg $0x9  }
0x29: {  	_ =	task.clear_ibuf [dreg:s7], $0x5FFFF;
	_ =	strace $0x9000004F  }
0x2a: {  	s29 =	simm.s32 $0x9;
	_ =	strace $0x80000051  }
0x2b: {  	_ =	swait.ge [sflag:s29], $0x1  }
0x2c: {  	[sflag:s29] =	ssyncadd.s32 $0xFFFFFFFF  }
0x2d: {  	_ =	strace $0x90000051  }
0x2e: {  	_ =	sfence  }
0x2f: {  	s30 =	sld [smem:$0x0];
	_ =	sdelay $0x2  }
0x30: {  	s31 =	sshll.u32 s1, $0xD;
	s1 =	sshrl.u32 s1, $0x2  }
0x31: {  	s3 =	sand.u32 $0x4000, s31;
	s1 =	sadd.s32 s1, s30  }
0x32: {  	s0 =	sor.u32 s3, s0;
	s1 =	sshll.u32 s1, $0x11  }
0x33: {  	s0 =	sor.u32 s1, s0  }
0x34: {  	s0 =	sadd.s32 $0x8F2B, s0  }
0x35: {  	[sflag:s0] =	ssyncadd.remote.s32 $0x1  }
0x36: {  	_ =	sfence.sel $0xFFFF  }
0x37: {  	[dreg:$0x0] =	wrdreg $0xFFFFFFFF;
	(pc) =	sbr.abs _section_cstart, $3  }
0x38: {  	[dreg:$0x1] =	wrdreg $0xFFFFFFFF  }
0x39: {  	_ =	task.clear_ibuf [dreg:s7], $0x2FFFF;
	_ =	strace $0x9FFFFFFF  }
0x3a: {  	(tm) =	ssettm $0x7FFFFFFF  }
0x3b: {  	_ =	shalt  }
tec
execute0_lowered:
.L_overlay_start_1:
0x0: {  	(tag) =	ssettag $0x1  }
0x1: {  	s0 =	stileid.u32;
	s1 =	srdreg.scid  }
0x2: {  	s7 =	rddreg [dreg:$0x0];
	s9 =	simm.s32 $0x2;
	s19 =	simm.s32 $0x0  }
0x3: {  	p0 =	por $0x0, $0x0;
	s10 =	simm.s32 $0x400;
	s18 =	simm.s32 $0x0  }
0x4: {  	s20 =	simm.s32 $0x0;
	s11 =	simm.s32 $0x0;
	s12 =	simm.s32 $0x0  }
0x5: {  	s13 =	simm.s32 $0x0;
	s17 =	simm.s32 $0x0;
	s2 =	sshll.u32 s0, $0x5  }
0x6: {  	s3 =	sshll.u32 s0, $0x4;
	s4 =	sshll.u32 s1, $0x8;
	s7 =	sadd.s32 $0x3000, s7  }
0x7: {  	s1 =	sand.u32 $0x80, s2;
	s30 =	sor.u32 s3, s4;
	s4 =	rddreg [dreg:$0x1]  }
0x8: {  	s2 =	rddreg [dreg:$0x2];
	s3 =	sand.u32 $0x180, s30;
	s31 =	ssub.s32 $0x100, s1  }
0x9: {  	s5 =	sshrl.u32 s31, $0x7;
	s6 =	ssub.s32 $0x2700, s3;
	s8 =	sshrl.u32 s31, $0x8  }
.Ltmp0:
0xa: {  	s5 =	sand.u32 $0x1, s5;
	s6 =	sshrl.u32 s6, $0x9;
	(pc) =	sbr.rel .LBB1_1-.Ltmp0, $4  }
0xb: {  	_ =	strace $0x80000050;
	s8 =	sadd.s32 s8, s5;
	s6 =	sadd.s32 $0x1, s6  }
0xc: {  	s15 =	smov.u32 s1;
	s5 =	simm.s32 $0x1;
	s6 =	smul.u32 s8, s6  }
0xd: {  	s14 =	smov.u32 s3;
	[sflag:s5] =	ssyncpa.u1 $0x0;
	s8 =	sand.u32 $0x3, s0  }
0xe: {  	[sflag:s9] =	ssyncpa.u1 $0x0;
	s16 =	smov.u32 s8;
	s9 =	sadd.s32 $0x1, s6  }
.LBB1_4:
0xf: {  	s25 =	sshra.s32 s25, $0x2  }
0x10: {  	p1 =	sgt.s32 s11, $0x2690;
	s26 =	sshra.s32 s11, $0x1F;
	s27 =	smov.u32 s13;
	v5 =	vld [tilespmem:s22+$0xFFFFFFD0]  }
0x11: {  	s29 =	sshra.s32 s13, $0x1F;
	v58 =	vld [tilespmem:s22+$0xFFFFFFE0];
	s24 =	sadd.s32 s25, s24;
	s25 =	smov.u32 s11  }
0x12: {  	v59 =	vld [tilespmem:s22+$0xFFFFFFF0];
	s26 =	sand.u32 s26, s11;
	s25 =	simm.s32 @!p1 $0x2690;
	p1 =	sgt.s32 s13, $0x3  }
0x13: {  	s28 =	smov.u32 s12;
	v60 =	vld [tilespmem:s22+$0x0];
	s25 =	ssub.s32 s25, s26;
	s27 =	simm.s32 @!p1 $0x3  }
0x14: {  	[tilespmem:s23+$0x2040 ss:$0x81] =	vst.msk $0xffff, v4;
	v61 =	vld [tilespmem:s22+$0x10];
	s26 =	sand.u32 s29, s13;
	p1 =	sgt.s32 s12, $0x80;
	s29 =	sshra.s32 s12, $0x1F  }
0x15: {  	[tilespmem:s23+$0x2850 ss:$0x81] =	vst.msk $0xffff, v3;
	v62 =	vld [tilespmem:s22+$0x20];
	s26 =	ssub.s32 s27, s26;
	s28 =	simm.s32 @!p1 $0x80;
	s30 =	sand.u32 s29, s12  }
0x16: {  	[tilespmem:s23+$0x3060 ss:$0x81] =	vst.msk $0xffff, v2;
	v63 =	vld [tilespmem:s22+$0xFFFFFFC0];
	s29 =	sand.u32 $0x78, s12;
	s22 =	ssub.s32 $0x2710, s25;
	s27 =	ssub.s32 s28, s30  }
0x17: {  	[tilespmem:s23+$0x0 ss:$0x81] =	vst.msk $0xffff, v0;
	s31 =	sadd.s32 $0xFFFFFFFD, s26;
	s23 =	ssub.s32 $0x4, s26;
	s30 =	sshll.u32 s13, $0x7  }
0x18: {  	[tilespmem:s24+$0x3870 ss:$0x81] =	vst.msk $0xffff, v1;
	p1 =	sgt.s32 s31, $0x0;
	s28 =	sadd.s32 $0xFFFFFF80, s27;
	s26 =	ssub.s32 $0x100, s27  }
0x19: {  	[tilespmem:s24+$0x810 ss:$0x81] =	vst.msk $0xffff, v5;
	s31 =	sadd.s32 $0xFFFFD970, s25;
	s23 =	simm.s32 @p1 $0x0;
	p1 =	sgt.s32 s28, $0x7F  }
0x1a: {  	[tilespmem:s24+$0x1020 ss:$0x81] =	vst.msk $0xffff, v58;
	s27 =	sand.u32 $0x180, s30;
	s30 =	sand.u32 $0x7, s12;
	s26 =	simm.s32 @p1 $0x0  }
0x1b: {  	[tilespmem:s24+$0x1830 ss:$0x81] =	vst.msk $0xffff, v59;
	p1 =	sgt.s32 s31, $0x7F;
	s23 =	smul.u32 s23, s26;
	s26 =	sshll.u32 s12, $0x2  }
0x1c: {  	[tilespmem:s24+$0x2040 ss:$0x81] =	vst.msk $0xffff, v60;
	s28 =	sor.u32 s29, s27;
	s22 =	simm.s32 @p1 $0x0;
	s25 =	sand.u32 $0x200, s26  }
0x1d: {  	[tilespmem:s24+$0x2850 ss:$0x81] =	vst.msk $0xffff, v61;
	s29 =	sshll.u32 s11, $0x7;
	s22 =	smul.u32 s22, s23;
	s23 =	sor.u32 s25, s28  }
0x1e: {  	[tilespmem:s24+$0x3060 ss:$0x81] =	vst.msk $0xffff, v62;
	s26 =	sadd.s32 s4, s29;
	s25 =	sshll.u32 s30, $0x12;
	s23 =	sshrl.u32 s23, $0x3  }
0x1f: {  	[tilespmem:s24+$0x0 ss:$0x81] =	vst.msk $0xffff, v63;
	s31 =	sor.u32 $0x80, s25;
	s22 =	sand.u32 $0x3FFFFFFF, s22;
	s23 =	sadd.s32 s23, s26  }
0x20: {  	[hbm4b:s23+s31] =	stream.strided.scatter [tilespmem:s21], [sflag:$0x2], s22, s10, s31, $0x20;
	[tilespmem:$0x10100] =	vst v63  }
.LBB1_5:
0x21: {  	p1 =	slt.u32 s17, $0x2;
	s22 =	smov.u32 s20  }
0x22: {  	p2 =	sgt.s32 @!p1 s19, $0x2690;
	s21 =	sshra.s32 @!p1 s19, $0x1F;
	p3 =	sgt.s32 @!p1 s20, $0x3  }
0x23: {  	s23 =	sshra.s32 @!p1 s20, $0x1F;
	p2 =	por !p2, p1;
	s21 =	sand.u32 @!p1 s21, s19  }
0x24: {  	p3 =	por !p3, p1;
	s20 =	sand.u32 @!p1 s23, s20;
	s23 =	sshra.s32 @!p1 s18, $0x1F  }
0x25: {  	s22 =	simm.s32 @p3 $0x3;
	p3 =	sgt.s32 @!p1 s18, $0x80;
	s19 =	simm.s32 @p2 $0x2690  }
0x26: {  	s20 =	ssub.s32 @!p1 s22, s20;
	p3 =	por !p3, p1;
	s22 =	smov.u32 s18  }
0x27: {  	s18 =	sand.u32 @!p1 s23, s18;
	s19 =	ssub.s32 @!p1 s19, s21;
	s22 =	simm.s32 @p3 $0x80  }
0x28: {  	s21 =	sadd.s32 @!p1 $0xFFFFFFFD, s20;
	s20 =	ssub.s32 @!p1 $0x4, s20;
	s18 =	ssub.s32 @!p1 s22, s18  }
0x29: {  	s22 =	sadd.s32 @!p1 $0xFFFFD970, s19;
	p2 =	sgt.s32 @!p1 s21, $0x0;
	s21 =	sadd.s32 @!p1 $0xFFFFFF80, s18  }
0x2a: {  	s19 =	ssub.s32 @!p1 $0x2710, s19;
	p2 =	por !p2, p1;
	p3 =	sgt.s32 @!p1 s21, $0x7F  }
0x2b: {  	s18 =	ssub.s32 @!p1 $0x100, s18;
	s20 =	simm.s32 @!p2 $0x0;
	p2 =	por !p3, p1  }
0x2c: {  	s21 =	sadd.s32 $0x200, s14;
	p3 =	sgt.s32 @!p1 s22, $0x7F;
	s18 =	simm.s32 @!p2 $0x0  }
0x2d: {  	s22 =	smov.u32 s15;
	p2 =	por !p3, p1;
	s18 =	smul.u32 @!p1 s20, s18  }
0x2e: {  	s19 =	simm.s32 @!p2 $0x0;
	p2 =	sgt.s32 s21, $0x270F;
	s20 =	sadd.s32 $0x100, s15  }
0x2f: {  	s23 =	smov.u32 s16;
	s22 =	smov.u32 @p2 s20  }
0x30: {  	s18 =	smul.u32 @!p1 s19, s18;
	p3 =	sgt.s32 s22, $0xFF;
	s19 =	sadd.s32 $0x4, s16  }
0x31: {  	p0 =	por !p0, !p0;
	s24 =	simm.s32 @!p1 $0x2;
	s23 =	smov.u32 @p3 s19  }
0x32: {  	s21 =	smov.u32 @p2 s3;
	s20 =	smov.u32 s13;
	p2 =	sgt.s32 s23, $0x3  }
0x33: {  	s13 =	smov.u32 s16;
	s23 =	smov.u32 @p2 s8;
	p2 =	sne.s32 s17, s9  }
.Ltmp1:
0x34: {  	s22 =	smov.u32 @p3 s1;
	s19 =	smov.u32 s11;
	(pc) =	sbr.rel @!p2 .LBB1_6-.Ltmp1, $4  }
0x35: {  	s11 =	smov.u32 s14;
	s14 =	smov.u32 s21;
	s18 =	sand.u32 @!p1 $0x3FFFFFFF, s18  }
0x36: {  	_ =	swait.ge @!p1 [sflag:s24], s18;
	s25 =	ssub.s32 @!p1 $0x0, s18;
	s18 =	smov.u32 s12  }
0x37: {  	s17 =	sadd.s32 $0x1, s17;
	s12 =	smov.u32 s15;
	[sflag:s24] =	ssyncset.done @!p1 $0x0  }
0x38: {  	s15 =	smov.u32 s22;
	s16 =	smov.u32 s23;
	[sflag:s24] =	ssyncadd.s32 @!p1 s25  }
.LBB1_1:
0x39: {  	p1 =	sge.u32 s17, s6  }
0x3a: {  	s21 =	sshrl.u32 @!p1 s15, $0x3  }
0x3b: {  	s22 =	sshll.u32 @!p1 s14, $0x3;
	s21 =	smul.u32 @!p1 $0x13C00, s21  }
0x3c: {  	s23 =	sshll.u32 @!p1 s15, $0x7;
	s22 =	sand.u32 @!p1 $0xFFFFFC00, s22  }
0x3d: {  	s21 =	sadd.s32 @!p1 s21, s22;
	s22 =	sand.u32 @!p1 $0x380, s23  }
0x3e: {  	s23 =	sand.u32 @!p1 $0x7F, s14;
	s21 =	sor.u32 @!p1 s22, s21  }
0x3f: {  	s22 =	sor.u32 @!p1 s23, s21  }
0x40: {  	s23 =	smulhi.u32 @!p1 $0xCF6474A9, s22  }
0x41: {  	s21 =	smulhi.u32 @!p1 $0xCF6474A9, s21  }
0x42: {  	s23 =	sshrl.u32 @!p1 s23, $0xD  }
0x43: {  	s31 =	sadd.s32 $0xFFFFFFFF, s17;
	s21 =	sshrl.u32 @!p1 s21, $0xD;
	s23 =	smul.u32 @!p1 $0x2780, s23  }
0x44: {  	s24 =	sxor.u32 @!p1 $0xFFFFFFFF, s17;
	s25 =	smul.u32 @!p1 $0x4F000, s16;
	s21 =	sand.u32 @!p1 $0xFF, s21  }
0x45: {  	s24 =	sshll.u32 @!p1 s24, $0xE;
	s21 =	smul.u32 @!p1 $0x4F0, s21;
	s22 =	ssub.s32 @!p1 s22, s23  }
0x46: {  	s23 =	sand.u32 @!p1 $0x4000, s24;
	s24 =	sadd.s32 @!p1 s7, s25;
	s25 =	sand.u32 @!p1 $0x7, s22  }
0x47: {  	s22 =	sshrl.u32 @!p1 s22, $0x3;
	s21 =	sadd.s32 @!p1 s21, s24;
	s24 =	sshll.u32 @!p1 s25, $0x12  }
0x48: {  	s21 =	sadd.s32 @!p1 s22, s21;
	s22 =	sor.u32 @!p1 $0x400, s24;
	s24 =	simm.s32 @!p1 $0x13C00  }
0x49: {  	[tilespmem:s23], [sflag:$0x1] =	stream.strided.gather @!p1 [hbm4b:s21+s22], $0x4000, s24, s22, $0x38;
	[tilespmem:$0x10100] =	vst v63  }
0x4a: {  	p1 =	sge.u32 s31, s6  }
.Ltmp2:
0x4b: {  	_ = 	snop;
	(pc) =	sbr.rel @p1 .LBB1_5-.Ltmp2, $1  }
0x4c: {  	_ =	sdelay $0x3  }
0x4d: {  	s21 =	simm.s32 $0x1  }
0x4e: {  	_ =	swait.ge [sflag:s5], $0x4000;
	s21 =	simm.s32 @!p0 $0x0  }
0x4f: {  	[sflag:s5] =	ssyncset.done $0x0;
	s22 =	sshll.u32 s21, $0xE  }
0x50: {  	[sflag:s5] =	ssyncadd.s32 $0xFFFFC000;
	s22 =	sor.u32 $0x40, s22  }
0x51: {  	s21 =	smul.u32 $0x10200, s21;
	v0 =	vld [tilespmem:s22+$0x30]  }
0x52: {  	v1 =	vld [tilespmem:s22+$0xFFFFFFD0]  }
0x53: {  	s21 =	sshrl.u32 s21, $0x2;
	v5 =	vld [tilespmem:s22+$0xFFFFFFE0]  }
0x54: {  	v6 =	vld [tilespmem:s22+$0xFFFFFFF0];
	s24 =	sor.u32 $0x8000, s21  }
0x55: {  	s31 =	sand.u32 $0x1, s17;
	v4 =	vld [tilespmem:s22+$0x0];
	s23 =	sadd.s32 $0x0, s24  }
0x56: {  	v3 =	vld [tilespmem:s22+$0x10];
	s21 =	smul.u32 $0x10200, s31;
	[tilespmem:s23+$0x3870 ss:$0x81] =	vst.msk $0xffff, v0  }
0x57: {  	v2 =	vld [tilespmem:s22+$0x20];
	[tilespmem:s23+$0x810 ss:$0x81] =	vst.msk $0xffff, v1  }
0x58: {  	s21 =	sshrl.u32 s21, $0x2;
	v0 =	vld [tilespmem:s22+$0xFFFFFFC0];
	[tilespmem:s23+$0x1020 ss:$0x81] =	vst.msk $0xffff, v5;
	s22 =	sadd.s32 $0x80, s22  }
0x59: {  	s25 =	simm.s32 $0x4;
	s26 =	simm.s32 $0x8;
	s21 =	sor.u32 $0x8000, s21;
	[tilespmem:s23+$0x1830 ss:$0x81] =	vst.msk $0xffff, v6;
	v1 =	vld [tilespmem:s22+$0x30]  }
.LBB1_3:
0x5a: {  	p1 =	sne.s32 s26, $0x1FC;
	v5 =	vld [tilespmem:s22+$0xFFFFFFD0];
	[tilespmem:s23+$0x2040 ss:$0x81] =	vst.msk $0xffff, v4  }
0x5b: {  	v6 =	vld [tilespmem:s22+$0xFFFFFFE0];
	[tilespmem:s23+$0x2850 ss:$0x81] =	vst.msk $0xffff, v3  }
0x5c: {  	s27 =	sshra.s32 s25, $0x2;
	s25 =	smov.u32 s26;
	v7 =	vld [tilespmem:s22+$0xFFFFFFF0];
	[tilespmem:s23+$0x3060 ss:$0x81] =	vst.msk $0xffff, v2  }
.Ltmp3:
0x5d: {  	v4 =	vld [tilespmem:s22+$0x0];
	[tilespmem:s23+$0x0 ss:$0x81] =	vst.msk $0xffff, v0;
	s23 =	sadd.s32 s27, s24;
	(pc) =	sbr.rel @p1 .LBB1_3-.Ltmp3, $4  }
0x5e: {  	v3 =	vld [tilespmem:s22+$0x10];
	[tilespmem:s23+$0x3870 ss:$0x81] =	vst.msk $0xffff, v1  }
0x5f: {  	[tilespmem:s23+$0x810 ss:$0x81] =	vst.msk $0xffff, v5;
	v2 =	vld [tilespmem:s22+$0x20]  }
0x60: {  	v0 =	vld [tilespmem:s22+$0xFFFFFFC0];
	[tilespmem:s23+$0x1020 ss:$0x81] =	vst.msk $0xffff, v6;
	s22 =	sadd.s32 $0x80, s22  }
0x61: {  	s26 =	sadd.s32 $0x4, s26;
	v1 =	vld [tilespmem:s22+$0x30];
	[tilespmem:s23+$0x1830 ss:$0x81] =	vst.msk $0xffff, v7  }
.Ltmp4:
0x62: {  	_ = 	snop;
	(pc) =	sbr.rel .LBB1_4-.Ltmp4, $1  }
0x63: {  	_ =	sdelay $0x3  }
.LBB1_6:
0x64: {  	_ =	sfence.sel $0x180000  }
0x65: {  	s1 =	simm.s32 $0x1;
	[bflag:$0x0] =	sbarrier.arrive $0xFFFF  }
0x66: {  	s31 =	simm.s32 $0x2;
	[sflag:s1] =	ssyncpa.u1 $0x1  }
0x67: {  	[sflag:s31] =	ssyncpa.u1 $0x1  }
0x68: {  	p0 =	sne.s32 s0, $0x0;
	_ =	strace $0x90000050  }
0x69: {  	s0 =	sadd.s32 @!p0 $0x100000, s2;
	[bflag:$0x2] =	sbarrier.arrive $0xFFFF  }
0x6a: {  	[sflag:s0] =	ssyncadd.tile.s32 @!p0 $0x1;
	_ =	shalt  }
.Lfunc_end1:
_tile_overlayer_lowered:
.L_overlay_start_2:
0x6b: {  	(tag) =	ssettag $0x2  }
0x6c: {  	s0 =	rddreg [dreg:$0x0];
	s2 =	stileid.u32  }
0x6d: {  	s1 =	rddreg [dreg:$0x1];
	p0 =	sne.s32 s2, $0x0  }
0x6e: {  	s3 =	rddreg [dreg:$0x2];
	[bflag:$0x3] =	sbarrier.arrive $0xFFFF;
	s2 =	simm.s32 @!p0 $0x1C01  }
0x6f: {  	[timem:s3], [sflag:s2] =	dma.local @!p0 [hbm:s0], s1  }
0x70: {  	s0 =	simm.s32 @!p0 $0x1  }
0x71: {  	_ =	swait.ge @!p0 [sflag:s0], s1  }
0x72: {  	s1 =	ssub.s32 @!p0 $0x0, s1;
	[sflag:s0] =	ssyncset.done @!p0 $0x0  }
0x73: {  	[sflag:s0] =	ssyncadd.s32 @!p0 s1  }
0x74: {  	[bflag:$0x3] =	sbarrier.arrive $0xFFFF  }
0x75: {  	_ =	shalt  }

</sc_bundles>
